<compile_context>
chip_gen: v7x
topology: tpu7x:2x2x1
jax: 0.10.2.dev20260603
libtpu: 0.0.44.dev20260713+nightly
codegen_flags: <defaults>
</compile_context>

<pallas_src>
import functools

import jax
import jax.numpy as jnp
from jax import lax
from jax.experimental import pallas as pl
from jax.experimental.pallas import tpu as pltpu
from jax.experimental.pallas import tpu_sc as plsc

NUM_MAPS = 100000
EMBED_DIM = 64
BATCH = 16384

_NC, _NS = 2, 16
_NW = _NC * _NS
_B_PER_W = BATCH // _NW


@functools.partial(
    pl.kernel,
    out_type=jax.ShapeDtypeStruct((BATCH, EMBED_DIM), jnp.float32),
    mesh=plsc.VectorSubcoreMesh(core_axis_name="c", subcore_axis_name="s"),
    scratch_types=[
        pltpu.VMEM((_B_PER_W,), jnp.int32),
        pltpu.VMEM((_B_PER_W, EMBED_DIM), jnp.float32),
        pltpu.SemaphoreType.DMA,
    ],
    compiler_params=pltpu.CompilerParams(needs_layout_passes=False),
)
def _emb_lookup(x_hbm, table_hbm, out_hbm, idx_v, rows_v, sem):
    wid = lax.axis_index("s") * _NC + lax.axis_index("c")
    base = wid * _B_PER_W
    pltpu.sync_copy(x_hbm.at[pl.ds(base, _B_PER_W)], idx_v)

    def fire(w):
        vec = idx_v[pl.ds(w * 16, 16)]
        for k in range(16):
            r = vec[k]
            pltpu.async_copy(
                table_hbm.at[pl.ds(r, 1)], rows_v.at[pl.ds(w * 16 + k, 1)], sem
            )

    def drain_window():
        pltpu.make_async_copy(
            table_hbm.at[pl.ds(0, 16)], rows_v.at[pl.ds(0, 16)], sem
        ).wait()

    _PIPE = 8
    for w in range(_PIPE):
        fire(w)

    def body(w, carry):
        fire(w)
        drain_window()
        return carry

    lax.fori_loop(_PIPE, _B_PER_W // 16, body, 0)
    for _ in range(_PIPE):
        drain_window()
    pltpu.sync_copy(rows_v, out_hbm.at[pl.ds(base, _B_PER_W)])


def kernel(x, table):
    return _emb_lookup(x.astype(jnp.int32), table)

# --- scband reference (transcript-rebuilt; emitter-appended) ---
"""Pipeline reference for scband-map-embedding-45921790329198 (READ-ONLY COPY).

The authoritative reference and input builder live on the scoring server;
editing this copy changes nothing except your own understanding.
"""

import jax, jax.numpy as jnp
import numpy as np

NUM_MAPS = 100000
EMBED_DIM = 64
BATCH = 16384

def setup_inputs(seed: int = 0) -> dict:
    key = jax.random.key(seed)
    k_idx, k_tab = jax.random.split(key)
    x = jax.random.randint(k_idx, (BATCH,), 0, NUM_MAPS, dtype=jnp.int64 if jax.config.read('jax_enable_x64') else jnp.int32)
    table = jax.random.normal(k_tab, (NUM_MAPS, EMBED_DIM), dtype=jnp.float32)
    return {"x": x, "table": table}

def reference(x, table):
    # nn.Embedding lookup; dropout is identity in eval mode (p effectively 0 for reference)
    out = jnp.take(table, x, axis=0)
    return out

if __name__ == "__main__":
    import jax
    _d = setup_inputs()
    print(jax.jit(kernel)(*tuple(_d.values())))

</pallas_src>

<mosaic_0001>
#map = affine_map<(d0, d1) -> (0)>
#map1 = affine_map<(d0, d1) -> (0, 0)>
module attributes {stable_mosaic.version = 14 : i64} {
  func.func @_emb_lookup(%arg0: i32, %arg1: i32, %arg2: memref<16384xi32, #tpu.memory_space<hbm>>, %arg3: memref<100000x64xf32, #tpu.memory_space<hbm>>, %arg4: memref<16384x64xf32, #tpu.memory_space<hbm>>, %arg5: memref<512xi32, #tpu.memory_space<vmem>>, %arg6: memref<512x64xf32, #tpu.memory_space<vmem>>, %arg7: memref<!tpu.dma_semaphore, #tpu.memory_space<semaphore_mem>>) attributes {dimension_semantics = [#tpu.dimension_semantics<core_parallel>, #tpu.dimension_semantics<subcore_parallel>], iteration_bounds = array<i64: 2, 16>, scalar_prefetch = 0 : i64, scratch_operands = 3 : i64, tpu.core_type = #tpu.core_type<sc_vector_subcore>, window_params = [{transform_indices = #map}, {transform_indices = #map1}, {transform_indices = #map1}]} {
    %mul3A = arith.constant 2 : i32
    %mul3A_0 = arith.muli %arg1, %mul3A : i32
    %add3A = arith.addi %mul3A_0, %arg0 : i32
    %mul3A_1 = arith.constant 512 : i32
    %mul3A_2 = arith.muli %add3A, %mul3A_1 : i32
    "tpu.region"() ({
      %run_scoped3A = tpu.sem_alloc : memref<!tpu.dma_semaphore, #tpu.memory_space<semaphore_mem>>
      %dma_start3A_1651 = tpu.memref_slice %arg2[%mul3A_2] : memref<16384xi32, #tpu.memory_space<hbm>> -> memref<512xi32, #tpu.memory_space<hbm>>
      %dma_start3A_1652 = tpu.memref_slice %arg2[%mul3A_2] : memref<16384xi32, #tpu.memory_space<hbm>> -> memref<512xi32, #tpu.memory_space<hbm>>
      tpu.enqueue_dma source(%dma_start3A_1652 : memref<512xi32, #tpu.memory_space<hbm>>) target(%arg5 : memref<512xi32, #tpu.memory_space<vmem>>) target_semaphore(%run_scoped3A : memref<!tpu.dma_semaphore, #tpu.memory_space<semaphore_mem>>)
      %dma_wait3A_1653 = tpu.memref_slice %arg2[%mul3A_2] : memref<16384xi32, #tpu.memory_space<hbm>> -> memref<512xi32, #tpu.memory_space<hbm>>
      %dma_wait3A_1654 = tpu.memref_slice %arg2[%mul3A_2] : memref<16384xi32, #tpu.memory_space<hbm>> -> memref<512xi32, #tpu.memory_space<hbm>>
      tpu.wait_dma2 semaphore(%run_scoped3A : memref<!tpu.dma_semaphore, #tpu.memory_space<semaphore_mem>>) src(%dma_wait3A_1654 : memref<512xi32, #tpu.memory_space<hbm>>) dst(%arg5 : memref<512xi32, #tpu.memory_space<vmem>>)
      tpu.yield
    }) : () -> ()
    %get3A = arith.constant 0 : index
    %get3A_3 = tpu.vector_load %arg5[%get3A] {strides = array<i32>} : memref<512xi32, #tpu.memory_space<vmem>>, vector<16xi32>,
    %slice3A = vector.extract_strided_slice %get3A_3 {offsets = [0], sizes = [1], strides = [1]} : vector<16xi32> to vector<1xi32>
    %squeeze3A = vector.extract %slice3A[0] : i32 from vector<1xi32>
    %dma_start3A = arith.constant 0 : i32
    %dma_start3A_4 = arith.constant 0 : i32
    %dma_start3A_5 = tpu.memref_slice %arg6[%dma_start3A, %dma_start3A_4] : memref<512x64xf32, #tpu.memory_space<vmem>> -> memref<1x64xf32, #tpu.memory_space<vmem>>
    %dma_start3A_6 = arith.constant 0 : i32
    %dma_start3A_7 = tpu.memref_slice %arg3[%squeeze3A, %dma_start3A_6] : memref<100000x64xf32, #tpu.memory_space<hbm>> -> memref<1x64xf32, #tpu.memory_space<hbm>>
    %dma_start3A_8 = arith.constant 0 : i32
    %dma_start3A_9 = arith.constant 0 : i32
    %dma_start3A_10 = tpu.memref_slice %arg6[%dma_start3A_8, %dma_start3A_9] : memref<512x64xf32, #tpu.memory_space<vmem>> -> memref<1x64xf32, #tpu.memory_space<vmem>>
    %dma_start3A_11 = arith.constant 0 : i32
    %dma_start3A_12 = tpu.memref_slice %arg3[%squeeze3A, %dma_start3A_11] : memref<100000x64xf32, #tpu.memory_space<hbm>> -> memref<1x64xf32, #tpu.memory_space<hbm>>
    tpu.enqueue_dma source(%dma_start3A_12 : memref<1x64xf32, #tpu.memory_space<hbm>>) target(%dma_start3A_10 : memref<1x64xf32, #tpu.memory_space<vmem>>) target_semaphore(%arg7 : memref<!tpu.dma_semaphore, #tpu.memory_space<semaphore_mem>>)
    %slice3A_13 = vector.extract_strided_slice %get3A_3 {offsets = [1], sizes = [1], strides = [1]} : vector<16xi32> to vector<1xi32>
    %squeeze3A_14 = vector.extract %slice3A_13[0] : i32 from vector<1xi32>
    %dma_start3A_15 = arith.constant 1 : i32
    %dma_start3A_16 = arith.constant 0 : i32
    %dma_start3A_17 = tpu.memref_slice %arg6[%dma_start3A_15, %dma_start3A_16] : memref<512x64xf32, #tpu.memory_space<vmem>> -> memref<1x64xf32, #tpu.memory_space<vmem>>
    %dma_start3A_18 = arith.constant 0 : i32
    %dma_start3A_19 = tpu.memref_slice %arg3[%squeeze3A_14, %dma_start3A_18] : memref<100000x64xf32, #tpu.memory_space<hbm>> -> memref<1x64xf32, #tpu.memory_space<hbm>>
    %dma_start3A_20 = arith.constant 1 : i32
    %dma_start3A_21 = arith.constant 0 : i32
    %dma_start3A_22 = tpu.memref_slice %arg6[%dma_start3A_20, %dma_start3A_21] : memref<512x64xf32, #tpu.memory_space<vmem>> -> memref<1x64xf32, #tpu.memory_space<vmem>>
    %dma_start3A_23 = arith.constant 0 : i32
    %dma_start3A_24 = tpu.memref_slice %arg3[%squeeze3A_14, %dma_start3A_23] : memref<100000x64xf32, #tpu.memory_space<hbm>> -> memref<1x64xf32, #tpu.memory_space<hbm>>
    tpu.enqueue_dma source(%dma_start3A_24 : memref<1x64xf32, #tpu.memory_space<hbm>>) target(%dma_start3A_22 : memref<1x64xf32, #tpu.memory_space<vmem>>) target_semaphore(%arg7 : memref<!tpu.dma_semaphore, #tpu.memory_space<semaphore_mem>>)
    %slice3A_25 = vector.extract_strided_slice %get3A_3 {offsets = [2], sizes = [1], strides = [1]} : vector<16xi32> to vector<1xi32>
    %squeeze3A_26 = vector.extract %slice3A_25[0] : i32 from vector<1xi32>
    %dma_start3A_27 = arith.constant 2 : i32
    %dma_start3A_28 = arith.constant 0 : i32
    %dma_start3A_29 = tpu.memref_slice %arg6[%dma_start3A_27, %dma_start3A_28] : memref<512x64xf32, #tpu.memory_space<vmem>> -> memref<1x64xf32, #tpu.memory_space<vmem>>
    %dma_start3A_30 = arith.constant 0 : i32
    %dma_start3A_31 = tpu.memref_slice %arg3[%squeeze3A_26, %dma_start3A_30] : memref<100000x64xf32, #tpu.memory_space<hbm>> -> memref<1x64xf32, #tpu.memory_space<hbm>>
    %dma_start3A_32 = arith.constant 2 : i32
    %dma_start3A_33 = arith.constant 0 : i32
    %dma_start3A_34 = tpu.memref_slice %arg6[%dma_start3A_32, %dma_start3A_33] : memref<512x64xf32, #tpu.memory_space<vmem>> -> memref<1x64xf32, #tpu.memory_space<vmem>>
    %dma_start3A_35 = arith.constant 0 : i32
    %dma_start3A_36 = tpu.memref_slice %arg3[%squeeze3A_26, %dma_start3A_35] : memref<100000x64xf32, #tpu.memory_space<hbm>> -> memref<1x64xf32, #tpu.memory_space<hbm>>
    tpu.enqueue_dma source(%dma_start3A_36 : memref<1x64xf32, #tpu.memory_space<hbm>>) target(%dma_start3A_34 : memref<1x64xf32, #tpu.memory_space<vmem>>) target_semaphore(%arg7 : memref<!tpu.dma_semaphore, #tpu.memory_space<semaphore_mem>>)
    %slice3A_37 = vector.extract_strided_slice %get3A_3 {offsets = [3], sizes = [1], strides = [1]} : vector<16xi32> to vector<1xi32>
    %squeeze3A_38 = vector.extract %slice3A_37[0] : i32 from vector<1xi32>
    %dma_start3A_39 = arith.constant 3 : i32
    %dma_start3A_40 = arith.constant 0 : i32
    %dma_start3A_41 = tpu.memref_slice %arg6[%dma_start3A_39, %dma_start3A_40] : memref<512x64xf32, #tpu.memory_space<vmem>> -> memref<1x64xf32, #tpu.memory_space<vmem>>
    %dma_start3A_42 = arith.constant 0 : i32
    %dma_start3A_43 = tpu.memref_slice %arg3[%squeeze3A_38, %dma_start3A_42] : memref<100000x64xf32, #tpu.memory_space<hbm>> -> memref<1x64xf32, #tpu.memory_space<hbm>>
    %dma_start3A_44 = arith.constant 3 : i32
    %dma_start3A_45 = arith.constant 0 : i32
    %dma_start3A_46 = tpu.memref_slice %arg6[%dma_start3A_44, %dma_start3A_45] : memref<512x64xf32, #tpu.memory_space<vmem>> -> memref<1x64xf32, #tpu.memory_space<vmem>>
    %dma_start3A_47 = arith.constant 0 : i32
    %dma_start3A_48 = tpu.memref_slice %arg3[%squeeze3A_38, %dma_start3A_47] : memref<100000x64xf32, #tpu.memory_space<hbm>> -> memref<1x64xf32, #tpu.memory_space<hbm>>
    tpu.enqueue_dma source(%dma_start3A_48 : memref<1x64xf32, #tpu.memory_space<hbm>>) target(%dma_start3A_46 : memref<1x64xf32, #tpu.memory_space<vmem>>) target_semaphore(%arg7 : memref<!tpu.dma_semaphore, #tpu.memory_space<semaphore_mem>>)
    %slice3A_49 = vector.extract_strided_slice %get3A_3 {offsets = [4], sizes = [1], strides = [1]} : vector<16xi32> to vector<1xi32>
    %squeeze3A_50 = vector.extract %slice3A_49[0] : i32 from vector<1xi32>
    %dma_start3A_51 = arith.constant 4 : i32
    %dma_start3A_52 = arith.constant 0 : i32
    %dma_start3A_53 = tpu.memref_slice %arg6[%dma_start3A_51, %dma_start3A_52] : memref<512x64xf32, #tpu.memory_space<vmem>> -> memref<1x64xf32, #tpu.memory_space<vmem>>
    %dma_start3A_54 = arith.constant 0 : i32
    %dma_start3A_55 = tpu.memref_slice %arg3[%squeeze3A_50, %dma_start3A_54] : memref<100000x64xf32, #tpu.memory_space<hbm>> -> memref<1x64xf32, #tpu.memory_space<hbm>>
    %dma_start3A_56 = arith.constant 4 : i32
    %dma_start3A_57 = arith.constant 0 : i32
    %dma_start3A_58 = tpu.memref_slice %arg6[%dma_start3A_56, %dma_start3A_57] : memref<512x64xf32, #tpu.memory_space<vmem>> -> memref<1x64xf32, #tpu.memory_space<vmem>>
    %dma_start3A_59 = arith.constant 0 : i32
    %dma_start3A_60 = tpu.memref_slice %arg3[%squeeze3A_50, %dma_start3A_59] : memref<100000x64xf32, #tpu.memory_space<hbm>> -> memref<1x64xf32, #tpu.memory_space<hbm>>
    tpu.enqueue_dma source(%dma_start3A_60 : memref<1x64xf32, #tpu.memory_space<hbm>>) target(%dma_start3A_58 : memref<1x64xf32, #tpu.memory_space<vmem>>) target_semaphore(%arg7 : memref<!tpu.dma_semaphore, #tpu.memory_space<semaphore_mem>>)
    %slice3A_61 = vector.extract_strided_slice %get3A_3 {offsets = [5], sizes = [1], strides = [1]} : vector<16xi32> to vector<1xi32>
    %squeeze3A_62 = vector.extract %slice3A_61[0] : i32 from vector<1xi32>
    %dma_start3A_63 = arith.constant 5 : i32
    %dma_start3A_64 = arith.constant 0 : i32
    %dma_start3A_65 = tpu.memref_slice %arg6[%dma_start3A_63, %dma_start3A_64] : memref<512x64xf32, #tpu.memory_space<vmem>> -> memref<1x64xf32, #tpu.memory_space<vmem>>
    %dma_start3A_66 = arith.constant 0 : i32
    %dma_start3A_67 = tpu.memref_slice %arg3[%squeeze3A_62, %dma_start3A_66] : memref<100000x64xf32, #tpu.memory_space<hbm>> -> memref<1x64xf32, #tpu.memory_space<hbm>>
    %dma_start3A_68 = arith.constant 5 : i32
    %dma_start3A_69 = arith.constant 0 : i32
    %dma_start3A_70 = tpu.memref_slice %arg6[%dma_start3A_68, %dma_start3A_69] : memref<512x64xf32, #tpu.memory_space<vmem>> -> memref<1x64xf32, #tpu.memory_space<vmem>>
    %dma_start3A_71 = arith.constant 0 : i32
    %dma_start3A_72 = tpu.memref_slice %arg3[%squeeze3A_62, %dma_start3A_71] : memref<100000x64xf32, #tpu.memory_space<hbm>> -> memref<1x64xf32, #tpu.memory_space<hbm>>
    tpu.enqueue_dma source(%dma_start3A_72 : memref<1x64xf32, #tpu.memory_space<hbm>>) target(%dma_start3A_70 : memref<1x64xf32, #tpu.memory_space<vmem>>) target_semaphore(%arg7 : memref<!tpu.dma_semaphore, #tpu.memory_space<semaphore_mem>>)
    %slice3A_73 = vector.extract_strided_slice %get3A_3 {offsets = [6], sizes = [1], strides = [1]} : vector<16xi32> to vector<1xi32>
    %squeeze3A_74 = vector.extract %slice3A_73[0] : i32 from vector<1xi32>
    %dma_start3A_75 = arith.constant 6 : i32
    %dma_start3A_76 = arith.constant 0 : i32
    %dma_start3A_77 = tpu.memref_slice %arg6[%dma_start3A_75, %dma_start3A_76] : memref<512x64xf32, #tpu.memory_space<vmem>> -> memref<1x64xf32, #tpu.memory_space<vmem>>
    %dma_start3A_78 = arith.constant 0 : i32
    %dma_start3A_79 = tpu.memref_slice %arg3[%squeeze3A_74, %dma_start3A_78] : memref<100000x64xf32, #tpu.memory_space<hbm>> -> memref<1x64xf32, #tpu.memory_space<hbm>>
    %dma_start3A_80 = arith.constant 6 : i32
    %dma_start3A_81 = arith.constant 0 : i32
    %dma_start3A_82 = tpu.memref_slice %arg6[%dma_start3A_80, %dma_start3A_81] : memref<512x64xf32, #tpu.memory_space<vmem>> -> memref<1x64xf32, #tpu.memory_space<vmem>>
    %dma_start3A_83 = arith.constant 0 : i32
    %dma_start3A_84 = tpu.memref_slice %arg3[%squeeze3A_74, %dma_start3A_83] : memref<100000x64xf32, #tpu.memory_space<hbm>> -> memref<1x64xf32, #tpu.memory_space<hbm>>
    tpu.enqueue_dma source(%dma_start3A_84 : memref<1x64xf32, #tpu.memory_space<hbm>>) target(%dma_start3A_82 : memref<1x64xf32, #tpu.memory_space<vmem>>) target_semaphore(%arg7 : memref<!tpu.dma_semaphore, #tpu.memory_space<semaphore_mem>>)
    %slice3A_85 = vector.extract_strided_slice %get3A_3 {offsets = [7], sizes = [1], strides = [1]} : vector<16xi32> to vector<1xi32>
    %squeeze3A_86 = vector.extract %slice3A_85[0] : i32 from vector<1xi32>
    %dma_start3A_87 = arith.constant 7 : i32
    %dma_start3A_88 = arith.constant 0 : i32
    %dma_start3A_89 = tpu.memref_slice %arg6[%dma_start3A_87, %dma_start3A_88] : memref<512x64xf32, #tpu.memory_space<vmem>> -> memref<1x64xf32, #tpu.memory_space<vmem>>
    %dma_start3A_90 = arith.constant 0 : i32
    %dma_start3A_91 = tpu.memref_slice %arg3[%squeeze3A_86, %dma_start3A_90] : memref<100000x64xf32, #tpu.memory_space<hbm>> -> memref<1x64xf32, #tpu.memory_space<hbm>>
    %dma_start3A_92 = arith.constant 7 : i32
    %dma_start3A_93 = arith.constant 0 : i32
    %dma_start3A_94 = tpu.memref_slice %arg6[%dma_start3A_92, %dma_start3A_93] : memref<512x64xf32, #tpu.memory_space<vmem>> -> memref<1x64xf32, #tpu.memory_space<vmem>>
    %dma_start3A_95 = arith.constant 0 : i32
    %dma_start3A_96 = tpu.memref_slice %arg3[%squeeze3A_86, %dma_start3A_95] : memref<100000x64xf32, #tpu.memory_space<hbm>> -> memref<1x64xf32, #tpu.memory_space<hbm>>
    tpu.enqueue_dma source(%dma_start3A_96 : memref<1x64xf32, #tpu.memory_space<hbm>>) target(%dma_start3A_94 : memref<1x64xf32, #tpu.memory_space<vmem>>) target_semaphore(%arg7 : memref<!tpu.dma_semaphore, #tpu.memory_space<semaphore_mem>>)
    %slice3A_97 = vector.extract_strided_slice %get3A_3 {offsets = [8], sizes = [1], strides = [1]} : vector<16xi32> to vector<1xi32>
    %squeeze3A_98 = vector.extract %slice3A_97[0] : i32 from vector<1xi32>
    %dma_start3A_99 = arith.constant 8 : i32
    %dma_start3A_100 = arith.constant 0 : i32
    %dma_start3A_101 = tpu.memref_slice %arg6[%dma_start3A_99, %dma_start3A_100] : memref<512x64xf32, #tpu.memory_space<vmem>> -> memref<1x64xf32, #tpu.memory_space<vmem>>
    %dma_start3A_102 = arith.constant 0 : i32
    %dma_start3A_103 = tpu.memref_slice %arg3[%squeeze3A_98, %dma_start3A_102] : memref<100000x64xf32, #tpu.memory_space<hbm>> -> memref<1x64xf32, #tpu.memory_space<hbm>>
    %dma_start3A_104 = arith.constant 8 : i32
    %dma_start3A_105 = arith.constant 0 : i32
    %dma_start3A_106 = tpu.memref_slice %arg6[%dma_start3A_104, %dma_start3A_105] : memref<512x64xf32, #tpu.memory_space<vmem>> -> memref<1x64xf32, #tpu.memory_space<vmem>>
    %dma_start3A_107 = arith.constant 0 : i32
    %dma_start3A_108 = tpu.memref_slice %arg3[%squeeze3A_98, %dma_start3A_107] : memref<100000x64xf32, #tpu.memory_space<hbm>> -> memref<1x64xf32, #tpu.memory_space<hbm>>
    tpu.enqueue_dma source(%dma_start3A_108 : memref<1x64xf32, #tpu.memory_space<hbm>>) target(%dma_start3A_106 : memref<1x64xf32, #tpu.memory_space<vmem>>) target_semaphore(%arg7 : memref<!tpu.dma_semaphore, #tpu.memory_space<semaphore_mem>>)
    %slice3A_109 = vector.extract_strided_slice %get3A_3 {offsets = [9], sizes = [1], strides = [1]} : vector<16xi32> to vector<1xi32>
    %squeeze3A_110 = vector.extract %slice3A_109[0] : i32 from vector<1xi32>
    %dma_start3A_111 = arith.constant 9 : i32
    %dma_start3A_112 = arith.constant 0 : i32
    %dma_start3A_113 = tpu.memref_slice %arg6[%dma_start3A_111, %dma_start3A_112] : memref<512x64xf32, #tpu.memory_space<vmem>> -> memref<1x64xf32, #tpu.memory_space<vmem>>
    %dma_start3A_114 = arith.constant 0 : i32
    %dma_start3A_115 = tpu.memref_slice %arg3[%squeeze3A_110, %dma_start3A_114] : memref<100000x64xf32, #tpu.memory_space<hbm>> -> memref<1x64xf32, #tpu.memory_space<hbm>>
    %dma_start3A_116 = arith.constant 9 : i32
    %dma_start3A_117 = arith.constant 0 : i32
    %dma_start3A_118 = tpu.memref_slice %arg6[%dma_start3A_116, %dma_start3A_117] : memref<512x64xf32, #tpu.memory_space<vmem>> -> memref<1x64xf32, #tpu.memory_space<vmem>>
    %dma_start3A_119 = arith.constant 0 : i32
    %dma_start3A_120 = tpu.memref_slice %arg3[%squeeze3A_110, %dma_start3A_119] : memref<100000x64xf32, #tpu.memory_space<hbm>> -> memref<1x64xf32, #tpu.memory_space<hbm>>
    tpu.enqueue_dma source(%dma_start3A_120 : memref<1x64xf32, #tpu.memory_space<hbm>>) target(%dma_start3A_118 : memref<1x64xf32, #tpu.memory_space<vmem>>) target_semaphore(%arg7 : memref<!tpu.dma_semaphore, #tpu.memory_space<semaphore_mem>>)
    %slice3A_121 = vector.extract_strided_slice %get3A_3 {offsets = [10], sizes = [1], strides = [1]} : vector<16xi32> to vector<1xi32>
    %squeeze3A_122 = vector.extract %slice3A_121[0] : i32 from vector<1xi32>
    %dma_start3A_123 = arith.constant 10 : i32
    %dma_start3A_124 = arith.constant 0 : i32
    %dma_start3A_125 = tpu.memref_slice %arg6[%dma_start3A_123, %dma_start3A_124] : memref<512x64xf32, #tpu.memory_space<vmem>> -> memref<1x64xf32, #tpu.memory_space<vmem>>
    %dma_start3A_126 = arith.constant 0 : i32
    %dma_start3A_127 = tpu.memref_slice %arg3[%squeeze3A_122, %dma_start3A_126] : memref<100000x64xf32, #tpu.memory_space<hbm>> -> memref<1x64xf32, #tpu.memory_space<hbm>>
    %dma_start3A_128 = arith.constant 10 : i32
    %dma_start3A_129 = arith.constant 0 : i32
    %dma_start3A_130 = tpu.memref_slice %arg6[%dma_start3A_128, %dma_start3A_129] : memref<512x64xf32, #tpu.memory_space<vmem>> -> memref<1x64xf32, #tpu.memory_space<vmem>>
    %dma_start3A_131 = arith.constant 0 : i32
    %dma_start3A_132 = tpu.memref_slice %arg3[%squeeze3A_122, %dma_start3A_131] : memref<100000x64xf32, #tpu.memory_space<hbm>> -> memref<1x64xf32, #tpu.memory_space<hbm>>
    tpu.enqueue_dma source(%dma_start3A_132 : memref<1x64xf32, #tpu.memory_space<hbm>>) target(%dma_start3A_130 : memref<1x64xf32, #tpu.memory_space<vmem>>) target_semaphore(%arg7 : memref<!tpu.dma_semaphore, #tpu.memory_space<semaphore_mem>>)
    %slice3A_133 = vector.extract_strided_slice %get3A_3 {offsets = [11], sizes = [1], strides = [1]} : vector<16xi32> to vector<1xi32>
    %squeeze3A_134 = vector.extract %slice3A_133[0] : i32 from vector<1xi32>
    %dma_start3A_135 = arith.constant 11 : i32
    %dma_start3A_136 = arith.constant 0 : i32
    %dma_start3A_137 = tpu.memref_slice %arg6[%dma_start3A_135, %dma_start3A_136] : memref<512x64xf32, #tpu.memory_space<vmem>> -> memref<1x64xf32, #tpu.memory_space<vmem>>
    %dma_start3A_138 = arith.constant 0 : i32
    %dma_start3A_139 = tpu.memref_slice %arg3[%squeeze3A_134, %dma_start3A_138] : memref<100000x64xf32, #tpu.memory_space<hbm>> -> memref<1x64xf32, #tpu.memory_space<hbm>>
    %dma_start3A_140 = arith.constant 11 : i32
    %dma_start3A_141 = arith.constant 0 : i32
    %dma_start3A_142 = tpu.memref_slice %arg6[%dma_start3A_140, %dma_start3A_141] : memref<512x64xf32, #tpu.memory_space<vmem>> -> memref<1x64xf32, #tpu.memory_space<vmem>>
    %dma_start3A_143 = arith.constant 0 : i32
    %dma_start3A_144 = tpu.memref_slice %arg3[%squeeze3A_134, %dma_start3A_143] : memref<100000x64xf32, #tpu.memory_space<hbm>> -> memref<1x64xf32, #tpu.memory_space<hbm>>
    tpu.enqueue_dma source(%dma_start3A_144 : memref<1x64xf32, #tpu.memory_space<hbm>>) target(%dma_start3A_142 : memref<1x64xf32, #tpu.memory_space<vmem>>) target_semaphore(%arg7 : memref<!tpu.dma_semaphore, #tpu.memory_space<semaphore_mem>>)
    %slice3A_145 = vector.extract_strided_slice %get3A_3 {offsets = [12], sizes = [1], strides = [1]} : vector<16xi32> to vector<1xi32>
    %squeeze3A_146 = vector.extract %slice3A_145[0] : i32 from vector<1xi32>
    %dma_start3A_147 = arith.constant 12 : i32
    %dma_start3A_148 = arith.constant 0 : i32
    %dma_start3A_149 = tpu.memref_slice %arg6[%dma_start3A_147, %dma_start3A_148] : memref<512x64xf32, #tpu.memory_space<vmem>> -> memref<1x64xf32, #tpu.memory_space<vmem>>
    %dma_start3A_150 = arith.constant 0 : i32
    %dma_start3A_151 = tpu.memref_slice %arg3[%squeeze3A_146, %dma_start3A_150] : memref<100000x64xf32, #tpu.memory_space<hbm>> -> memref<1x64xf32, #tpu.memory_space<hbm>>
    %dma_start3A_152 = arith.constant 12 : i32
    %dma_start3A_153 = arith.constant 0 : i32
    %dma_start3A_154 = tpu.memref_slice %arg6[%dma_start3A_152, %dma_start3A_153] : memref<512x64xf32, #tpu.memory_space<vmem>> -> memref<1x64xf32, #tpu.memory_space<vmem>>
    %dma_start3A_155 = arith.constant 0 : i32
    %dma_start3A_156 = tpu.memref_slice %arg3[%squeeze3A_146, %dma_start3A_155] : memref<100000x64xf32, #tpu.memory_space<hbm>> -> memref<1x64xf32, #tpu.memory_space<hbm>>
    tpu.enqueue_dma source(%dma_start3A_156 : memref<1x64xf32, #tpu.memory_space<hbm>>) target(%dma_start3A_154 : memref<1x64xf32, #tpu.memory_space<vmem>>) target_semaphore(%arg7 : memref<!tpu.dma_semaphore, #tpu.memory_space<semaphore_mem>>)
    %slice3A_157 = vector.extract_strided_slice %get3A_3 {offsets = [13], sizes = [1], strides = [1]} : vector<16xi32> to vector<1xi32>
    %squeeze3A_158 = vector.extract %slice3A_157[0] : i32 from vector<1xi32>
    %dma_start3A_159 = arith.constant 13 : i32
    %dma_start3A_160 = arith.constant 0 : i32
    %dma_start3A_161 = tpu.memref_slice %arg6[%dma_start3A_159, %dma_start3A_160] : memref<512x64xf32, #tpu.memory_space<vmem>> -> memref<1x64xf32, #tpu.memory_space<vmem>>
    %dma_start3A_162 = arith.constant 0 : i32
    %dma_start3A_163 = tpu.memref_slice %arg3[%squeeze3A_158, %dma_start3A_162] : memref<100000x64xf32, #tpu.memory_space<hbm>> -> memref<1x64xf32, #tpu.memory_space<hbm>>
    %dma_start3A_164 = arith.constant 13 : i32
    %dma_start3A_165 = arith.constant 0 : i32
    %dma_start3A_166 = tpu.memref_slice %arg6[%dma_start3A_164, %dma_start3A_165] : memref<512x64xf32, #tpu.memory_space<vmem>> -> memref<1x64xf32, #tpu.memory_space<vmem>>
    %dma_start3A_167 = arith.constant 0 : i32
    %dma_start3A_168 = tpu.memref_slice %arg3[%squeeze3A_158, %dma_start3A_167] : memref<100000x64xf32, #tpu.memory_space<hbm>> -> memref<1x64xf32, #tpu.memory_space<hbm>>
    tpu.enqueue_dma source(%dma_start3A_168 : memref<1x64xf32, #tpu.memory_space<hbm>>) target(%dma_start3A_166 : memref<1x64xf32, #tpu.memory_space<vmem>>) target_semaphore(%arg7 : memref<!tpu.dma_semaphore, #tpu.memory_space<semaphore_mem>>)
    %slice3A_169 = vector.extract_strided_slice %get3A_3 {offsets = [14], sizes = [1], strides = [1]} : vector<16xi32> to vector<1xi32>
    %squeeze3A_170 = vector.extract %slice3A_169[0] : i32 from vector<1xi32>
    %dma_start3A_171 = arith.constant 14 : i32
    %dma_start3A_172 = arith.constant 0 : i32
    %dma_start3A_173 = tpu.memref_slice %arg6[%dma_start3A_171, %dma_start3A_172] : memref<512x64xf32, #tpu.memory_space<vmem>> -> memref<1x64xf32, #tpu.memory_space<vmem>>
    %dma_start3A_174 = arith.constant 0 : i32
    %dma_start3A_175 = tpu.memref_slice %arg3[%squeeze3A_170, %dma_start3A_174] : memref<100000x64xf32, #tpu.memory_space<hbm>> -> memref<1x64xf32, #tpu.memory_space<hbm>>
    %dma_start3A_176 = arith.constant 14 : i32
    %dma_start3A_177 = arith.constant 0 : i32
    %dma_start3A_178 = tpu.memref_slice %arg6[%dma_start3A_176, %dma_start3A_177] : memref<512x64xf32, #tpu.memory_space<vmem>> -> memref<1x64xf32, #tpu.memory_space<vmem>>
    %dma_start3A_179 = arith.constant 0 : i32
    %dma_start3A_180 = tpu.memref_slice %arg3[%squeeze3A_170, %dma_start3A_179] : memref<100000x64xf32, #tpu.memory_space<hbm>> -> memref<1x64xf32, #tpu.memory_space<hbm>>
    tpu.enqueue_dma source(%dma_start3A_180 : memref<1x64xf32, #tpu.memory_space<hbm>>) target(%dma_start3A_178 : memref<1x64xf32, #tpu.memory_space<vmem>>) target_semaphore(%arg7 : memref<!tpu.dma_semaphore, #tpu.memory_space<semaphore_mem>>)
    %slice3A_181 = vector.extract_strided_slice %get3A_3 {offsets = [15], sizes = [1], strides = [1]} : vector<16xi32> to vector<1xi32>
    %squeeze3A_182 = vector.extract %slice3A_181[0] : i32 from vector<1xi32>
    %dma_start3A_183 = arith.constant 15 : i32
    %dma_start3A_184 = arith.constant 0 : i32
    %dma_start3A_185 = tpu.memref_slice %arg6[%dma_start3A_183, %dma_start3A_184] : memref<512x64xf32, #tpu.memory_space<vmem>> -> memref<1x64xf32, #tpu.memory_space<vmem>>
    %dma_start3A_186 = arith.constant 0 : i32
    %dma_start3A_187 = tpu.memref_slice %arg3[%squeeze3A_182, %dma_start3A_186] : memref<100000x64xf32, #tpu.memory_space<hbm>> -> memref<1x64xf32, #tpu.memory_space<hbm>>
    %dma_start3A_188 = arith.constant 15 : i32
    %dma_start3A_189 = arith.constant 0 : i32
    %dma_start3A_190 = tpu.memref_slice %arg6[%dma_start3A_188, %dma_start3A_189] : memref<512x64xf32, #tpu.memory_space<vmem>> -> memref<1x64xf32, #tpu.memory_space<vmem>>
    %dma_start3A_191 = arith.constant 0 : i32
    %dma_start3A_192 = tpu.memref_slice %arg3[%squeeze3A_182, %dma_start3A_191] : memref<100000x64xf32, #tpu.memory_space<hbm>> -> memref<1x64xf32, #tpu.memory_space<hbm>>
    tpu.enqueue_dma source(%dma_start3A_192 : memref<1x64xf32, #tpu.memory_space<hbm>>) target(%dma_start3A_190 : memref<1x64xf32, #tpu.memory_space<vmem>>) target_semaphore(%arg7 : memref<!tpu.dma_semaphore, #tpu.memory_space<semaphore_mem>>)
    %get3A_193 = arith.constant 16 : index
    %get3A_194 = tpu.vector_load %arg5[%get3A_193] {strides = array<i32>} : memref<512xi32, #tpu.memory_space<vmem>>, vector<16xi32>,
    %slice3A_195 = vector.extract_strided_slice %get3A_194 {offsets = [0], sizes = [1], strides = [1]} : vector<16xi32> to vector<1xi32>
    %squeeze3A_196 = vector.extract %slice3A_195[0] : i32 from vector<1xi32>
    %dma_start3A_197 = arith.constant 16 : i32
    %dma_start3A_198 = arith.constant 0 : i32
    %dma_start3A_199 = tpu.memref_slice %arg6[%dma_start3A_197, %dma_start3A_198] : memref<512x64xf32, #tpu.memory_space<vmem>> -> memref<1x64xf32, #tpu.memory_space<vmem>>
    %dma_start3A_200 = arith.constant 0 : i32
    %dma_start3A_201 = tpu.memref_slice %arg3[%squeeze3A_196, %dma_start3A_200] : memref<100000x64xf32, #tpu.memory_space<hbm>> -> memref<1x64xf32, #tpu.memory_space<hbm>>
    %dma_start3A_202 = arith.constant 16 : i32
    %dma_start3A_203 = arith.constant 0 : i32
    %dma_start3A_204 = tpu.memref_slice %arg6[%dma_start3A_202, %dma_start3A_203] : memref<512x64xf32, #tpu.memory_space<vmem>> -> memref<1x64xf32, #tpu.memory_space<vmem>>
    %dma_start3A_205 = arith.constant 0 : i32
    %dma_start3A_206 = tpu.memref_slice %arg3[%squeeze3A_196, %dma_start3A_205] : memref<100000x64xf32, #tpu.memory_space<hbm>> -> memref<1x64xf32, #tpu.memory_space<hbm>>
    tpu.enqueue_dma source(%dma_start3A_206 : memref<1x64xf32, #tpu.memory_space<hbm>>) target(%dma_start3A_204 : memref<1x64xf32, #tpu.memory_space<vmem>>) target_semaphore(%arg7 : memref<!tpu.dma_semaphore, #tpu.memory_space<semaphore_mem>>)
    %slice3A_207 = vector.extract_strided_slice %get3A_194 {offsets = [1], sizes = [1], strides = [1]} : vector<16xi32> to vector<1xi32>
    %squeeze3A_208 = vector.extract %slice3A_207[0] : i32 from vector<1xi32>
    %dma_start3A_209 = arith.constant 17 : i32
    %dma_start3A_210 = arith.constant 0 : i32
    %dma_start3A_211 = tpu.memref_slice %arg6[%dma_start3A_209, %dma_start3A_210] : memref<512x64xf32, #tpu.memory_space<vmem>> -> memref<1x64xf32, #tpu.memory_space<vmem>>
    %dma_start3A_212 = arith.constant 0 : i32
    %dma_start3A_213 = tpu.memref_slice %arg3[%squeeze3A_208, %dma_start3A_212] : memref<100000x64xf32, #tpu.memory_space<hbm>> -> memref<1x64xf32, #tpu.memory_space<hbm>>
    %dma_start3A_214 = arith.constant 17 : i32
    %dma_start3A_215 = arith.constant 0 : i32
    %dma_start3A_216 = tpu.memref_slice %arg6[%dma_start3A_214, %dma_start3A_215] : memref<512x64xf32, #tpu.memory_space<vmem>> -> memref<1x64xf32, #tpu.memory_space<vmem>>
    %dma_start3A_217 = arith.constant 0 : i32
    %dma_start3A_218 = tpu.memref_slice %arg3[%squeeze3A_208, %dma_start3A_217] : memref<100000x64xf32, #tpu.memory_space<hbm>> -> memref<1x64xf32, #tpu.memory_space<hbm>>
    tpu.enqueue_dma source(%dma_start3A_218 : memref<1x64xf32, #tpu.memory_space<hbm>>) target(%dma_start3A_216 : memref<1x64xf32, #tpu.memory_space<vmem>>) target_semaphore(%arg7 : memref<!tpu.dma_semaphore, #tpu.memory_space<semaphore_mem>>)
    %slice3A_219 = vector.extract_strided_slice %get3A_194 {offsets = [2], sizes = [1], strides = [1]} : vector<16xi32> to vector<1xi32>
    %squeeze3A_220 = vector.extract %slice3A_219[0] : i32 from vector<1xi32>
    %dma_start3A_221 = arith.constant 18 : i32
    %dma_start3A_222 = arith.constant 0 : i32
    %dma_start3A_223 = tpu.memref_slice %arg6[%dma_start3A_221, %dma_start3A_222] : memref<512x64xf32, #tpu.memory_space<vmem>> -> memref<1x64xf32, #tpu.memory_space<vmem>>
    %dma_start3A_224 = arith.constant 0 : i32
    %dma_start3A_225 = tpu.memref_slice %arg3[%squeeze3A_220, %dma_start3A_224] : memref<100000x64xf32, #tpu.memory_space<hbm>> -> memref<1x64xf32, #tpu.memory_space<hbm>>
    %dma_start3A_226 = arith.constant 18 : i32
    %dma_start3A_227 = arith.constant 0 : i32
    %dma_start3A_228 = tpu.memref_slice %arg6[%dma_start3A_226, %dma_start3A_227] : memref<512x64xf32, #tpu.memory_space<vmem>> -> memref<1x64xf32, #tpu.memory_space<vmem>>
    %dma_start3A_229 = arith.constant 0 : i32
    %dma_start3A_230 = tpu.memref_slice %arg3[%squeeze3A_220, %dma_start3A_229] : memref<100000x64xf32, #tpu.memory_space<hbm>> -> memref<1x64xf32, #tpu.memory_space<hbm>>
    tpu.enqueue_dma source(%dma_start3A_230 : memref<1x64xf32, #tpu.memory_space<hbm>>) target(%dma_start3A_228 : memref<1x64xf32, #tpu.memory_space<vmem>>) target_semaphore(%arg7 : memref<!tpu.dma_semaphore, #tpu.memory_space<semaphore_mem>>)
    %slice3A_231 = vector.extract_strided_slice %get3A_194 {offsets = [3], sizes = [1], strides = [1]} : vector<16xi32> to vector<1xi32>
    %squeeze3A_232 = vector.extract %slice3A_231[0] : i32 from vector<1xi32>
    %dma_start3A_233 = arith.constant 19 : i32
    %dma_start3A_234 = arith.constant 0 : i32
    %dma_start3A_235 = tpu.memref_slice %arg6[%dma_start3A_233, %dma_start3A_234] : memref<512x64xf32, #tpu.memory_space<vmem>> -> memref<1x64xf32, #tpu.memory_space<vmem>>
    %dma_start3A_236 = arith.constant 0 : i32
    %dma_start3A_237 = tpu.memref_slice %arg3[%squeeze3A_232, %dma_start3A_236] : memref<100000x64xf32, #tpu.memory_space<hbm>> -> memref<1x64xf32, #tpu.memory_space<hbm>>
    %dma_start3A_238 = arith.constant 19 : i32
    %dma_start3A_239 = arith.constant 0 : i32
    %dma_start3A_240 = tpu.memref_slice %arg6[%dma_start3A_238, %dma_start3A_239] : memref<512x64xf32, #tpu.memory_space<vmem>> -> memref<1x64xf32, #tpu.memory_space<vmem>>
    %dma_start3A_241 = arith.constant 0 : i32
    %dma_start3A_242 = tpu.memref_slice %arg3[%squeeze3A_232, %dma_start3A_241] : memref<100000x64xf32, #tpu.memory_space<hbm>> -> memref<1x64xf32, #tpu.memory_space<hbm>>
    tpu.enqueue_dma source(%dma_start3A_242 : memref<1x64xf32, #tpu.memory_space<hbm>>) target(%dma_start3A_240 : memref<1x64xf32, #tpu.memory_space<vmem>>) target_semaphore(%arg7 : memref<!tpu.dma_semaphore, #tpu.memory_space<semaphore_mem>>)
    %slice3A_243 = vector.extract_strided_slice %get3A_194 {offsets = [4], sizes = [1], strides = [1]} : vector<16xi32> to vector<1xi32>
    %squeeze3A_244 = vector.extract %slice3A_243[0] : i32 from vector<1xi32>
    %dma_start3A_245 = arith.constant 20 : i32
    %dma_start3A_246 = arith.constant 0 : i32
    %dma_start3A_247 = tpu.memref_slice %arg6[%dma_start3A_245, %dma_start3A_246] : memref<512x64xf32, #tpu.memory_space<vmem>> -> memref<1x64xf32, #tpu.memory_space<vmem>>
    %dma_start3A_248 = arith.constant 0 : i32
    %dma_start3A_249 = tpu.memref_slice %arg3[%squeeze3A_244, %dma_start3A_248] : memref<100000x64xf32, #tpu.memory_space<hbm>> -> memref<1x64xf32, #tpu.memory_space<hbm>>
    %dma_start3A_250 = arith.constant 20 : i32
    %dma_start3A_251 = arith.constant 0 : i32
    %dma_start3A_252 = tpu.memref_slice %arg6[%dma_start3A_250, %dma_start3A_251] : memref<512x64xf32, #tpu.memory_space<vmem>> -> memref<1x64xf32, #tpu.memory_space<vmem>>
    %dma_start3A_253 = arith.constant 0 : i32
    %dma_start3A_254 = tpu.memref_slice %arg3[%squeeze3A_244, %dma_start3A_253] : memref<100000x64xf32, #tpu.memory_space<hbm>> -> memref<1x64xf32, #tpu.memory_space<hbm>>
    tpu.enqueue_dma source(%dma_start3A_254 : memref<1x64xf32, #tpu.memory_space<hbm>>) target(%dma_start3A_252 : memref<1x64xf32, #tpu.memory_space<vmem>>) target_semaphore(%arg7 : memref<!tpu.dma_semaphore, #tpu.memory_space<semaphore_mem>>)
    %slice3A_255 = vector.extract_strided_slice %get3A_194 {offsets = [5], sizes = [1], strides = [1]} : vector<16xi32> to vector<1xi32>
    %squeeze3A_256 = vector.extract %slice3A_255[0] : i32 from vector<1xi32>
    %dma_start3A_257 = arith.constant 21 : i32
    %dma_start3A_258 = arith.constant 0 : i32
    %dma_start3A_259 = tpu.memref_slice %arg6[%dma_start3A_257, %dma_start3A_258] : memref<512x64xf32, #tpu.memory_space<vmem>> -> memref<1x64xf32, #tpu.memory_space<vmem>>
    %dma_start3A_260 = arith.constant 0 : i32
    %dma_start3A_261 = tpu.memref_slice %arg3[%squeeze3A_256, %dma_start3A_260] : memref<100000x64xf32, #tpu.memory_space<hbm>> -> memref<1x64xf32, #tpu.memory_space<hbm>>
    %dma_start3A_262 = arith.constant 21 : i32
    %dma_start3A_263 = arith.constant 0 : i32
    %dma_start3A_264 = tpu.memref_slice %arg6[%dma_start3A_262, %dma_start3A_263] : memref<512x64xf32, #tpu.memory_space<vmem>> -> memref<1x64xf32, #tpu.memory_space<vmem>>
    %dma_start3A_265 = arith.constant 0 : i32
    %dma_start3A_266 = tpu.memref_slice %arg3[%squeeze3A_256, %dma_start3A_265] : memref<100000x64xf32, #tpu.memory_space<hbm>> -> memref<1x64xf32, #tpu.memory_space<hbm>>
    tpu.enqueue_dma source(%dma_start3A_266 : memref<1x64xf32, #tpu.memory_space<hbm>>) target(%dma_start3A_264 : memref<1x64xf32, #tpu.memory_space<vmem>>) target_semaphore(%arg7 : memref<!tpu.dma_semaphore, #tpu.memory_space<semaphore_mem>>)
    %slice3A_267 = vector.extract_strided_slice %get3A_194 {offsets = [6], sizes = [1], strides = [1]} : vector<16xi32> to vector<1xi32>
    %squeeze3A_268 = vector.extract %slice3A_267[0] : i32 from vector<1xi32>
    %dma_start3A_269 = arith.constant 22 : i32
    %dma_start3A_270 = arith.constant 0 : i32
    %dma_start3A_271 = tpu.memref_slice %arg6[%dma_start3A_269, %dma_start3A_270] : memref<512x64xf32, #tpu.memory_space<vmem>> -> memref<1x64xf32, #tpu.memory_space<vmem>>
    %dma_start3A_272 = arith.constant 0 : i32
    %dma_start3A_273 = tpu.memref_slice %arg3[%squeeze3A_268, %dma_start3A_272] : memref<100000x64xf32, #tpu.memory_space<hbm>> -> memref<1x64xf32, #tpu.memory_space<hbm>>
    %dma_start3A_274 = arith.constant 22 : i32
    %dma_start3A_275 = arith.constant 0 : i32
    %dma_start3A_276 = tpu.memref_slice %arg6[%dma_start3A_274, %dma_start3A_275] : memref<512x64xf32, #tpu.memory_space<vmem>> -> memref<1x64xf32, #tpu.memory_space<vmem>>
    %dma_start3A_277 = arith.constant 0 : i32
    %dma_start3A_278 = tpu.memref_slice %arg3[%squeeze3A_268, %dma_start3A_277] : memref<100000x64xf32, #tpu.memory_space<hbm>> -> memref<1x64xf32, #tpu.memory_space<hbm>>
    tpu.enqueue_dma source(%dma_start3A_278 : memref<1x64xf32, #tpu.memory_space<hbm>>) target(%dma_start3A_276 : memref<1x64xf32, #tpu.memory_space<vmem>>) target_semaphore(%arg7 : memref<!tpu.dma_semaphore, #tpu.memory_space<semaphore_mem>>)
    %slice3A_279 = vector.extract_strided_slice %get3A_194 {offsets = [7], sizes = [1], strides = [1]} : vector<16xi32> to vector<1xi32>
    %squeeze3A_280 = vector.extract %slice3A_279[0] : i32 from vector<1xi32>
    %dma_start3A_281 = arith.constant 23 : i32
    %dma_start3A_282 = arith.constant 0 : i32
    %dma_start3A_283 = tpu.memref_slice %arg6[%dma_start3A_281, %dma_start3A_282] : memref<512x64xf32, #tpu.memory_space<vmem>> -> memref<1x64xf32, #tpu.memory_space<vmem>>
    %dma_start3A_284 = arith.constant 0 : i32
    %dma_start3A_285 = tpu.memref_slice %arg3[%squeeze3A_280, %dma_start3A_284] : memref<100000x64xf32, #tpu.memory_space<hbm>> -> memref<1x64xf32, #tpu.memory_space<hbm>>
    %dma_start3A_286 = arith.constant 23 : i32
    %dma_start3A_287 = arith.constant 0 : i32
    %dma_start3A_288 = tpu.memref_slice %arg6[%dma_start3A_286, %dma_start3A_287] : memref<512x64xf32, #tpu.memory_space<vmem>> -> memref<1x64xf32, #tpu.memory_space<vmem>>
    %dma_start3A_289 = arith.constant 0 : i32
    %dma_start3A_290 = tpu.memref_slice %arg3[%squeeze3A_280, %dma_start3A_289] : memref<100000x64xf32, #tpu.memory_space<hbm>> -> memref<1x64xf32, #tpu.memory_space<hbm>>
    tpu.enqueue_dma source(%dma_start3A_290 : memref<1x64xf32, #tpu.memory_space<hbm>>) target(%dma_start3A_288 : memref<1x64xf32, #tpu.memory_space<vmem>>) target_semaphore(%arg7 : memref<!tpu.dma_semaphore, #tpu.memory_space<semaphore_mem>>)
    %slice3A_291 = vector.extract_strided_slice %get3A_194 {offsets = [8], sizes = [1], strides = [1]} : vector<16xi32> to vector<1xi32>
    %squeeze3A_292 = vector.extract %slice3A_291[0] : i32 from vector<1xi32>
    %dma_start3A_293 = arith.constant 24 : i32
    %dma_start3A_294 = arith.constant 0 : i32
    %dma_start3A_295 = tpu.memref_slice %arg6[%dma_start3A_293, %dma_start3A_294] : memref<512x64xf32, #tpu.memory_space<vmem>> -> memref<1x64xf32, #tpu.memory_space<vmem>>
    %dma_start3A_296 = arith.constant 0 : i32
    %dma_start3A_297 = tpu.memref_slice %arg3[%squeeze3A_292, %dma_start3A_296] : memref<100000x64xf32, #tpu.memory_space<hbm>> -> memref<1x64xf32, #tpu.memory_space<hbm>>
    %dma_start3A_298 = arith.constant 24 : i32
    %dma_start3A_299 = arith.constant 0 : i32
    %dma_start3A_300 = tpu.memref_slice %arg6[%dma_start3A_298, %dma_start3A_299] : memref<512x64xf32, #tpu.memory_space<vmem>> -> memref<1x64xf32, #tpu.memory_space<vmem>>
    %dma_start3A_301 = arith.constant 0 : i32
    %dma_start3A_302 = tpu.memref_slice %arg3[%squeeze3A_292, %dma_start3A_301] : memref<100000x64xf32, #tpu.memory_space<hbm>> -> memref<1x64xf32, #tpu.memory_space<hbm>>
    tpu.enqueue_dma source(%dma_start3A_302 : memref<1x64xf32, #tpu.memory_space<hbm>>) target(%dma_start3A_300 : memref<1x64xf32, #tpu.memory_space<vmem>>) target_semaphore(%arg7 : memref<!tpu.dma_semaphore, #tpu.memory_space<semaphore_mem>>)
    %slice3A_303 = vector.extract_strided_slice %get3A_194 {offsets = [9], sizes = [1], strides = [1]} : vector<16xi32> to vector<1xi32>
    %squeeze3A_304 = vector.extract %slice3A_303[0] : i32 from vector<1xi32>
    %dma_start3A_305 = arith.constant 25 : i32
    %dma_start3A_306 = arith.constant 0 : i32
    %dma_start3A_307 = tpu.memref_slice %arg6[%dma_start3A_305, %dma_start3A_306] : memref<512x64xf32, #tpu.memory_space<vmem>> -> memref<1x64xf32, #tpu.memory_space<vmem>>
    %dma_start3A_308 = arith.constant 0 : i32
    %dma_start3A_309 = tpu.memref_slice %arg3[%squeeze3A_304, %dma_start3A_308] : memref<100000x64xf32, #tpu.memory_space<hbm>> -> memref<1x64xf32, #tpu.memory_space<hbm>>
    %dma_start3A_310 = arith.constant 25 : i32
    %dma_start3A_311 = arith.constant 0 : i32
    %dma_start3A_312 = tpu.memref_slice %arg6[%dma_start3A_310, %dma_start3A_311] : memref<512x64xf32, #tpu.memory_space<vmem>> -> memref<1x64xf32, #tpu.memory_space<vmem>>
    %dma_start3A_313 = arith.constant 0 : i32
    %dma_start3A_314 = tpu.memref_slice %arg3[%squeeze3A_304, %dma_start3A_313] : memref<100000x64xf32, #tpu.memory_space<hbm>> -> memref<1x64xf32, #tpu.memory_space<hbm>>
    tpu.enqueue_dma source(%dma_start3A_314 : memref<1x64xf32, #tpu.memory_space<hbm>>) target(%dma_start3A_312 : memref<1x64xf32, #tpu.memory_space<vmem>>) target_semaphore(%arg7 : memref<!tpu.dma_semaphore, #tpu.memory_space<semaphore_mem>>)
    %slice3A_315 = vector.extract_strided_slice %get3A_194 {offsets = [10], sizes = [1], strides = [1]} : vector<16xi32> to vector<1xi32>
    %squeeze3A_316 = vector.extract %slice3A_315[0] : i32 from vector<1xi32>
    %dma_start3A_317 = arith.constant 26 : i32
    %dma_start3A_318 = arith.constant 0 : i32
    %dma_start3A_319 = tpu.memref_slice %arg6[%dma_start3A_317, %dma_start3A_318] : memref<512x64xf32, #tpu.memory_space<vmem>> -> memref<1x64xf32, #tpu.memory_space<vmem>>
    %dma_start3A_320 = arith.constant 0 : i32
    %dma_start3A_321 = tpu.memref_slice %arg3[%squeeze3A_316, %dma_start3A_320] : memref<100000x64xf32, #tpu.memory_space<hbm>> -> memref<1x64xf32, #tpu.memory_space<hbm>>
    %dma_start3A_322 = arith.constant 26 : i32
    %dma_start3A_323 = arith.constant 0 : i32
    %dma_start3A_324 = tpu.memref_slice %arg6[%dma_start3A_322, %dma_start3A_323] : memref<512x64xf32, #tpu.memory_space<vmem>> -> memref<1x64xf32, #tpu.memory_space<vmem>>
    %dma_start3A_325 = arith.constant 0 : i32
    %dma_start3A_326 = tpu.memref_slice %arg3[%squeeze3A_316, %dma_start3A_325] : memref<100000x64xf32, #tpu.memory_space<hbm>> -> memref<1x64xf32, #tpu.memory_space<hbm>>
    tpu.enqueue_dma source(%dma_start3A_326 : memref<1x64xf32, #tpu.memory_space<hbm>>) target(%dma_start3A_324 : memref<1x64xf32, #tpu.memory_space<vmem>>) target_semaphore(%arg7 : memref<!tpu.dma_semaphore, #tpu.memory_space<semaphore_mem>>)
    %slice3A_327 = vector.extract_strided_slice %get3A_194 {offsets = [11], sizes = [1], strides = [1]} : vector<16xi32> to vector<1xi32>
    %squeeze3A_328 = vector.extract %slice3A_327[0] : i32 from vector<1xi32>
    %dma_start3A_329 = arith.constant 27 : i32
    %dma_start3A_330 = arith.constant 0 : i32
    %dma_start3A_331 = tpu.memref_slice %arg6[%dma_start3A_329, %dma_start3A_330] : memref<512x64xf32, #tpu.memory_space<vmem>> -> memref<1x64xf32, #tpu.memory_space<vmem>>
    %dma_start3A_332 = arith.constant 0 : i32
    %dma_start3A_333 = tpu.memref_slice %arg3[%squeeze3A_328, %dma_start3A_332] : memref<100000x64xf32, #tpu.memory_space<hbm>> -> memref<1x64xf32, #tpu.memory_space<hbm>>
    %dma_start3A_334 = arith.constant 27 : i32
    %dma_start3A_335 = arith.constant 0 : i32
    %dma_start3A_336 = tpu.memref_slice %arg6[%dma_start3A_334, %dma_start3A_335] : memref<512x64xf32, #tpu.memory_space<vmem>> -> memref<1x64xf32, #tpu.memory_space<vmem>>
    %dma_start3A_337 = arith.constant 0 : i32
    %dma_start3A_338 = tpu.memref_slice %arg3[%squeeze3A_328, %dma_start3A_337] : memref<100000x64xf32, #tpu.memory_space<hbm>> -> memref<1x64xf32, #tpu.memory_space<hbm>>
    tpu.enqueue_dma source(%dma_start3A_338 : memref<1x64xf32, #tpu.memory_space<hbm>>) target(%dma_start3A_336 : memref<1x64xf32, #tpu.memory_space<vmem>>) target_semaphore(%arg7 : memref<!tpu.dma_semaphore, #tpu.memory_space<semaphore_mem>>)
    %slice3A_339 = vector.extract_strided_slice %get3A_194 {offsets = [12], sizes = [1], strides = [1]} : vector<16xi32> to vector<1xi32>
    %squeeze3A_340 = vector.extract %slice3A_339[0] : i32 from vector<1xi32>
    %dma_start3A_341 = arith.constant 28 : i32
    %dma_start3A_342 = arith.constant 0 : i32
    %dma_start3A_343 = tpu.memref_slice %arg6[%dma_start3A_341, %dma_start3A_342] : memref<512x64xf32, #tpu.memory_space<vmem>> -> memref<1x64xf32, #tpu.memory_space<vmem>>
    %dma_start3A_344 = arith.constant 0 : i32
    %dma_start3A_345 = tpu.memref_slice %arg3[%squeeze3A_340, %dma_start3A_344] : memref<100000x64xf32, #tpu.memory_space<hbm>> -> memref<1x64xf32, #tpu.memory_space<hbm>>
    %dma_start3A_346 = arith.constant 28 : i32
    %dma_start3A_347 = arith.constant 0 : i32
    %dma_start3A_348 = tpu.memref_slice %arg6[%dma_start3A_346, %dma_start3A_347] : memref<512x64xf32, #tpu.memory_space<vmem>> -> memref<1x64xf32, #tpu.memory_space<vmem>>
    %dma_start3A_349 = arith.constant 0 : i32
    %dma_start3A_350 = tpu.memref_slice %arg3[%squeeze3A_340, %dma_start3A_349] : memref<100000x64xf32, #tpu.memory_space<hbm>> -> memref<1x64xf32, #tpu.memory_space<hbm>>
    tpu.enqueue_dma source(%dma_start3A_350 : memref<1x64xf32, #tpu.memory_space<hbm>>) target(%dma_start3A_348 : memref<1x64xf32, #tpu.memory_space<vmem>>) target_semaphore(%arg7 : memref<!tpu.dma_semaphore, #tpu.memory_space<semaphore_mem>>)
    %slice3A_351 = vector.extract_strided_slice %get3A_194 {offsets = [13], sizes = [1], strides = [1]} : vector<16xi32> to vector<1xi32>
    %squeeze3A_352 = vector.extract %slice3A_351[0] : i32 from vector<1xi32>
    %dma_start3A_353 = arith.constant 29 : i32
    %dma_start3A_354 = arith.constant 0 : i32
    %dma_start3A_355 = tpu.memref_slice %arg6[%dma_start3A_353, %dma_start3A_354] : memref<512x64xf32, #tpu.memory_space<vmem>> -> memref<1x64xf32, #tpu.memory_space<vmem>>
    %dma_start3A_356 = arith.constant 0 : i32
    %dma_start3A_357 = tpu.memref_slice %arg3[%squeeze3A_352, %dma_start3A_356] : memref<100000x64xf32, #tpu.memory_space<hbm>> -> memref<1x64xf32, #tpu.memory_space<hbm>>
    %dma_start3A_358 = arith.constant 29 : i32
    %dma_start3A_359 = arith.constant 0 : i32
    %dma_start3A_360 = tpu.memref_slice %arg6[%dma_start3A_358, %dma_start3A_359] : memref<512x64xf32, #tpu.memory_space<vmem>> -> memref<1x64xf32, #tpu.memory_space<vmem>>
    %dma_start3A_361 = arith.constant 0 : i32
    %dma_start3A_362 = tpu.memref_slice %arg3[%squeeze3A_352, %dma_start3A_361] : memref<100000x64xf32, #tpu.memory_space<hbm>> -> memref<1x64xf32, #tpu.memory_space<hbm>>
    tpu.enqueue_dma source(%dma_start3A_362 : memref<1x64xf32, #tpu.memory_space<hbm>>) target(%dma_start3A_360 : memref<1x64xf32, #tpu.memory_space<vmem>>) target_semaphore(%arg7 : memref<!tpu.dma_semaphore, #tpu.memory_space<semaphore_mem>>)
    %slice3A_363 = vector.extract_strided_slice %get3A_194 {offsets = [14], sizes = [1], strides = [1]} : vector<16xi32> to vector<1xi32>
    %squeeze3A_364 = vector.extract %slice3A_363[0] : i32 from vector<1xi32>
    %dma_start3A_365 = arith.constant 30 : i32
    %dma_start3A_366 = arith.constant 0 : i32
    %dma_start3A_367 = tpu.memref_slice %arg6[%dma_start3A_365, %dma_start3A_366] : memref<512x64xf32, #tpu.memory_space<vmem>> -> memref<1x64xf32, #tpu.memory_space<vmem>>
    %dma_start3A_368 = arith.constant 0 : i32
    %dma_start3A_369 = tpu.memref_slice %arg3[%squeeze3A_364, %dma_start3A_368] : memref<100000x64xf32, #tpu.memory_space<hbm>> -> memref<1x64xf32, #tpu.memory_space<hbm>>
    %dma_start3A_370 = arith.constant 30 : i32
    %dma_start3A_371 = arith.constant 0 : i32
    %dma_start3A_372 = tpu.memref_slice %arg6[%dma_start3A_370, %dma_start3A_371] : memref<512x64xf32, #tpu.memory_space<vmem>> -> memref<1x64xf32, #tpu.memory_space<vmem>>
    %dma_start3A_373 = arith.constant 0 : i32
    %dma_start3A_374 = tpu.memref_slice %arg3[%squeeze3A_364, %dma_start3A_373] : memref<100000x64xf32, #tpu.memory_space<hbm>> -> memref<1x64xf32, #tpu.memory_space<hbm>>
    tpu.enqueue_dma source(%dma_start3A_374 : memref<1x64xf32, #tpu.memory_space<hbm>>) target(%dma_start3A_372 : memref<1x64xf32, #tpu.memory_space<vmem>>) target_semaphore(%arg7 : memref<!tpu.dma_semaphore, #tpu.memory_space<semaphore_mem>>)
    %slice3A_375 = vector.extract_strided_slice %get3A_194 {offsets = [15], sizes = [1], strides = [1]} : vector<16xi32> to vector<1xi32>
    %squeeze3A_376 = vector.extract %slice3A_375[0] : i32 from vector<1xi32>
    %dma_start3A_377 = arith.constant 31 : i32
    %dma_start3A_378 = arith.constant 0 : i32
    %dma_start3A_379 = tpu.memref_slice %arg6[%dma_start3A_377, %dma_start3A_378] : memref<512x64xf32, #tpu.memory_space<vmem>> -> memref<1x64xf32, #tpu.memory_space<vmem>>
    %dma_start3A_380 = arith.constant 0 : i32
    %dma_start3A_381 = tpu.memref_slice %arg3[%squeeze3A_376, %dma_start3A_380] : memref<100000x64xf32, #tpu.memory_space<hbm>> -> memref<1x64xf32, #tpu.memory_space<hbm>>
    %dma_start3A_382 = arith.constant 31 : i32
    %dma_start3A_383 = arith.constant 0 : i32
    %dma_start3A_384 = tpu.memref_slice %arg6[%dma_start3A_382, %dma_start3A_383] : memref<512x64xf32, #tpu.memory_space<vmem>> -> memref<1x64xf32, #tpu.memory_space<vmem>>
    %dma_start3A_385 = arith.constant 0 : i32
    %dma_start3A_386 = tpu.memref_slice %arg3[%squeeze3A_376, %dma_start3A_385] : memref<100000x64xf32, #tpu.memory_space<hbm>> -> memref<1x64xf32, #tpu.memory_space<hbm>>
    tpu.enqueue_dma source(%dma_start3A_386 : memref<1x64xf32, #tpu.memory_space<hbm>>) target(%dma_start3A_384 : memref<1x64xf32, #tpu.memory_space<vmem>>) target_semaphore(%arg7 : memref<!tpu.dma_semaphore, #tpu.memory_space<semaphore_mem>>)
    %get3A_387 = arith.constant 32 : index
    %get3A_388 = tpu.vector_load %arg5[%get3A_387] {strides = array<i32>} : memref<512xi32, #tpu.memory_space<vmem>>, vector<16xi32>,
    %slice3A_389 = vector.extract_strided_slice %get3A_388 {offsets = [0], sizes = [1], strides = [1]} : vector<16xi32> to vector<1xi32>
    %squeeze3A_390 = vector.extract %slice3A_389[0] : i32 from vector<1xi32>
    %dma_start3A_391 = arith.constant 32 : i32
    %dma_start3A_392 = arith.constant 0 : i32
    %dma_start3A_393 = tpu.memref_slice %arg6[%dma_start3A_391, %dma_start3A_392] : memref<512x64xf32, #tpu.memory_space<vmem>> -> memref<1x64xf32, #tpu.memory_space<vmem>>
    %dma_start3A_394 = arith.constant 0 : i32
    %dma_start3A_395 = tpu.memref_slice %arg3[%squeeze3A_390, %dma_start3A_394] : memref<100000x64xf32, #tpu.memory_space<hbm>> -> memref<1x64xf32, #tpu.memory_space<hbm>>
    %dma_start3A_396 = arith.constant 32 : i32
    %dma_start3A_397 = arith.constant 0 : i32
    %dma_start3A_398 = tpu.memref_slice %arg6[%dma_start3A_396, %dma_start3A_397] : memref<512x64xf32, #tpu.memory_space<vmem>> -> memref<1x64xf32, #tpu.memory_space<vmem>>
    %dma_start3A_399 = arith.constant 0 : i32
    %dma_start3A_400 = tpu.memref_slice %arg3[%squeeze3A_390, %dma_start3A_399] : memref<100000x64xf32, #tpu.memory_space<hbm>> -> memref<1x64xf32, #tpu.memory_space<hbm>>
    tpu.enqueue_dma source(%dma_start3A_400 : memref<1x64xf32, #tpu.memory_space<hbm>>) target(%dma_start3A_398 : memref<1x64xf32, #tpu.memory_space<vmem>>) target_semaphore(%arg7 : memref<!tpu.dma_semaphore, #tpu.memory_space<semaphore_mem>>)
    %slice3A_401 = vector.extract_strided_slice %get3A_388 {offsets = [1], sizes = [1], strides = [1]} : vector<16xi32> to vector<1xi32>
    %squeeze3A_402 = vector.extract %slice3A_401[0] : i32 from vector<1xi32>
    %dma_start3A_403 = arith.constant 33 : i32
    %dma_start3A_404 = arith.constant 0 : i32
    %dma_start3A_405 = tpu.memref_slice %arg6[%dma_start3A_403, %dma_start3A_404] : memref<512x64xf32, #tpu.memory_space<vmem>> -> memref<1x64xf32, #tpu.memory_space<vmem>>
    %dma_start3A_406 = arith.constant 0 : i32
    %dma_start3A_407 = tpu.memref_slice %arg3[%squeeze3A_402, %dma_start3A_406] : memref<100000x64xf32, #tpu.memory_space<hbm>> -> memref<1x64xf32, #tpu.memory_space<hbm>>
    %dma_start3A_408 = arith.constant 33 : i32
    %dma_start3A_409 = arith.constant 0 : i32
    %dma_start3A_410 = tpu.memref_slice %arg6[%dma_start3A_408, %dma_start3A_409] : memref<512x64xf32, #tpu.memory_space<vmem>> -> memref<1x64xf32, #tpu.memory_space<vmem>>
    %dma_start3A_411 = arith.constant 0 : i32
    %dma_start3A_412 = tpu.memref_slice %arg3[%squeeze3A_402, %dma_start3A_411] : memref<100000x64xf32, #tpu.memory_space<hbm>> -> memref<1x64xf32, #tpu.memory_space<hbm>>
    tpu.enqueue_dma source(%dma_start3A_412 : memref<1x64xf32, #tpu.memory_space<hbm>>) target(%dma_start3A_410 : memref<1x64xf32, #tpu.memory_space<vmem>>) target_semaphore(%arg7 : memref<!tpu.dma_semaphore, #tpu.memory_space<semaphore_mem>>)
    %slice3A_413 = vector.extract_strided_slice %get3A_388 {offsets = [2], sizes = [1], strides = [1]} : vector<16xi32> to vector<1xi32>
    %squeeze3A_414 = vector.extract %slice3A_413[0] : i32 from vector<1xi32>
    %dma_start3A_415 = arith.constant 34 : i32
    %dma_start3A_416 = arith.constant 0 : i32
    %dma_start3A_417 = tpu.memref_slice %arg6[%dma_start3A_415, %dma_start3A_416] : memref<512x64xf32, #tpu.memory_space<vmem>> -> memref<1x64xf32, #tpu.memory_space<vmem>>
    %dma_start3A_418 = arith.constant 0 : i32
    %dma_start3A_419 = tpu.memref_slice %arg3[%squeeze3A_414, %dma_start3A_418] : memref<100000x64xf32, #tpu.memory_space<hbm>> -> memref<1x64xf32, #tpu.memory_space<hbm>>
    %dma_start3A_420 = arith.constant 34 : i32
    %dma_start3A_421 = arith.constant 0 : i32
    %dma_start3A_422 = tpu.memref_slice %arg6[%dma_start3A_420, %dma_start3A_421] : memref<512x64xf32, #tpu.memory_space<vmem>> -> memref<1x64xf32, #tpu.memory_space<vmem>>
    %dma_start3A_423 = arith.constant 0 : i32
    %dma_start3A_424 = tpu.memref_slice %arg3[%squeeze3A_414, %dma_start3A_423] : memref<100000x64xf32, #tpu.memory_space<hbm>> -> memref<1x64xf32, #tpu.memory_space<hbm>>
    tpu.enqueue_dma source(%dma_start3A_424 : memref<1x64xf32, #tpu.memory_space<hbm>>) target(%dma_start3A_422 : memref<1x64xf32, #tpu.memory_space<vmem>>) target_semaphore(%arg7 : memref<!tpu.dma_semaphore, #tpu.memory_space<semaphore_mem>>)
    %slice3A_425 = vector.extract_strided_slice %get3A_388 {offsets = [3], sizes = [1], strides = [1]} : vector<16xi32> to vector<1xi32>
    %squeeze3A_426 = vector.extract %slice3A_425[0] : i32 from vector<1xi32>
    %dma_start3A_427 = arith.constant 35 : i32
    %dma_start3A_428 = arith.constant 0 : i32
    %dma_start3A_429 = tpu.memref_slice %arg6[%dma_start3A_427, %dma_start3A_428] : memref<512x64xf32, #tpu.memory_space<vmem>> -> memref<1x64xf32, #tpu.memory_space<vmem>>
    %dma_start3A_430 = arith.constant 0 : i32
    %dma_start3A_431 = tpu.memref_slice %arg3[%squeeze3A_426, %dma_start3A_430] : memref<100000x64xf32, #tpu.memory_space<hbm>> -> memref<1x64xf32, #tpu.memory_space<hbm>>
    %dma_start3A_432 = arith.constant 35 : i32
    %dma_start3A_433 = arith.constant 0 : i32
    %dma_start3A_434 = tpu.memref_slice %arg6[%dma_start3A_432, %dma_start3A_433] : memref<512x64xf32, #tpu.memory_space<vmem>> -> memref<1x64xf32, #tpu.memory_space<vmem>>
    %dma_start3A_435 = arith.constant 0 : i32
    %dma_start3A_436 = tpu.memref_slice %arg3[%squeeze3A_426, %dma_start3A_435] : memref<100000x64xf32, #tpu.memory_space<hbm>> -> memref<1x64xf32, #tpu.memory_space<hbm>>
    tpu.enqueue_dma source(%dma_start3A_436 : memref<1x64xf32, #tpu.memory_space<hbm>>) target(%dma_start3A_434 : memref<1x64xf32, #tpu.memory_space<vmem>>) target_semaphore(%arg7 : memref<!tpu.dma_semaphore, #tpu.memory_space<semaphore_mem>>)
    %slice3A_437 = vector.extract_strided_slice %get3A_388 {offsets = [4], sizes = [1], strides = [1]} : vector<16xi32> to vector<1xi32>
    %squeeze3A_438 = vector.extract %slice3A_437[0] : i32 from vector<1xi32>
    %dma_start3A_439 = arith.constant 36 : i32
    %dma_start3A_440 = arith.constant 0 : i32
    %dma_start3A_441 = tpu.memref_slice %arg6[%dma_start3A_439, %dma_start3A_440] : memref<512x64xf32, #tpu.memory_space<vmem>> -> memref<1x64xf32, #tpu.memory_space<vmem>>
    %dma_start3A_442 = arith.constant 0 : i32
    %dma_start3A_443 = tpu.memref_slice %arg3[%squeeze3A_438, %dma_start3A_442] : memref<100000x64xf32, #tpu.memory_space<hbm>> -> memref<1x64xf32, #tpu.memory_space<hbm>>
    %dma_start3A_444 = arith.constant 36 : i32
    %dma_start3A_445 = arith.constant 0 : i32
    %dma_start3A_446 = tpu.memref_slice %arg6[%dma_start3A_444, %dma_start3A_445] : memref<512x64xf32, #tpu.memory_space<vmem>> -> memref<1x64xf32, #tpu.memory_space<vmem>>
    %dma_start3A_447 = arith.constant 0 : i32
    %dma_start3A_448 = tpu.memref_slice %arg3[%squeeze3A_438, %dma_start3A_447] : memref<100000x64xf32, #tpu.memory_space<hbm>> -> memref<1x64xf32, #tpu.memory_space<hbm>>
    tpu.enqueue_dma source(%dma_start3A_448 : memref<1x64xf32, #tpu.memory_space<hbm>>) target(%dma_start3A_446 : memref<1x64xf32, #tpu.memory_space<vmem>>) target_semaphore(%arg7 : memref<!tpu.dma_semaphore, #tpu.memory_space<semaphore_mem>>)
    %slice3A_449 = vector.extract_strided_slice %get3A_388 {offsets = [5], sizes = [1], strides = [1]} : vector<16xi32> to vector<1xi32>
    %squeeze3A_450 = vector.extract %slice3A_449[0] : i32 from vector<1xi32>
    %dma_start3A_451 = arith.constant 37 : i32
    %dma_start3A_452 = arith.constant 0 : i32
    %dma_start3A_453 = tpu.memref_slice %arg6[%dma_start3A_451, %dma_start3A_452] : memref<512x64xf32, #tpu.memory_space<vmem>> -> memref<1x64xf32, #tpu.memory_space<vmem>>
    %dma_start3A_454 = arith.constant 0 : i32
    %dma_start3A_455 = tpu.memref_slice %arg3[%squeeze3A_450, %dma_start3A_454] : memref<100000x64xf32, #tpu.memory_space<hbm>> -> memref<1x64xf32, #tpu.memory_space<hbm>>
    %dma_start3A_456 = arith.constant 37 : i32
    %dma_start3A_457 = arith.constant 0 : i32
    %dma_start3A_458 = tpu.memref_slice %arg6[%dma_start3A_456, %dma_start3A_457] : memref<512x64xf32, #tpu.memory_space<vmem>> -> memref<1x64xf32, #tpu.memory_space<vmem>>
    %dma_start3A_459 = arith.constant 0 : i32
    %dma_start3A_460 = tpu.memref_slice %arg3[%squeeze3A_450, %dma_start3A_459] : memref<100000x64xf32, #tpu.memory_space<hbm>> -> memref<1x64xf32, #tpu.memory_space<hbm>>
    tpu.enqueue_dma source(%dma_start3A_460 : memref<1x64xf32, #tpu.memory_space<hbm>>) target(%dma_start3A_458 : memref<1x64xf32, #tpu.memory_space<vmem>>) target_semaphore(%arg7 : memref<!tpu.dma_semaphore, #tpu.memory_space<semaphore_mem>>)
    %slice3A_461 = vector.extract_strided_slice %get3A_388 {offsets = [6], sizes = [1], strides = [1]} : vector<16xi32> to vector<1xi32>
    %squeeze3A_462 = vector.extract %slice3A_461[0] : i32 from vector<1xi32>
    %dma_start3A_463 = arith.constant 38 : i32
    %dma_start3A_464 = arith.constant 0 : i32
    %dma_start3A_465 = tpu.memref_slice %arg6[%dma_start3A_463, %dma_start3A_464] : memref<512x64xf32, #tpu.memory_space<vmem>> -> memref<1x64xf32, #tpu.memory_space<vmem>>
    %dma_start3A_466 = arith.constant 0 : i32
    %dma_start3A_467 = tpu.memref_slice %arg3[%squeeze3A_462, %dma_start3A_466] : memref<100000x64xf32, #tpu.memory_space<hbm>> -> memref<1x64xf32, #tpu.memory_space<hbm>>
    %dma_start3A_468 = arith.constant 38 : i32
    %dma_start3A_469 = arith.constant 0 : i32
    %dma_start3A_470 = tpu.memref_slice %arg6[%dma_start3A_468, %dma_start3A_469] : memref<512x64xf32, #tpu.memory_space<vmem>> -> memref<1x64xf32, #tpu.memory_space<vmem>>
    %dma_start3A_471 = arith.constant 0 : i32
    %dma_start3A_472 = tpu.memref_slice %arg3[%squeeze3A_462, %dma_start3A_471] : memref<100000x64xf32, #tpu.memory_space<hbm>> -> memref<1x64xf32, #tpu.memory_space<hbm>>
    tpu.enqueue_dma source(%dma_start3A_472 : memref<1x64xf32, #tpu.memory_space<hbm>>) target(%dma_start3A_470 : memref<1x64xf32, #tpu.memory_space<vmem>>) target_semaphore(%arg7 : memref<!tpu.dma_semaphore, #tpu.memory_space<semaphore_mem>>)
    %slice3A_473 = vector.extract_strided_slice %get3A_388 {offsets = [7], sizes = [1], strides = [1]} : vector<16xi32> to vector<1xi32>
    %squeeze3A_474 = vector.extract %slice3A_473[0] : i32 from vector<1xi32>
    %dma_start3A_475 = arith.constant 39 : i32
    %dma_start3A_476 = arith.constant 0 : i32
    %dma_start3A_477 = tpu.memref_slice %arg6[%dma_start3A_475, %dma_start3A_476] : memref<512x64xf32, #tpu.memory_space<vmem>> -> memref<1x64xf32, #tpu.memory_space<vmem>>
    %dma_start3A_478 = arith.constant 0 : i32
    %dma_start3A_479 = tpu.memref_slice %arg3[%squeeze3A_474, %dma_start3A_478] : memref<100000x64xf32, #tpu.memory_space<hbm>> -> memref<1x64xf32, #tpu.memory_space<hbm>>
    %dma_start3A_480 = arith.constant 39 : i32
    %dma_start3A_481 = arith.constant 0 : i32
    %dma_start3A_482 = tpu.memref_slice %arg6[%dma_start3A_480, %dma_start3A_481] : memref<512x64xf32, #tpu.memory_space<vmem>> -> memref<1x64xf32, #tpu.memory_space<vmem>>
    %dma_start3A_483 = arith.constant 0 : i32
    %dma_start3A_484 = tpu.memref_slice %arg3[%squeeze3A_474, %dma_start3A_483] : memref<100000x64xf32, #tpu.memory_space<hbm>> -> memref<1x64xf32, #tpu.memory_space<hbm>>
    tpu.enqueue_dma source(%dma_start3A_484 : memref<1x64xf32, #tpu.memory_space<hbm>>) target(%dma_start3A_482 : memref<1x64xf32, #tpu.memory_space<vmem>>) target_semaphore(%arg7 : memref<!tpu.dma_semaphore, #tpu.memory_space<semaphore_mem>>)
    %slice3A_485 = vector.extract_strided_slice %get3A_388 {offsets = [8], sizes = [1], strides = [1]} : vector<16xi32> to vector<1xi32>
    %squeeze3A_486 = vector.extract %slice3A_485[0] : i32 from vector<1xi32>
    %dma_start3A_487 = arith.constant 40 : i32
    %dma_start3A_488 = arith.constant 0 : i32
    %dma_start3A_489 = tpu.memref_slice %arg6[%dma_start3A_487, %dma_start3A_488] : memref<512x64xf32, #tpu.memory_space<vmem>> -> memref<1x64xf32, #tpu.memory_space<vmem>>
    %dma_start3A_490 = arith.constant 0 : i32
    %dma_start3A_491 = tpu.memref_slice %arg3[%squeeze3A_486, %dma_start3A_490] : memref<100000x64xf32, #tpu.memory_space<hbm>> -> memref<1x64xf32, #tpu.memory_space<hbm>>
    %dma_start3A_492 = arith.constant 40 : i32
    %dma_start3A_493 = arith.constant 0 : i32
    %dma_start3A_494 = tpu.memref_slice %arg6[%dma_start3A_492, %dma_start3A_493] : memref<512x64xf32, #tpu.memory_space<vmem>> -> memref<1x64xf32, #tpu.memory_space<vmem>>
    %dma_start3A_495 = arith.constant 0 : i32
    %dma_start3A_496 = tpu.memref_slice %arg3[%squeeze3A_486, %dma_start3A_495] : memref<100000x64xf32, #tpu.memory_space<hbm>> -> memref<1x64xf32, #tpu.memory_space<hbm>>
    tpu.enqueue_dma source(%dma_start3A_496 : memref<1x64xf32, #tpu.memory_space<hbm>>) target(%dma_start3A_494 : memref<1x64xf32, #tpu.memory_space<vmem>>) target_semaphore(%arg7 : memref<!tpu.dma_semaphore, #tpu.memory_space<semaphore_mem>>)
    %slice3A_497 = vector.extract_strided_slice %get3A_388 {offsets = [9], sizes = [1], strides = [1]} : vector<16xi32> to vector<1xi32>
    %squeeze3A_498 = vector.extract %slice3A_497[0] : i32 from vector<1xi32>
    %dma_start3A_499 = arith.constant 41 : i32
    %dma_start3A_500 = arith.constant 0 : i32
    %dma_start3A_501 = tpu.memref_slice %arg6[%dma_start3A_499, %dma_start3A_500] : memref<512x64xf32, #tpu.memory_space<vmem>> -> memref<1x64xf32, #tpu.memory_space<vmem>>
    %dma_start3A_502 = arith.constant 0 : i32
    %dma_start3A_503 = tpu.memref_slice %arg3[%squeeze3A_498, %dma_start3A_502] : memref<100000x64xf32, #tpu.memory_space<hbm>> -> memref<1x64xf32, #tpu.memory_space<hbm>>
    %dma_start3A_504 = arith.constant 41 : i32
    %dma_start3A_505 = arith.constant 0 : i32
    %dma_start3A_506 = tpu.memref_slice %arg6[%dma_start3A_504, %dma_start3A_505] : memref<512x64xf32, #tpu.memory_space<vmem>> -> memref<1x64xf32, #tpu.memory_space<vmem>>
    %dma_start3A_507 = arith.constant 0 : i32
    %dma_start3A_508 = tpu.memref_slice %arg3[%squeeze3A_498, %dma_start3A_507] : memref<100000x64xf32, #tpu.memory_space<hbm>> -> memref<1x64xf32, #tpu.memory_space<hbm>>
    tpu.enqueue_dma source(%dma_start3A_508 : memref<1x64xf32, #tpu.memory_space<hbm>>) target(%dma_start3A_506 : memref<1x64xf32, #tpu.memory_space<vmem>>) target_semaphore(%arg7 : memref<!tpu.dma_semaphore, #tpu.memory_space<semaphore_mem>>)
    %slice3A_509 = vector.extract_strided_slice %get3A_388 {offsets = [10], sizes = [1], strides = [1]} : vector<16xi32> to vector<1xi32>
    %squeeze3A_510 = vector.extract %slice3A_509[0] : i32 from vector<1xi32>
    %dma_start3A_511 = arith.constant 42 : i32
    %dma_start3A_512 = arith.constant 0 : i32
    %dma_start3A_513 = tpu.memref_slice %arg6[%dma_start3A_511, %dma_start3A_512] : memref<512x64xf32, #tpu.memory_space<vmem>> -> memref<1x64xf32, #tpu.memory_space<vmem>>
    %dma_start3A_514 = arith.constant 0 : i32
    %dma_start3A_515 = tpu.memref_slice %arg3[%squeeze3A_510, %dma_start3A_514] : memref<100000x64xf32, #tpu.memory_space<hbm>> -> memref<1x64xf32, #tpu.memory_space<hbm>>
    %dma_start3A_516 = arith.constant 42 : i32
    %dma_start3A_517 = arith.constant 0 : i32
    %dma_start3A_518 = tpu.memref_slice %arg6[%dma_start3A_516, %dma_start3A_517] : memref<512x64xf32, #tpu.memory_space<vmem>> -> memref<1x64xf32, #tpu.memory_space<vmem>>
    %dma_start3A_519 = arith.constant 0 : i32
    %dma_start3A_520 = tpu.memref_slice %arg3[%squeeze3A_510, %dma_start3A_519] : memref<100000x64xf32, #tpu.memory_space<hbm>> -> memref<1x64xf32, #tpu.memory_space<hbm>>
    tpu.enqueue_dma source(%dma_start3A_520 : memref<1x64xf32, #tpu.memory_space<hbm>>) target(%dma_start3A_518 : memref<1x64xf32, #tpu.memory_space<vmem>>) target_semaphore(%arg7 : memref<!tpu.dma_semaphore, #tpu.memory_space<semaphore_mem>>)
    %slice3A_521 = vector.extract_strided_slice %get3A_388 {offsets = [11], sizes = [1], strides = [1]} : vector<16xi32> to vector<1xi32>
    %squeeze3A_522 = vector.extract %slice3A_521[0] : i32 from vector<1xi32>
    %dma_start3A_523 = arith.constant 43 : i32
    %dma_start3A_524 = arith.constant 0 : i32
    %dma_start3A_525 = tpu.memref_slice %arg6[%dma_start3A_523, %dma_start3A_524] : memref<512x64xf32, #tpu.memory_space<vmem>> -> memref<1x64xf32, #tpu.memory_space<vmem>>
    %dma_start3A_526 = arith.constant 0 : i32
    %dma_start3A_527 = tpu.memref_slice %arg3[%squeeze3A_522, %dma_start3A_526] : memref<100000x64xf32, #tpu.memory_space<hbm>> -> memref<1x64xf32, #tpu.memory_space<hbm>>
    %dma_start3A_528 = arith.constant 43 : i32
    %dma_start3A_529 = arith.constant 0 : i32
    %dma_start3A_530 = tpu.memref_slice %arg6[%dma_start3A_528, %dma_start3A_529] : memref<512x64xf32, #tpu.memory_space<vmem>> -> memref<1x64xf32, #tpu.memory_space<vmem>>
    %dma_start3A_531 = arith.constant 0 : i32
    %dma_start3A_532 = tpu.memref_slice %arg3[%squeeze3A_522, %dma_start3A_531] : memref<100000x64xf32, #tpu.memory_space<hbm>> -> memref<1x64xf32, #tpu.memory_space<hbm>>
    tpu.enqueue_dma source(%dma_start3A_532 : memref<1x64xf32, #tpu.memory_space<hbm>>) target(%dma_start3A_530 : memref<1x64xf32, #tpu.memory_space<vmem>>) target_semaphore(%arg7 : memref<!tpu.dma_semaphore, #tpu.memory_space<semaphore_mem>>)
    %slice3A_533 = vector.extract_strided_slice %get3A_388 {offsets = [12], sizes = [1], strides = [1]} : vector<16xi32> to vector<1xi32>
    %squeeze3A_534 = vector.extract %slice3A_533[0] : i32 from vector<1xi32>
    %dma_start3A_535 = arith.constant 44 : i32
    %dma_start3A_536 = arith.constant 0 : i32
    %dma_start3A_537 = tpu.memref_slice %arg6[%dma_start3A_535, %dma_start3A_536] : memref<512x64xf32, #tpu.memory_space<vmem>> -> memref<1x64xf32, #tpu.memory_space<vmem>>
    %dma_start3A_538 = arith.constant 0 : i32
    %dma_start3A_539 = tpu.memref_slice %arg3[%squeeze3A_534, %dma_start3A_538] : memref<100000x64xf32, #tpu.memory_space<hbm>> -> memref<1x64xf32, #tpu.memory_space<hbm>>
    %dma_start3A_540 = arith.constant 44 : i32
    %dma_start3A_541 = arith.constant 0 : i32
    %dma_start3A_542 = tpu.memref_slice %arg6[%dma_start3A_540, %dma_start3A_541] : memref<512x64xf32, #tpu.memory_space<vmem>> -> memref<1x64xf32, #tpu.memory_space<vmem>>
    %dma_start3A_543 = arith.constant 0 : i32
    %dma_start3A_544 = tpu.memref_slice %arg3[%squeeze3A_534, %dma_start3A_543] : memref<100000x64xf32, #tpu.memory_space<hbm>> -> memref<1x64xf32, #tpu.memory_space<hbm>>
    tpu.enqueue_dma source(%dma_start3A_544 : memref<1x64xf32, #tpu.memory_space<hbm>>) target(%dma_start3A_542 : memref<1x64xf32, #tpu.memory_space<vmem>>) target_semaphore(%arg7 : memref<!tpu.dma_semaphore, #tpu.memory_space<semaphore_mem>>)
    %slice3A_545 = vector.extract_strided_slice %get3A_388 {offsets = [13], sizes = [1], strides = [1]} : vector<16xi32> to vector<1xi32>
    %squeeze3A_546 = vector.extract %slice3A_545[0] : i32 from vector<1xi32>
    %dma_start3A_547 = arith.constant 45 : i32
    %dma_start3A_548 = arith.constant 0 : i32
    %dma_start3A_549 = tpu.memref_slice %arg6[%dma_start3A_547, %dma_start3A_548] : memref<512x64xf32, #tpu.memory_space<vmem>> -> memref<1x64xf32, #tpu.memory_space<vmem>>
    %dma_start3A_550 = arith.constant 0 : i32
    %dma_start3A_551 = tpu.memref_slice %arg3[%squeeze3A_546, %dma_start3A_550] : memref<100000x64xf32, #tpu.memory_space<hbm>> -> memref<1x64xf32, #tpu.memory_space<hbm>>
    %dma_start3A_552 = arith.constant 45 : i32
    %dma_start3A_553 = arith.constant 0 : i32
    %dma_start3A_554 = tpu.memref_slice %arg6[%dma_start3A_552, %dma_start3A_553] : memref<512x64xf32, #tpu.memory_space<vmem>> -> memref<1x64xf32, #tpu.memory_space<vmem>>
    %dma_start3A_555 = arith.constant 0 : i32
    %dma_start3A_556 = tpu.memref_slice %arg3[%squeeze3A_546, %dma_start3A_555] : memref<100000x64xf32, #tpu.memory_space<hbm>> -> memref<1x64xf32, #tpu.memory_space<hbm>>
    tpu.enqueue_dma source(%dma_start3A_556 : memref<1x64xf32, #tpu.memory_space<hbm>>) target(%dma_start3A_554 : memref<1x64xf32, #tpu.memory_space<vmem>>) target_semaphore(%arg7 : memref<!tpu.dma_semaphore, #tpu.memory_space<semaphore_mem>>)
    %slice3A_557 = vector.extract_strided_slice %get3A_388 {offsets = [14], sizes = [1], strides = [1]} : vector<16xi32> to vector<1xi32>
    %squeeze3A_558 = vector.extract %slice3A_557[0] : i32 from vector<1xi32>
    %dma_start3A_559 = arith.constant 46 : i32
    %dma_start3A_560 = arith.constant 0 : i32
    %dma_start3A_561 = tpu.memref_slice %arg6[%dma_start3A_559, %dma_start3A_560] : memref<512x64xf32, #tpu.memory_space<vmem>> -> memref<1x64xf32, #tpu.memory_space<vmem>>
    %dma_start3A_562 = arith.constant 0 : i32
    %dma_start3A_563 = tpu.memref_slice %arg3[%squeeze3A_558, %dma_start3A_562] : memref<100000x64xf32, #tpu.memory_space<hbm>> -> memref<1x64xf32, #tpu.memory_space<hbm>>
    %dma_start3A_564 = arith.constant 46 : i32
    %dma_start3A_565 = arith.constant 0 : i32
    %dma_start3A_566 = tpu.memref_slice %arg6[%dma_start3A_564, %dma_start3A_565] : memref<512x64xf32, #tpu.memory_space<vmem>> -> memref<1x64xf32, #tpu.memory_space<vmem>>
    %dma_start3A_567 = arith.constant 0 : i32
    %dma_start3A_568 = tpu.memref_slice %arg3[%squeeze3A_558, %dma_start3A_567] : memref<100000x64xf32, #tpu.memory_space<hbm>> -> memref<1x64xf32, #tpu.memory_space<hbm>>
    tpu.enqueue_dma source(%dma_start3A_568 : memref<1x64xf32, #tpu.memory_space<hbm>>) target(%dma_start3A_566 : memref<1x64xf32, #tpu.memory_space<vmem>>) target_semaphore(%arg7 : memref<!tpu.dma_semaphore, #tpu.memory_space<semaphore_mem>>)
    %slice3A_569 = vector.extract_strided_slice %get3A_388 {offsets = [15], sizes = [1], strides = [1]} : vector<16xi32> to vector<1xi32>
    %squeeze3A_570 = vector.extract %slice3A_569[0] : i32 from vector<1xi32>
    %dma_start3A_571 = arith.constant 47 : i32
    %dma_start3A_572 = arith.constant 0 : i32
    %dma_start3A_573 = tpu.memref_slice %arg6[%dma_start3A_571, %dma_start3A_572] : memref<512x64xf32, #tpu.memory_space<vmem>> -> memref<1x64xf32, #tpu.memory_space<vmem>>
    %dma_start3A_574 = arith.constant 0 : i32
    %dma_start3A_575 = tpu.memref_slice %arg3[%squeeze3A_570, %dma_start3A_574] : memref<100000x64xf32, #tpu.memory_space<hbm>> -> memref<1x64xf32, #tpu.memory_space<hbm>>
    %dma_start3A_576 = arith.constant 47 : i32
    %dma_start3A_577 = arith.constant 0 : i32
    %dma_start3A_578 = tpu.memref_slice %arg6[%dma_start3A_576, %dma_start3A_577] : memref<512x64xf32, #tpu.memory_space<vmem>> -> memref<1x64xf32, #tpu.memory_space<vmem>>
    %dma_start3A_579 = arith.constant 0 : i32
    %dma_start3A_580 = tpu.memref_slice %arg3[%squeeze3A_570, %dma_start3A_579] : memref<100000x64xf32, #tpu.memory_space<hbm>> -> memref<1x64xf32, #tpu.memory_space<hbm>>
    tpu.enqueue_dma source(%dma_start3A_580 : memref<1x64xf32, #tpu.memory_space<hbm>>) target(%dma_start3A_578 : memref<1x64xf32, #tpu.memory_space<vmem>>) target_semaphore(%arg7 : memref<!tpu.dma_semaphore, #tpu.memory_space<semaphore_mem>>)
    %get3A_581 = arith.constant 48 : index
    %get3A_582 = tpu.vector_load %arg5[%get3A_581] {strides = array<i32>} : memref<512xi32, #tpu.memory_space<vmem>>, vector<16xi32>,
    %slice3A_583 = vector.extract_strided_slice %get3A_582 {offsets = [0], sizes = [1], strides = [1]} : vector<16xi32> to vector<1xi32>
    %squeeze3A_584 = vector.extract %slice3A_583[0] : i32 from vector<1xi32>
    %dma_start3A_585 = arith.constant 48 : i32
    %dma_start3A_586 = arith.constant 0 : i32
    %dma_start3A_587 = tpu.memref_slice %arg6[%dma_start3A_585, %dma_start3A_586] : memref<512x64xf32, #tpu.memory_space<vmem>> -> memref<1x64xf32, #tpu.memory_space<vmem>>
    %dma_start3A_588 = arith.constant 0 : i32
    %dma_start3A_589 = tpu.memref_slice %arg3[%squeeze3A_584, %dma_start3A_588] : memref<100000x64xf32, #tpu.memory_space<hbm>> -> memref<1x64xf32, #tpu.memory_space<hbm>>
    %dma_start3A_590 = arith.constant 48 : i32
    %dma_start3A_591 = arith.constant 0 : i32
    %dma_start3A_592 = tpu.memref_slice %arg6[%dma_start3A_590, %dma_start3A_591] : memref<512x64xf32, #tpu.memory_space<vmem>> -> memref<1x64xf32, #tpu.memory_space<vmem>>
    %dma_start3A_593 = arith.constant 0 : i32
    %dma_start3A_594 = tpu.memref_slice %arg3[%squeeze3A_584, %dma_start3A_593] : memref<100000x64xf32, #tpu.memory_space<hbm>> -> memref<1x64xf32, #tpu.memory_space<hbm>>
    tpu.enqueue_dma source(%dma_start3A_594 : memref<1x64xf32, #tpu.memory_space<hbm>>) target(%dma_start3A_592 : memref<1x64xf32, #tpu.memory_space<vmem>>) target_semaphore(%arg7 : memref<!tpu.dma_semaphore, #tpu.memory_space<semaphore_mem>>)
    %slice3A_595 = vector.extract_strided_slice %get3A_582 {offsets = [1], sizes = [1], strides = [1]} : vector<16xi32> to vector<1xi32>
    %squeeze3A_596 = vector.extract %slice3A_595[0] : i32 from vector<1xi32>
    %dma_start3A_597 = arith.constant 49 : i32
    %dma_start3A_598 = arith.constant 0 : i32
    %dma_start3A_599 = tpu.memref_slice %arg6[%dma_start3A_597, %dma_start3A_598] : memref<512x64xf32, #tpu.memory_space<vmem>> -> memref<1x64xf32, #tpu.memory_space<vmem>>
    %dma_start3A_600 = arith.constant 0 : i32
    %dma_start3A_601 = tpu.memref_slice %arg3[%squeeze3A_596, %dma_start3A_600] : memref<100000x64xf32, #tpu.memory_space<hbm>> -> memref<1x64xf32, #tpu.memory_space<hbm>>
    %dma_start3A_602 = arith.constant 49 : i32
    %dma_start3A_603 = arith.constant 0 : i32
    %dma_start3A_604 = tpu.memref_slice %arg6[%dma_start3A_602, %dma_start3A_603] : memref<512x64xf32, #tpu.memory_space<vmem>> -> memref<1x64xf32, #tpu.memory_space<vmem>>
    %dma_start3A_605 = arith.constant 0 : i32
    %dma_start3A_606 = tpu.memref_slice %arg3[%squeeze3A_596, %dma_start3A_605] : memref<100000x64xf32, #tpu.memory_space<hbm>> -> memref<1x64xf32, #tpu.memory_space<hbm>>
    tpu.enqueue_dma source(%dma_start3A_606 : memref<1x64xf32, #tpu.memory_space<hbm>>) target(%dma_start3A_604 : memref<1x64xf32, #tpu.memory_space<vmem>>) target_semaphore(%arg7 : memref<!tpu.dma_semaphore, #tpu.memory_space<semaphore_mem>>)
    %slice3A_607 = vector.extract_strided_slice %get3A_582 {offsets = [2], sizes = [1], strides = [1]} : vector<16xi32> to vector<1xi32>
    %squeeze3A_608 = vector.extract %slice3A_607[0] : i32 from vector<1xi32>
    %dma_start3A_609 = arith.constant 50 : i32
    %dma_start3A_610 = arith.constant 0 : i32
    %dma_start3A_611 = tpu.memref_slice %arg6[%dma_start3A_609, %dma_start3A_610] : memref<512x64xf32, #tpu.memory_space<vmem>> -> memref<1x64xf32, #tpu.memory_space<vmem>>
    %dma_start3A_612 = arith.constant 0 : i32
    %dma_start3A_613 = tpu.memref_slice %arg3[%squeeze3A_608, %dma_start3A_612] : memref<100000x64xf32, #tpu.memory_space<hbm>> -> memref<1x64xf32, #tpu.memory_space<hbm>>
    %dma_start3A_614 = arith.constant 50 : i32
    %dma_start3A_615 = arith.constant 0 : i32
    %dma_start3A_616 = tpu.memref_slice %arg6[%dma_start3A_614, %dma_start3A_615] : memref<512x64xf32, #tpu.memory_space<vmem>> -> memref<1x64xf32, #tpu.memory_space<vmem>>
    %dma_start3A_617 = arith.constant 0 : i32
    %dma_start3A_618 = tpu.memref_slice %arg3[%squeeze3A_608, %dma_start3A_617] : memref<100000x64xf32, #tpu.memory_space<hbm>> -> memref<1x64xf32, #tpu.memory_space<hbm>>
    tpu.enqueue_dma source(%dma_start3A_618 : memref<1x64xf32, #tpu.memory_space<hbm>>) target(%dma_start3A_616 : memref<1x64xf32, #tpu.memory_space<vmem>>) target_semaphore(%arg7 : memref<!tpu.dma_semaphore, #tpu.memory_space<semaphore_mem>>)
    %slice3A_619 = vector.extract_strided_slice %get3A_582 {offsets = [3], sizes = [1], strides = [1]} : vector<16xi32> to vector<1xi32>
    %squeeze3A_620 = vector.extract %slice3A_619[0] : i32 from vector<1xi32>
    %dma_start3A_621 = arith.constant 51 : i32
    %dma_start3A_622 = arith.constant 0 : i32
    %dma_start3A_623 = tpu.memref_slice %arg6[%dma_start3A_621, %dma_start3A_622] : memref<512x64xf32, #tpu.memory_space<vmem>> -> memref<1x64xf32, #tpu.memory_space<vmem>>
    %dma_start3A_624 = arith.constant 0 : i32
    %dma_start3A_625 = tpu.memref_slice %arg3[%squeeze3A_620, %dma_start3A_624] : memref<100000x64xf32, #tpu.memory_space<hbm>> -> memref<1x64xf32, #tpu.memory_space<hbm>>
    %dma_start3A_626 = arith.constant 51 : i32
    %dma_start3A_627 = arith.constant 0 : i32
    %dma_start3A_628 = tpu.memref_slice %arg6[%dma_start3A_626, %dma_start3A_627] : memref<512x64xf32, #tpu.memory_space<vmem>> -> memref<1x64xf32, #tpu.memory_space<vmem>>
    %dma_start3A_629 = arith.constant 0 : i32
    %dma_start3A_630 = tpu.memref_slice %arg3[%squeeze3A_620, %dma_start3A_629] : memref<100000x64xf32, #tpu.memory_space<hbm>> -> memref<1x64xf32, #tpu.memory_space<hbm>>
    tpu.enqueue_dma source(%dma_start3A_630 : memref<1x64xf32, #tpu.memory_space<hbm>>) target(%dma_start3A_628 : memref<1x64xf32, #tpu.memory_space<vmem>>) target_semaphore(%arg7 : memref<!tpu.dma_semaphore, #tpu.memory_space<semaphore_mem>>)
    %slice3A_631 = vector.extract_strided_slice %get3A_582 {offsets = [4], sizes = [1], strides = [1]} : vector<16xi32> to vector<1xi32>
    %squeeze3A_632 = vector.extract %slice3A_631[0] : i32 from vector<1xi32>
    %dma_start3A_633 = arith.constant 52 : i32
    %dma_start3A_634 = arith.constant 0 : i32
    %dma_start3A_635 = tpu.memref_slice %arg6[%dma_start3A_633, %dma_start3A_634] : memref<512x64xf32, #tpu.memory_space<vmem>> -> memref<1x64xf32, #tpu.memory_space<vmem>>
    %dma_start3A_636 = arith.constant 0 : i32
    %dma_start3A_637 = tpu.memref_slice %arg3[%squeeze3A_632, %dma_start3A_636] : memref<100000x64xf32, #tpu.memory_space<hbm>> -> memref<1x64xf32, #tpu.memory_space<hbm>>
    %dma_start3A_638 = arith.constant 52 : i32
    %dma_start3A_639 = arith.constant 0 : i32
    %dma_start3A_640 = tpu.memref_slice %arg6[%dma_start3A_638, %dma_start3A_639] : memref<512x64xf32, #tpu.memory_space<vmem>> -> memref<1x64xf32, #tpu.memory_space<vmem>>
    %dma_start3A_641 = arith.constant 0 : i32
    %dma_start3A_642 = tpu.memref_slice %arg3[%squeeze3A_632, %dma_start3A_641] : memref<100000x64xf32, #tpu.memory_space<hbm>> -> memref<1x64xf32, #tpu.memory_space<hbm>>
    tpu.enqueue_dma source(%dma_start3A_642 : memref<1x64xf32, #tpu.memory_space<hbm>>) target(%dma_start3A_640 : memref<1x64xf32, #tpu.memory_space<vmem>>) target_semaphore(%arg7 : memref<!tpu.dma_semaphore, #tpu.memory_space<semaphore_mem>>)
    %slice3A_643 = vector.extract_strided_slice %get3A_582 {offsets = [5], sizes = [1], strides = [1]} : vector<16xi32> to vector<1xi32>
    %squeeze3A_644 = vector.extract %slice3A_643[0] : i32 from vector<1xi32>
    %dma_start3A_645 = arith.constant 53 : i32
    %dma_start3A_646 = arith.constant 0 : i32
    %dma_start3A_647 = tpu.memref_slice %arg6[%dma_start3A_645, %dma_start3A_646] : memref<512x64xf32, #tpu.memory_space<vmem>> -> memref<1x64xf32, #tpu.memory_space<vmem>>
    %dma_start3A_648 = arith.constant 0 : i32
    %dma_start3A_649 = tpu.memref_slice %arg3[%squeeze3A_644, %dma_start3A_648] : memref<100000x64xf32, #tpu.memory_space<hbm>> -> memref<1x64xf32, #tpu.memory_space<hbm>>
    %dma_start3A_650 = arith.constant 53 : i32
    %dma_start3A_651 = arith.constant 0 : i32
    %dma_start3A_652 = tpu.memref_slice %arg6[%dma_start3A_650, %dma_start3A_651] : memref<512x64xf32, #tpu.memory_space<vmem>> -> memref<1x64xf32, #tpu.memory_space<vmem>>
    %dma_start3A_653 = arith.constant 0 : i32
    %dma_start3A_654 = tpu.memref_slice %arg3[%squeeze3A_644, %dma_start3A_653] : memref<100000x64xf32, #tpu.memory_space<hbm>> -> memref<1x64xf32, #tpu.memory_space<hbm>>
    tpu.enqueue_dma source(%dma_start3A_654 : memref<1x64xf32, #tpu.memory_space<hbm>>) target(%dma_start3A_652 : memref<1x64xf32, #tpu.memory_space<vmem>>) target_semaphore(%arg7 : memref<!tpu.dma_semaphore, #tpu.memory_space<semaphore_mem>>)
    %slice3A_655 = vector.extract_strided_slice %get3A_582 {offsets = [6], sizes = [1], strides = [1]} : vector<16xi32> to vector<1xi32>
    %squeeze3A_656 = vector.extract %slice3A_655[0] : i32 from vector<1xi32>
    %dma_start3A_657 = arith.constant 54 : i32
    %dma_start3A_658 = arith.constant 0 : i32
    %dma_start3A_659 = tpu.memref_slice %arg6[%dma_start3A_657, %dma_start3A_658] : memref<512x64xf32, #tpu.memory_space<vmem>> -> memref<1x64xf32, #tpu.memory_space<vmem>>
    %dma_start3A_660 = arith.constant 0 : i32
    %dma_start3A_661 = tpu.memref_slice %arg3[%squeeze3A_656, %dma_start3A_660] : memref<100000x64xf32, #tpu.memory_space<hbm>> -> memref<1x64xf32, #tpu.memory_space<hbm>>
    %dma_start3A_662 = arith.constant 54 : i32
    %dma_start3A_663 = arith.constant 0 : i32
    %dma_start3A_664 = tpu.memref_slice %arg6[%dma_start3A_662, %dma_start3A_663] : memref<512x64xf32, #tpu.memory_space<vmem>> -> memref<1x64xf32, #tpu.memory_space<vmem>>
    %dma_start3A_665 = arith.constant 0 : i32
    %dma_start3A_666 = tpu.memref_slice %arg3[%squeeze3A_656, %dma_start3A_665] : memref<100000x64xf32, #tpu.memory_space<hbm>> -> memref<1x64xf32, #tpu.memory_space<hbm>>
    tpu.enqueue_dma source(%dma_start3A_666 : memref<1x64xf32, #tpu.memory_space<hbm>>) target(%dma_start3A_664 : memref<1x64xf32, #tpu.memory_space<vmem>>) target_semaphore(%arg7 : memref<!tpu.dma_semaphore, #tpu.memory_space<semaphore_mem>>)
    %slice3A_667 = vector.extract_strided_slice %get3A_582 {offsets = [7], sizes = [1], strides = [1]} : vector<16xi32> to vector<1xi32>
    %squeeze3A_668 = vector.extract %slice3A_667[0] : i32 from vector<1xi32>
    %dma_start3A_669 = arith.constant 55 : i32
    %dma_start3A_670 = arith.constant 0 : i32
    %dma_start3A_671 = tpu.memref_slice %arg6[%dma_start3A_669, %dma_start3A_670] : memref<512x64xf32, #tpu.memory_space<vmem>> -> memref<1x64xf32, #tpu.memory_space<vmem>>
    %dma_start3A_672 = arith.constant 0 : i32
    %dma_start3A_673 = tpu.memref_slice %arg3[%squeeze3A_668, %dma_start3A_672] : memref<100000x64xf32, #tpu.memory_space<hbm>> -> memref<1x64xf32, #tpu.memory_space<hbm>>
    %dma_start3A_674 = arith.constant 55 : i32
    %dma_start3A_675 = arith.constant 0 : i32
    %dma_start3A_676 = tpu.memref_slice %arg6[%dma_start3A_674, %dma_start3A_675] : memref<512x64xf32, #tpu.memory_space<vmem>> -> memref<1x64xf32, #tpu.memory_space<vmem>>
    %dma_start3A_677 = arith.constant 0 : i32
    %dma_start3A_678 = tpu.memref_slice %arg3[%squeeze3A_668, %dma_start3A_677] : memref<100000x64xf32, #tpu.memory_space<hbm>> -> memref<1x64xf32, #tpu.memory_space<hbm>>
    tpu.enqueue_dma source(%dma_start3A_678 : memref<1x64xf32, #tpu.memory_space<hbm>>) target(%dma_start3A_676 : memref<1x64xf32, #tpu.memory_space<vmem>>) target_semaphore(%arg7 : memref<!tpu.dma_semaphore, #tpu.memory_space<semaphore_mem>>)
    %slice3A_679 = vector.extract_strided_slice %get3A_582 {offsets = [8], sizes = [1], strides = [1]} : vector<16xi32> to vector<1xi32>
    %squeeze3A_680 = vector.extract %slice3A_679[0] : i32 from vector<1xi32>
    %dma_start3A_681 = arith.constant 56 : i32
    %dma_start3A_682 = arith.constant 0 : i32
    %dma_start3A_683 = tpu.memref_slice %arg6[%dma_start3A_681, %dma_start3A_682] : memref<512x64xf32, #tpu.memory_space<vmem>> -> memref<1x64xf32, #tpu.memory_space<vmem>>
    %dma_start3A_684 = arith.constant 0 : i32
    %dma_start3A_685 = tpu.memref_slice %arg3[%squeeze3A_680, %dma_start3A_684] : memref<100000x64xf32, #tpu.memory_space<hbm>> -> memref<1x64xf32, #tpu.memory_space<hbm>>
    %dma_start3A_686 = arith.constant 56 : i32
    %dma_start3A_687 = arith.constant 0 : i32
    %dma_start3A_688 = tpu.memref_slice %arg6[%dma_start3A_686, %dma_start3A_687] : memref<512x64xf32, #tpu.memory_space<vmem>> -> memref<1x64xf32, #tpu.memory_space<vmem>>
    %dma_start3A_689 = arith.constant 0 : i32
    %dma_start3A_690 = tpu.memref_slice %arg3[%squeeze3A_680, %dma_start3A_689] : memref<100000x64xf32, #tpu.memory_space<hbm>> -> memref<1x64xf32, #tpu.memory_space<hbm>>
    tpu.enqueue_dma source(%dma_start3A_690 : memref<1x64xf32, #tpu.memory_space<hbm>>) target(%dma_start3A_688 : memref<1x64xf32, #tpu.memory_space<vmem>>) target_semaphore(%arg7 : memref<!tpu.dma_semaphore, #tpu.memory_space<semaphore_mem>>)
    %slice3A_691 = vector.extract_strided_slice %get3A_582 {offsets = [9], sizes = [1], strides = [1]} : vector<16xi32> to vector<1xi32>
    %squeeze3A_692 = vector.extract %slice3A_691[0] : i32 from vector<1xi32>
    %dma_start3A_693 = arith.constant 57 : i32
    %dma_start3A_694 = arith.constant 0 : i32
    %dma_start3A_695 = tpu.memref_slice %arg6[%dma_start3A_693, %dma_start3A_694] : memref<512x64xf32, #tpu.memory_space<vmem>> -> memref<1x64xf32, #tpu.memory_space<vmem>>
    %dma_start3A_696 = arith.constant 0 : i32
    %dma_start3A_697 = tpu.memref_slice %arg3[%squeeze3A_692, %dma_start3A_696] : memref<100000x64xf32, #tpu.memory_space<hbm>> -> memref<1x64xf32, #tpu.memory_space<hbm>>
    %dma_start3A_698 = arith.constant 57 : i32
    %dma_start3A_699 = arith.constant 0 : i32
    %dma_start3A_700 = tpu.memref_slice %arg6[%dma_start3A_698, %dma_start3A_699] : memref<512x64xf32, #tpu.memory_space<vmem>> -> memref<1x64xf32, #tpu.memory_space<vmem>>
    %dma_start3A_701 = arith.constant 0 : i32
    %dma_start3A_702 = tpu.memref_slice %arg3[%squeeze3A_692, %dma_start3A_701] : memref<100000x64xf32, #tpu.memory_space<hbm>> -> memref<1x64xf32, #tpu.memory_space<hbm>>
    tpu.enqueue_dma source(%dma_start3A_702 : memref<1x64xf32, #tpu.memory_space<hbm>>) target(%dma_start3A_700 : memref<1x64xf32, #tpu.memory_space<vmem>>) target_semaphore(%arg7 : memref<!tpu.dma_semaphore, #tpu.memory_space<semaphore_mem>>)
    %slice3A_703 = vector.extract_strided_slice %get3A_582 {offsets = [10], sizes = [1], strides = [1]} : vector<16xi32> to vector<1xi32>
    %squeeze3A_704 = vector.extract %slice3A_703[0] : i32 from vector<1xi32>
    %dma_start3A_705 = arith.constant 58 : i32
    %dma_start3A_706 = arith.constant 0 : i32
    %dma_start3A_707 = tpu.memref_slice %arg6[%dma_start3A_705, %dma_start3A_706] : memref<512x64xf32, #tpu.memory_space<vmem>> -> memref<1x64xf32, #tpu.memory_space<vmem>>
    %dma_start3A_708 = arith.constant 0 : i32
    %dma_start3A_709 = tpu.memref_slice %arg3[%squeeze3A_704, %dma_start3A_708] : memref<100000x64xf32, #tpu.memory_space<hbm>> -> memref<1x64xf32, #tpu.memory_space<hbm>>
    %dma_start3A_710 = arith.constant 58 : i32
    %dma_start3A_711 = arith.constant 0 : i32
    %dma_start3A_712 = tpu.memref_slice %arg6[%dma_start3A_710, %dma_start3A_711] : memref<512x64xf32, #tpu.memory_space<vmem>> -> memref<1x64xf32, #tpu.memory_space<vmem>>
    %dma_start3A_713 = arith.constant 0 : i32
    %dma_start3A_714 = tpu.memref_slice %arg3[%squeeze3A_704, %dma_start3A_713] : memref<100000x64xf32, #tpu.memory_space<hbm>> -> memref<1x64xf32, #tpu.memory_space<hbm>>
    tpu.enqueue_dma source(%dma_start3A_714 : memref<1x64xf32, #tpu.memory_space<hbm>>) target(%dma_start3A_712 : memref<1x64xf32, #tpu.memory_space<vmem>>) target_semaphore(%arg7 : memref<!tpu.dma_semaphore, #tpu.memory_space<semaphore_mem>>)
    %slice3A_715 = vector.extract_strided_slice %get3A_582 {offsets = [11], sizes = [1], strides = [1]} : vector<16xi32> to vector<1xi32>
    %squeeze3A_716 = vector.extract %slice3A_715[0] : i32 from vector<1xi32>
    %dma_start3A_717 = arith.constant 59 : i32
    %dma_start3A_718 = arith.constant 0 : i32
    %dma_start3A_719 = tpu.memref_slice %arg6[%dma_start3A_717, %dma_start3A_718] : memref<512x64xf32, #tpu.memory_space<vmem>> -> memref<1x64xf32, #tpu.memory_space<vmem>>
    %dma_start3A_720 = arith.constant 0 : i32
    %dma_start3A_721 = tpu.memref_slice %arg3[%squeeze3A_716, %dma_start3A_720] : memref<100000x64xf32, #tpu.memory_space<hbm>> -> memref<1x64xf32, #tpu.memory_space<hbm>>
    %dma_start3A_722 = arith.constant 59 : i32
    %dma_start3A_723 = arith.constant 0 : i32
    %dma_start3A_724 = tpu.memref_slice %arg6[%dma_start3A_722, %dma_start3A_723] : memref<512x64xf32, #tpu.memory_space<vmem>> -> memref<1x64xf32, #tpu.memory_space<vmem>>
    %dma_start3A_725 = arith.constant 0 : i32
    %dma_start3A_726 = tpu.memref_slice %arg3[%squeeze3A_716, %dma_start3A_725] : memref<100000x64xf32, #tpu.memory_space<hbm>> -> memref<1x64xf32, #tpu.memory_space<hbm>>
    tpu.enqueue_dma source(%dma_start3A_726 : memref<1x64xf32, #tpu.memory_space<hbm>>) target(%dma_start3A_724 : memref<1x64xf32, #tpu.memory_space<vmem>>) target_semaphore(%arg7 : memref<!tpu.dma_semaphore, #tpu.memory_space<semaphore_mem>>)
    %slice3A_727 = vector.extract_strided_slice %get3A_582 {offsets = [12], sizes = [1], strides = [1]} : vector<16xi32> to vector<1xi32>
    %squeeze3A_728 = vector.extract %slice3A_727[0] : i32 from vector<1xi32>
    %dma_start3A_729 = arith.constant 60 : i32
    %dma_start3A_730 = arith.constant 0 : i32
    %dma_start3A_731 = tpu.memref_slice %arg6[%dma_start3A_729, %dma_start3A_730] : memref<512x64xf32, #tpu.memory_space<vmem>> -> memref<1x64xf32, #tpu.memory_space<vmem>>
    %dma_start3A_732 = arith.constant 0 : i32
    %dma_start3A_733 = tpu.memref_slice %arg3[%squeeze3A_728, %dma_start3A_732] : memref<100000x64xf32, #tpu.memory_space<hbm>> -> memref<1x64xf32, #tpu.memory_space<hbm>>
    %dma_start3A_734 = arith.constant 60 : i32
    %dma_start3A_735 = arith.constant 0 : i32
    %dma_start3A_736 = tpu.memref_slice %arg6[%dma_start3A_734, %dma_start3A_735] : memref<512x64xf32, #tpu.memory_space<vmem>> -> memref<1x64xf32, #tpu.memory_space<vmem>>
    %dma_start3A_737 = arith.constant 0 : i32
    %dma_start3A_738 = tpu.memref_slice %arg3[%squeeze3A_728, %dma_start3A_737] : memref<100000x64xf32, #tpu.memory_space<hbm>> -> memref<1x64xf32, #tpu.memory_space<hbm>>
    tpu.enqueue_dma source(%dma_start3A_738 : memref<1x64xf32, #tpu.memory_space<hbm>>) target(%dma_start3A_736 : memref<1x64xf32, #tpu.memory_space<vmem>>) target_semaphore(%arg7 : memref<!tpu.dma_semaphore, #tpu.memory_space<semaphore_mem>>)
    %slice3A_739 = vector.extract_strided_slice %get3A_582 {offsets = [13], sizes = [1], strides = [1]} : vector<16xi32> to vector<1xi32>
    %squeeze3A_740 = vector.extract %slice3A_739[0] : i32 from vector<1xi32>
    %dma_start3A_741 = arith.constant 61 : i32
    %dma_start3A_742 = arith.constant 0 : i32
    %dma_start3A_743 = tpu.memref_slice %arg6[%dma_start3A_741, %dma_start3A_742] : memref<512x64xf32, #tpu.memory_space<vmem>> -> memref<1x64xf32, #tpu.memory_space<vmem>>
    %dma_start3A_744 = arith.constant 0 : i32
    %dma_start3A_745 = tpu.memref_slice %arg3[%squeeze3A_740, %dma_start3A_744] : memref<100000x64xf32, #tpu.memory_space<hbm>> -> memref<1x64xf32, #tpu.memory_space<hbm>>
    %dma_start3A_746 = arith.constant 61 : i32
    %dma_start3A_747 = arith.constant 0 : i32
    %dma_start3A_748 = tpu.memref_slice %arg6[%dma_start3A_746, %dma_start3A_747] : memref<512x64xf32, #tpu.memory_space<vmem>> -> memref<1x64xf32, #tpu.memory_space<vmem>>
    %dma_start3A_749 = arith.constant 0 : i32
    %dma_start3A_750 = tpu.memref_slice %arg3[%squeeze3A_740, %dma_start3A_749] : memref<100000x64xf32, #tpu.memory_space<hbm>> -> memref<1x64xf32, #tpu.memory_space<hbm>>
    tpu.enqueue_dma source(%dma_start3A_750 : memref<1x64xf32, #tpu.memory_space<hbm>>) target(%dma_start3A_748 : memref<1x64xf32, #tpu.memory_space<vmem>>) target_semaphore(%arg7 : memref<!tpu.dma_semaphore, #tpu.memory_space<semaphore_mem>>)
    %slice3A_751 = vector.extract_strided_slice %get3A_582 {offsets = [14], sizes = [1], strides = [1]} : vector<16xi32> to vector<1xi32>
    %squeeze3A_752 = vector.extract %slice3A_751[0] : i32 from vector<1xi32>
    %dma_start3A_753 = arith.constant 62 : i32
    %dma_start3A_754 = arith.constant 0 : i32
    %dma_start3A_755 = tpu.memref_slice %arg6[%dma_start3A_753, %dma_start3A_754] : memref<512x64xf32, #tpu.memory_space<vmem>> -> memref<1x64xf32, #tpu.memory_space<vmem>>
    %dma_start3A_756 = arith.constant 0 : i32
    %dma_start3A_757 = tpu.memref_slice %arg3[%squeeze3A_752, %dma_start3A_756] : memref<100000x64xf32, #tpu.memory_space<hbm>> -> memref<1x64xf32, #tpu.memory_space<hbm>>
    %dma_start3A_758 = arith.constant 62 : i32
    %dma_start3A_759 = arith.constant 0 : i32
    %dma_start3A_760 = tpu.memref_slice %arg6[%dma_start3A_758, %dma_start3A_759] : memref<512x64xf32, #tpu.memory_space<vmem>> -> memref<1x64xf32, #tpu.memory_space<vmem>>
    %dma_start3A_761 = arith.constant 0 : i32
    %dma_start3A_762 = tpu.memref_slice %arg3[%squeeze3A_752, %dma_start3A_761] : memref<100000x64xf32, #tpu.memory_space<hbm>> -> memref<1x64xf32, #tpu.memory_space<hbm>>
    tpu.enqueue_dma source(%dma_start3A_762 : memref<1x64xf32, #tpu.memory_space<hbm>>) target(%dma_start3A_760 : memref<1x64xf32, #tpu.memory_space<vmem>>) target_semaphore(%arg7 : memref<!tpu.dma_semaphore, #tpu.memory_space<semaphore_mem>>)
    %slice3A_763 = vector.extract_strided_slice %get3A_582 {offsets = [15], sizes = [1], strides = [1]} : vector<16xi32> to vector<1xi32>
    %squeeze3A_764 = vector.extract %slice3A_763[0] : i32 from vector<1xi32>
    %dma_start3A_765 = arith.constant 63 : i32
    %dma_start3A_766 = arith.constant 0 : i32
    %dma_start3A_767 = tpu.memref_slice %arg6[%dma_start3A_765, %dma_start3A_766] : memref<512x64xf32, #tpu.memory_space<vmem>> -> memref<1x64xf32, #tpu.memory_space<vmem>>
    %dma_start3A_768 = arith.constant 0 : i32
    %dma_start3A_769 = tpu.memref_slice %arg3[%squeeze3A_764, %dma_start3A_768] : memref<100000x64xf32, #tpu.memory_space<hbm>> -> memref<1x64xf32, #tpu.memory_space<hbm>>
    %dma_start3A_770 = arith.constant 63 : i32
    %dma_start3A_771 = arith.constant 0 : i32
    %dma_start3A_772 = tpu.memref_slice %arg6[%dma_start3A_770, %dma_start3A_771] : memref<512x64xf32, #tpu.memory_space<vmem>> -> memref<1x64xf32, #tpu.memory_space<vmem>>
    %dma_start3A_773 = arith.constant 0 : i32
    %dma_start3A_774 = tpu.memref_slice %arg3[%squeeze3A_764, %dma_start3A_773] : memref<100000x64xf32, #tpu.memory_space<hbm>> -> memref<1x64xf32, #tpu.memory_space<hbm>>
    tpu.enqueue_dma source(%dma_start3A_774 : memref<1x64xf32, #tpu.memory_space<hbm>>) target(%dma_start3A_772 : memref<1x64xf32, #tpu.memory_space<vmem>>) target_semaphore(%arg7 : memref<!tpu.dma_semaphore, #tpu.memory_space<semaphore_mem>>)
    %get3A_775 = arith.constant 64 : index
    %get3A_776 = tpu.vector_load %arg5[%get3A_775] {strides = array<i32>} : memref<512xi32, #tpu.memory_space<vmem>>, vector<16xi32>,
    %slice3A_777 = vector.extract_strided_slice %get3A_776 {offsets = [0], sizes = [1], strides = [1]} : vector<16xi32> to vector<1xi32>
    %squeeze3A_778 = vector.extract %slice3A_777[0] : i32 from vector<1xi32>
    %dma_start3A_779 = arith.constant 64 : i32
    %dma_start3A_780 = arith.constant 0 : i32
    %dma_start3A_781 = tpu.memref_slice %arg6[%dma_start3A_779, %dma_start3A_780] : memref<512x64xf32, #tpu.memory_space<vmem>> -> memref<1x64xf32, #tpu.memory_space<vmem>>
    %dma_start3A_782 = arith.constant 0 : i32
    %dma_start3A_783 = tpu.memref_slice %arg3[%squeeze3A_778, %dma_start3A_782] : memref<100000x64xf32, #tpu.memory_space<hbm>> -> memref<1x64xf32, #tpu.memory_space<hbm>>
    %dma_start3A_784 = arith.constant 64 : i32
    %dma_start3A_785 = arith.constant 0 : i32
    %dma_start3A_786 = tpu.memref_slice %arg6[%dma_start3A_784, %dma_start3A_785] : memref<512x64xf32, #tpu.memory_space<vmem>> -> memref<1x64xf32, #tpu.memory_space<vmem>>
    %dma_start3A_787 = arith.constant 0 : i32
    %dma_start3A_788 = tpu.memref_slice %arg3[%squeeze3A_778, %dma_start3A_787] : memref<100000x64xf32, #tpu.memory_space<hbm>> -> memref<1x64xf32, #tpu.memory_space<hbm>>
    tpu.enqueue_dma source(%dma_start3A_788 : memref<1x64xf32, #tpu.memory_space<hbm>>) target(%dma_start3A_786 : memref<1x64xf32, #tpu.memory_space<vmem>>) target_semaphore(%arg7 : memref<!tpu.dma_semaphore, #tpu.memory_space<semaphore_mem>>)
    %slice3A_789 = vector.extract_strided_slice %get3A_776 {offsets = [1], sizes = [1], strides = [1]} : vector<16xi32> to vector<1xi32>
    %squeeze3A_790 = vector.extract %slice3A_789[0] : i32 from vector<1xi32>
    %dma_start3A_791 = arith.constant 65 : i32
    %dma_start3A_792 = arith.constant 0 : i32
    %dma_start3A_793 = tpu.memref_slice %arg6[%dma_start3A_791, %dma_start3A_792] : memref<512x64xf32, #tpu.memory_space<vmem>> -> memref<1x64xf32, #tpu.memory_space<vmem>>
    %dma_start3A_794 = arith.constant 0 : i32
    %dma_start3A_795 = tpu.memref_slice %arg3[%squeeze3A_790, %dma_start3A_794] : memref<100000x64xf32, #tpu.memory_space<hbm>> -> memref<1x64xf32, #tpu.memory_space<hbm>>
    %dma_start3A_796 = arith.constant 65 : i32
    %dma_start3A_797 = arith.constant 0 : i32
    %dma_start3A_798 = tpu.memref_slice %arg6[%dma_start3A_796, %dma_start3A_797] : memref<512x64xf32, #tpu.memory_space<vmem>> -> memref<1x64xf32, #tpu.memory_space<vmem>>
    %dma_start3A_799 = arith.constant 0 : i32
    %dma_start3A_800 = tpu.memref_slice %arg3[%squeeze3A_790, %dma_start3A_799] : memref<100000x64xf32, #tpu.memory_space<hbm>> -> memref<1x64xf32, #tpu.memory_space<hbm>>
    tpu.enqueue_dma source(%dma_start3A_800 : memref<1x64xf32, #tpu.memory_space<hbm>>) target(%dma_start3A_798 : memref<1x64xf32, #tpu.memory_space<vmem>>) target_semaphore(%arg7 : memref<!tpu.dma_semaphore, #tpu.memory_space<semaphore_mem>>)
    %slice3A_801 = vector.extract_strided_slice %get3A_776 {offsets = [2], sizes = [1], strides = [1]} : vector<16xi32> to vector<1xi32>
    %squeeze3A_802 = vector.extract %slice3A_801[0] : i32 from vector<1xi32>
    %dma_start3A_803 = arith.constant 66 : i32
    %dma_start3A_804 = arith.constant 0 : i32
    %dma_start3A_805 = tpu.memref_slice %arg6[%dma_start3A_803, %dma_start3A_804] : memref<512x64xf32, #tpu.memory_space<vmem>> -> memref<1x64xf32, #tpu.memory_space<vmem>>
    %dma_start3A_806 = arith.constant 0 : i32
    %dma_start3A_807 = tpu.memref_slice %arg3[%squeeze3A_802, %dma_start3A_806] : memref<100000x64xf32, #tpu.memory_space<hbm>> -> memref<1x64xf32, #tpu.memory_space<hbm>>
    %dma_start3A_808 = arith.constant 66 : i32
    %dma_start3A_809 = arith.constant 0 : i32
    %dma_start3A_810 = tpu.memref_slice %arg6[%dma_start3A_808, %dma_start3A_809] : memref<512x64xf32, #tpu.memory_space<vmem>> -> memref<1x64xf32, #tpu.memory_space<vmem>>
    %dma_start3A_811 = arith.constant 0 : i32
    %dma_start3A_812 = tpu.memref_slice %arg3[%squeeze3A_802, %dma_start3A_811] : memref<100000x64xf32, #tpu.memory_space<hbm>> -> memref<1x64xf32, #tpu.memory_space<hbm>>
    tpu.enqueue_dma source(%dma_start3A_812 : memref<1x64xf32, #tpu.memory_space<hbm>>) target(%dma_start3A_810 : memref<1x64xf32, #tpu.memory_space<vmem>>) target_semaphore(%arg7 : memref<!tpu.dma_semaphore, #tpu.memory_space<semaphore_mem>>)
    %slice3A_813 = vector.extract_strided_slice %get3A_776 {offsets = [3], sizes = [1], strides = [1]} : vector<16xi32> to vector<1xi32>
    %squeeze3A_814 = vector.extract %slice3A_813[0] : i32 from vector<1xi32>
    %dma_start3A_815 = arith.constant 67 : i32
    %dma_start3A_816 = arith.constant 0 : i32
    %dma_start3A_817 = tpu.memref_slice %arg6[%dma_start3A_815, %dma_start3A_816] : memref<512x64xf32, #tpu.memory_space<vmem>> -> memref<1x64xf32, #tpu.memory_space<vmem>>
    %dma_start3A_818 = arith.constant 0 : i32
    %dma_start3A_819 = tpu.memref_slice %arg3[%squeeze3A_814, %dma_start3A_818] : memref<100000x64xf32, #tpu.memory_space<hbm>> -> memref<1x64xf32, #tpu.memory_space<hbm>>
    %dma_start3A_820 = arith.constant 67 : i32
    %dma_start3A_821 = arith.constant 0 : i32
    %dma_start3A_822 = tpu.memref_slice %arg6[%dma_start3A_820, %dma_start3A_821] : memref<512x64xf32, #tpu.memory_space<vmem>> -> memref<1x64xf32, #tpu.memory_space<vmem>>
    %dma_start3A_823 = arith.constant 0 : i32
    %dma_start3A_824 = tpu.memref_slice %arg3[%squeeze3A_814, %dma_start3A_823] : memref<100000x64xf32, #tpu.memory_space<hbm>> -> memref<1x64xf32, #tpu.memory_space<hbm>>
    tpu.enqueue_dma source(%dma_start3A_824 : memref<1x64xf32, #tpu.memory_space<hbm>>) target(%dma_start3A_822 : memref<1x64xf32, #tpu.memory_space<vmem>>) target_semaphore(%arg7 : memref<!tpu.dma_semaphore, #tpu.memory_space<semaphore_mem>>)
    %slice3A_825 = vector.extract_strided_slice %get3A_776 {offsets = [4], sizes = [1], strides = [1]} : vector<16xi32> to vector<1xi32>
    %squeeze3A_826 = vector.extract %slice3A_825[0] : i32 from vector<1xi32>
    %dma_start3A_827 = arith.constant 68 : i32
    %dma_start3A_828 = arith.constant 0 : i32
    %dma_start3A_829 = tpu.memref_slice %arg6[%dma_start3A_827, %dma_start3A_828] : memref<512x64xf32, #tpu.memory_space<vmem>> -> memref<1x64xf32, #tpu.memory_space<vmem>>
    %dma_start3A_830 = arith.constant 0 : i32
    %dma_start3A_831 = tpu.memref_slice %arg3[%squeeze3A_826, %dma_start3A_830] : memref<100000x64xf32, #tpu.memory_space<hbm>> -> memref<1x64xf32, #tpu.memory_space<hbm>>
    %dma_start3A_832 = arith.constant 68 : i32
    %dma_start3A_833 = arith.constant 0 : i32
    %dma_start3A_834 = tpu.memref_slice %arg6[%dma_start3A_832, %dma_start3A_833] : memref<512x64xf32, #tpu.memory_space<vmem>> -> memref<1x64xf32, #tpu.memory_space<vmem>>
    %dma_start3A_835 = arith.constant 0 : i32
    %dma_start3A_836 = tpu.memref_slice %arg3[%squeeze3A_826, %dma_start3A_835] : memref<100000x64xf32, #tpu.memory_space<hbm>> -> memref<1x64xf32, #tpu.memory_space<hbm>>
    tpu.enqueue_dma source(%dma_start3A_836 : memref<1x64xf32, #tpu.memory_space<hbm>>) target(%dma_start3A_834 : memref<1x64xf32, #tpu.memory_space<vmem>>) target_semaphore(%arg7 : memref<!tpu.dma_semaphore, #tpu.memory_space<semaphore_mem>>)
    %slice3A_837 = vector.extract_strided_slice %get3A_776 {offsets = [5], sizes = [1], strides = [1]} : vector<16xi32> to vector<1xi32>
    %squeeze3A_838 = vector.extract %slice3A_837[0] : i32 from vector<1xi32>
    %dma_start3A_839 = arith.constant 69 : i32
    %dma_start3A_840 = arith.constant 0 : i32
    %dma_start3A_841 = tpu.memref_slice %arg6[%dma_start3A_839, %dma_start3A_840] : memref<512x64xf32, #tpu.memory_space<vmem>> -> memref<1x64xf32, #tpu.memory_space<vmem>>
    %dma_start3A_842 = arith.constant 0 : i32
    %dma_start3A_843 = tpu.memref_slice %arg3[%squeeze3A_838, %dma_start3A_842] : memref<100000x64xf32, #tpu.memory_space<hbm>> -> memref<1x64xf32, #tpu.memory_space<hbm>>
    %dma_start3A_844 = arith.constant 69 : i32
    %dma_start3A_845 = arith.constant 0 : i32
    %dma_start3A_846 = tpu.memref_slice %arg6[%dma_start3A_844, %dma_start3A_845] : memref<512x64xf32, #tpu.memory_space<vmem>> -> memref<1x64xf32, #tpu.memory_space<vmem>>
    %dma_start3A_847 = arith.constant 0 : i32
    %dma_start3A_848 = tpu.memref_slice %arg3[%squeeze3A_838, %dma_start3A_847] : memref<100000x64xf32, #tpu.memory_space<hbm>> -> memref<1x64xf32, #tpu.memory_space<hbm>>
    tpu.enqueue_dma source(%dma_start3A_848 : memref<1x64xf32, #tpu.memory_space<hbm>>) target(%dma_start3A_846 : memref<1x64xf32, #tpu.memory_space<vmem>>) target_semaphore(%arg7 : memref<!tpu.dma_semaphore, #tpu.memory_space<semaphore_mem>>)
    %slice3A_849 = vector.extract_strided_slice %get3A_776 {offsets = [6], sizes = [1], strides = [1]} : vector<16xi32> to vector<1xi32>
    %squeeze3A_850 = vector.extract %slice3A_849[0] : i32 from vector<1xi32>
    %dma_start3A_851 = arith.constant 70 : i32
    %dma_start3A_852 = arith.constant 0 : i32
    %dma_start3A_853 = tpu.memref_slice %arg6[%dma_start3A_851, %dma_start3A_852] : memref<512x64xf32, #tpu.memory_space<vmem>> -> memref<1x64xf32, #tpu.memory_space<vmem>>
    %dma_start3A_854 = arith.constant 0 : i32
    %dma_start3A_855 = tpu.memref_slice %arg3[%squeeze3A_850, %dma_start3A_854] : memref<100000x64xf32, #tpu.memory_space<hbm>> -> memref<1x64xf32, #tpu.memory_space<hbm>>
    %dma_start3A_856 = arith.constant 70 : i32
    %dma_start3A_857 = arith.constant 0 : i32
    %dma_start3A_858 = tpu.memref_slice %arg6[%dma_start3A_856, %dma_start3A_857] : memref<512x64xf32, #tpu.memory_space<vmem>> -> memref<1x64xf32, #tpu.memory_space<vmem>>
    %dma_start3A_859 = arith.constant 0 : i32
    %dma_start3A_860 = tpu.memref_slice %arg3[%squeeze3A_850, %dma_start3A_859] : memref<100000x64xf32, #tpu.memory_space<hbm>> -> memref<1x64xf32, #tpu.memory_space<hbm>>
    tpu.enqueue_dma source(%dma_start3A_860 : memref<1x64xf32, #tpu.memory_space<hbm>>) target(%dma_start3A_858 : memref<1x64xf32, #tpu.memory_space<vmem>>) target_semaphore(%arg7 : memref<!tpu.dma_semaphore, #tpu.memory_space<semaphore_mem>>)
    %slice3A_861 = vector.extract_strided_slice %get3A_776 {offsets = [7], sizes = [1], strides = [1]} : vector<16xi32> to vector<1xi32>
    %squeeze3A_862 = vector.extract %slice3A_861[0] : i32 from vector<1xi32>
    %dma_start3A_863 = arith.constant 71 : i32
    %dma_start3A_864 = arith.constant 0 : i32
    %dma_start3A_865 = tpu.memref_slice %arg6[%dma_start3A_863, %dma_start3A_864] : memref<512x64xf32, #tpu.memory_space<vmem>> -> memref<1x64xf32, #tpu.memory_space<vmem>>
    %dma_start3A_866 = arith.constant 0 : i32
    %dma_start3A_867 = tpu.memref_slice %arg3[%squeeze3A_862, %dma_start3A_866] : memref<100000x64xf32, #tpu.memory_space<hbm>> -> memref<1x64xf32, #tpu.memory_space<hbm>>
    %dma_start3A_868 = arith.constant 71 : i32
    %dma_start3A_869 = arith.constant 0 : i32
    %dma_start3A_870 = tpu.memref_slice %arg6[%dma_start3A_868, %dma_start3A_869] : memref<512x64xf32, #tpu.memory_space<vmem>> -> memref<1x64xf32, #tpu.memory_space<vmem>>
    %dma_start3A_871 = arith.constant 0 : i32
    %dma_start3A_872 = tpu.memref_slice %arg3[%squeeze3A_862, %dma_start3A_871] : memref<100000x64xf32, #tpu.memory_space<hbm>> -> memref<1x64xf32, #tpu.memory_space<hbm>>
    tpu.enqueue_dma source(%dma_start3A_872 : memref<1x64xf32, #tpu.memory_space<hbm>>) target(%dma_start3A_870 : memref<1x64xf32, #tpu.memory_space<vmem>>) target_semaphore(%arg7 : memref<!tpu.dma_semaphore, #tpu.memory_space<semaphore_mem>>)
    %slice3A_873 = vector.extract_strided_slice %get3A_776 {offsets = [8], sizes = [1], strides = [1]} : vector<16xi32> to vector<1xi32>
    %squeeze3A_874 = vector.extract %slice3A_873[0] : i32 from vector<1xi32>
    %dma_start3A_875 = arith.constant 72 : i32
    %dma_start3A_876 = arith.constant 0 : i32
    %dma_start3A_877 = tpu.memref_slice %arg6[%dma_start3A_875, %dma_start3A_876] : memref<512x64xf32, #tpu.memory_space<vmem>> -> memref<1x64xf32, #tpu.memory_space<vmem>>
    %dma_start3A_878 = arith.constant 0 : i32
    %dma_start3A_879 = tpu.memref_slice %arg3[%squeeze3A_874, %dma_start3A_878] : memref<100000x64xf32, #tpu.memory_space<hbm>> -> memref<1x64xf32, #tpu.memory_space<hbm>>
    %dma_start3A_880 = arith.constant 72 : i32
    %dma_start3A_881 = arith.constant 0 : i32
    %dma_start3A_882 = tpu.memref_slice %arg6[%dma_start3A_880, %dma_start3A_881] : memref<512x64xf32, #tpu.memory_space<vmem>> -> memref<1x64xf32, #tpu.memory_space<vmem>>
    %dma_start3A_883 = arith.constant 0 : i32
    %dma_start3A_884 = tpu.memref_slice %arg3[%squeeze3A_874, %dma_start3A_883] : memref<100000x64xf32, #tpu.memory_space<hbm>> -> memref<1x64xf32, #tpu.memory_space<hbm>>
    tpu.enqueue_dma source(%dma_start3A_884 : memref<1x64xf32, #tpu.memory_space<hbm>>) target(%dma_start3A_882 : memref<1x64xf32, #tpu.memory_space<vmem>>) target_semaphore(%arg7 : memref<!tpu.dma_semaphore, #tpu.memory_space<semaphore_mem>>)
    %slice3A_885 = vector.extract_strided_slice %get3A_776 {offsets = [9], sizes = [1], strides = [1]} : vector<16xi32> to vector<1xi32>
    %squeeze3A_886 = vector.extract %slice3A_885[0] : i32 from vector<1xi32>
    %dma_start3A_887 = arith.constant 73 : i32
    %dma_start3A_888 = arith.constant 0 : i32
    %dma_start3A_889 = tpu.memref_slice %arg6[%dma_start3A_887, %dma_start3A_888] : memref<512x64xf32, #tpu.memory_space<vmem>> -> memref<1x64xf32, #tpu.memory_space<vmem>>
    %dma_start3A_890 = arith.constant 0 : i32
    %dma_start3A_891 = tpu.memref_slice %arg3[%squeeze3A_886, %dma_start3A_890] : memref<100000x64xf32, #tpu.memory_space<hbm>> -> memref<1x64xf32, #tpu.memory_space<hbm>>
    %dma_start3A_892 = arith.constant 73 : i32
    %dma_start3A_893 = arith.constant 0 : i32
    %dma_start3A_894 = tpu.memref_slice %arg6[%dma_start3A_892, %dma_start3A_893] : memref<512x64xf32, #tpu.memory_space<vmem>> -> memref<1x64xf32, #tpu.memory_space<vmem>>
    %dma_start3A_895 = arith.constant 0 : i32
    %dma_start3A_896 = tpu.memref_slice %arg3[%squeeze3A_886, %dma_start3A_895] : memref<100000x64xf32, #tpu.memory_space<hbm>> -> memref<1x64xf32, #tpu.memory_space<hbm>>
    tpu.enqueue_dma source(%dma_start3A_896 : memref<1x64xf32, #tpu.memory_space<hbm>>) target(%dma_start3A_894 : memref<1x64xf32, #tpu.memory_space<vmem>>) target_semaphore(%arg7 : memref<!tpu.dma_semaphore, #tpu.memory_space<semaphore_mem>>)
    %slice3A_897 = vector.extract_strided_slice %get3A_776 {offsets = [10], sizes = [1], strides = [1]} : vector<16xi32> to vector<1xi32>
    %squeeze3A_898 = vector.extract %slice3A_897[0] : i32 from vector<1xi32>
    %dma_start3A_899 = arith.constant 74 : i32
    %dma_start3A_900 = arith.constant 0 : i32
    %dma_start3A_901 = tpu.memref_slice %arg6[%dma_start3A_899, %dma_start3A_900] : memref<512x64xf32, #tpu.memory_space<vmem>> -> memref<1x64xf32, #tpu.memory_space<vmem>>
    %dma_start3A_902 = arith.constant 0 : i32
    %dma_start3A_903 = tpu.memref_slice %arg3[%squeeze3A_898, %dma_start3A_902] : memref<100000x64xf32, #tpu.memory_space<hbm>> -> memref<1x64xf32, #tpu.memory_space<hbm>>
    %dma_start3A_904 = arith.constant 74 : i32
    %dma_start3A_905 = arith.constant 0 : i32
    %dma_start3A_906 = tpu.memref_slice %arg6[%dma_start3A_904, %dma_start3A_905] : memref<512x64xf32, #tpu.memory_space<vmem>> -> memref<1x64xf32, #tpu.memory_space<vmem>>
    %dma_start3A_907 = arith.constant 0 : i32
    %dma_start3A_908 = tpu.memref_slice %arg3[%squeeze3A_898, %dma_start3A_907] : memref<100000x64xf32, #tpu.memory_space<hbm>> -> memref<1x64xf32, #tpu.memory_space<hbm>>
    tpu.enqueue_dma source(%dma_start3A_908 : memref<1x64xf32, #tpu.memory_space<hbm>>) target(%dma_start3A_906 : memref<1x64xf32, #tpu.memory_space<vmem>>) target_semaphore(%arg7 : memref<!tpu.dma_semaphore, #tpu.memory_space<semaphore_mem>>)
    %slice3A_909 = vector.extract_strided_slice %get3A_776 {offsets = [11], sizes = [1], strides = [1]} : vector<16xi32> to vector<1xi32>
    %squeeze3A_910 = vector.extract %slice3A_909[0] : i32 from vector<1xi32>
    %dma_start3A_911 = arith.constant 75 : i32
    %dma_start3A_912 = arith.constant 0 : i32
    %dma_start3A_913 = tpu.memref_slice %arg6[%dma_start3A_911, %dma_start3A_912] : memref<512x64xf32, #tpu.memory_space<vmem>> -> memref<1x64xf32, #tpu.memory_space<vmem>>
    %dma_start3A_914 = arith.constant 0 : i32
    %dma_start3A_915 = tpu.memref_slice %arg3[%squeeze3A_910, %dma_start3A_914] : memref<100000x64xf32, #tpu.memory_space<hbm>> -> memref<1x64xf32, #tpu.memory_space<hbm>>
    %dma_start3A_916 = arith.constant 75 : i32
    %dma_start3A_917 = arith.constant 0 : i32
    %dma_start3A_918 = tpu.memref_slice %arg6[%dma_start3A_916, %dma_start3A_917] : memref<512x64xf32, #tpu.memory_space<vmem>> -> memref<1x64xf32, #tpu.memory_space<vmem>>
    %dma_start3A_919 = arith.constant 0 : i32
    %dma_start3A_920 = tpu.memref_slice %arg3[%squeeze3A_910, %dma_start3A_919] : memref<100000x64xf32, #tpu.memory_space<hbm>> -> memref<1x64xf32, #tpu.memory_space<hbm>>
    tpu.enqueue_dma source(%dma_start3A_920 : memref<1x64xf32, #tpu.memory_space<hbm>>) target(%dma_start3A_918 : memref<1x64xf32, #tpu.memory_space<vmem>>) target_semaphore(%arg7 : memref<!tpu.dma_semaphore, #tpu.memory_space<semaphore_mem>>)
    %slice3A_921 = vector.extract_strided_slice %get3A_776 {offsets = [12], sizes = [1], strides = [1]} : vector<16xi32> to vector<1xi32>
    %squeeze3A_922 = vector.extract %slice3A_921[0] : i32 from vector<1xi32>
    %dma_start3A_923 = arith.constant 76 : i32
    %dma_start3A_924 = arith.constant 0 : i32
    %dma_start3A_925 = tpu.memref_slice %arg6[%dma_start3A_923, %dma_start3A_924] : memref<512x64xf32, #tpu.memory_space<vmem>> -> memref<1x64xf32, #tpu.memory_space<vmem>>
    %dma_start3A_926 = arith.constant 0 : i32
    %dma_start3A_927 = tpu.memref_slice %arg3[%squeeze3A_922, %dma_start3A_926] : memref<100000x64xf32, #tpu.memory_space<hbm>> -> memref<1x64xf32, #tpu.memory_space<hbm>>
    %dma_start3A_928 = arith.constant 76 : i32
    %dma_start3A_929 = arith.constant 0 : i32
    %dma_start3A_930 = tpu.memref_slice %arg6[%dma_start3A_928, %dma_start3A_929] : memref<512x64xf32, #tpu.memory_space<vmem>> -> memref<1x64xf32, #tpu.memory_space<vmem>>
    %dma_start3A_931 = arith.constant 0 : i32
    %dma_start3A_932 = tpu.memref_slice %arg3[%squeeze3A_922, %dma_start3A_931] : memref<100000x64xf32, #tpu.memory_space<hbm>> -> memref<1x64xf32, #tpu.memory_space<hbm>>
    tpu.enqueue_dma source(%dma_start3A_932 : memref<1x64xf32, #tpu.memory_space<hbm>>) target(%dma_start3A_930 : memref<1x64xf32, #tpu.memory_space<vmem>>) target_semaphore(%arg7 : memref<!tpu.dma_semaphore, #tpu.memory_space<semaphore_mem>>)
    %slice3A_933 = vector.extract_strided_slice %get3A_776 {offsets = [13], sizes = [1], strides = [1]} : vector<16xi32> to vector<1xi32>
    %squeeze3A_934 = vector.extract %slice3A_933[0] : i32 from vector<1xi32>
    %dma_start3A_935 = arith.constant 77 : i32
    %dma_start3A_936 = arith.constant 0 : i32
    %dma_start3A_937 = tpu.memref_slice %arg6[%dma_start3A_935, %dma_start3A_936] : memref<512x64xf32, #tpu.memory_space<vmem>> -> memref<1x64xf32, #tpu.memory_space<vmem>>
    %dma_start3A_938 = arith.constant 0 : i32
    %dma_start3A_939 = tpu.memref_slice %arg3[%squeeze3A_934, %dma_start3A_938] : memref<100000x64xf32, #tpu.memory_space<hbm>> -> memref<1x64xf32, #tpu.memory_space<hbm>>
    %dma_start3A_940 = arith.constant 77 : i32
    %dma_start3A_941 = arith.constant 0 : i32
    %dma_start3A_942 = tpu.memref_slice %arg6[%dma_start3A_940, %dma_start3A_941] : memref<512x64xf32, #tpu.memory_space<vmem>> -> memref<1x64xf32, #tpu.memory_space<vmem>>
    %dma_start3A_943 = arith.constant 0 : i32
    %dma_start3A_944 = tpu.memref_slice %arg3[%squeeze3A_934, %dma_start3A_943] : memref<100000x64xf32, #tpu.memory_space<hbm>> -> memref<1x64xf32, #tpu.memory_space<hbm>>
    tpu.enqueue_dma source(%dma_start3A_944 : memref<1x64xf32, #tpu.memory_space<hbm>>) target(%dma_start3A_942 : memref<1x64xf32, #tpu.memory_space<vmem>>) target_semaphore(%arg7 : memref<!tpu.dma_semaphore, #tpu.memory_space<semaphore_mem>>)
    %slice3A_945 = vector.extract_strided_slice %get3A_776 {offsets = [14], sizes = [1], strides = [1]} : vector<16xi32> to vector<1xi32>
    %squeeze3A_946 = vector.extract %slice3A_945[0] : i32 from vector<1xi32>
    %dma_start3A_947 = arith.constant 78 : i32
    %dma_start3A_948 = arith.constant 0 : i32
    %dma_start3A_949 = tpu.memref_slice %arg6[%dma_start3A_947, %dma_start3A_948] : memref<512x64xf32, #tpu.memory_space<vmem>> -> memref<1x64xf32, #tpu.memory_space<vmem>>
    %dma_start3A_950 = arith.constant 0 : i32
    %dma_start3A_951 = tpu.memref_slice %arg3[%squeeze3A_946, %dma_start3A_950] : memref<100000x64xf32, #tpu.memory_space<hbm>> -> memref<1x64xf32, #tpu.memory_space<hbm>>
    %dma_start3A_952 = arith.constant 78 : i32
    %dma_start3A_953 = arith.constant 0 : i32
    %dma_start3A_954 = tpu.memref_slice %arg6[%dma_start3A_952, %dma_start3A_953] : memref<512x64xf32, #tpu.memory_space<vmem>> -> memref<1x64xf32, #tpu.memory_space<vmem>>
    %dma_start3A_955 = arith.constant 0 : i32
    %dma_start3A_956 = tpu.memref_slice %arg3[%squeeze3A_946, %dma_start3A_955] : memref<100000x64xf32, #tpu.memory_space<hbm>> -> memref<1x64xf32, #tpu.memory_space<hbm>>
    tpu.enqueue_dma source(%dma_start3A_956 : memref<1x64xf32, #tpu.memory_space<hbm>>) target(%dma_start3A_954 : memref<1x64xf32, #tpu.memory_space<vmem>>) target_semaphore(%arg7 : memref<!tpu.dma_semaphore, #tpu.memory_space<semaphore_mem>>)
    %slice3A_957 = vector.extract_strided_slice %get3A_776 {offsets = [15], sizes = [1], strides = [1]} : vector<16xi32> to vector<1xi32>
    %squeeze3A_958 = vector.extract %slice3A_957[0] : i32 from vector<1xi32>
    %dma_start3A_959 = arith.constant 79 : i32
    %dma_start3A_960 = arith.constant 0 : i32
    %dma_start3A_961 = tpu.memref_slice %arg6[%dma_start3A_959, %dma_start3A_960] : memref<512x64xf32, #tpu.memory_space<vmem>> -> memref<1x64xf32, #tpu.memory_space<vmem>>
    %dma_start3A_962 = arith.constant 0 : i32
    %dma_start3A_963 = tpu.memref_slice %arg3[%squeeze3A_958, %dma_start3A_962] : memref<100000x64xf32, #tpu.memory_space<hbm>> -> memref<1x64xf32, #tpu.memory_space<hbm>>
    %dma_start3A_964 = arith.constant 79 : i32
    %dma_start3A_965 = arith.constant 0 : i32
    %dma_start3A_966 = tpu.memref_slice %arg6[%dma_start3A_964, %dma_start3A_965] : memref<512x64xf32, #tpu.memory_space<vmem>> -> memref<1x64xf32, #tpu.memory_space<vmem>>
    %dma_start3A_967 = arith.constant 0 : i32
    %dma_start3A_968 = tpu.memref_slice %arg3[%squeeze3A_958, %dma_start3A_967] : memref<100000x64xf32, #tpu.memory_space<hbm>> -> memref<1x64xf32, #tpu.memory_space<hbm>>
    tpu.enqueue_dma source(%dma_start3A_968 : memref<1x64xf32, #tpu.memory_space<hbm>>) target(%dma_start3A_966 : memref<1x64xf32, #tpu.memory_space<vmem>>) target_semaphore(%arg7 : memref<!tpu.dma_semaphore, #tpu.memory_space<semaphore_mem>>)
    %get3A_969 = arith.constant 80 : index
    %get3A_970 = tpu.vector_load %arg5[%get3A_969] {strides = array<i32>} : memref<512xi32, #tpu.memory_space<vmem>>, vector<16xi32>,
    %slice3A_971 = vector.extract_strided_slice %get3A_970 {offsets = [0], sizes = [1], strides = [1]} : vector<16xi32> to vector<1xi32>
    %squeeze3A_972 = vector.extract %slice3A_971[0] : i32 from vector<1xi32>
    %dma_start3A_973 = arith.constant 80 : i32
    %dma_start3A_974 = arith.constant 0 : i32
    %dma_start3A_975 = tpu.memref_slice %arg6[%dma_start3A_973, %dma_start3A_974] : memref<512x64xf32, #tpu.memory_space<vmem>> -> memref<1x64xf32, #tpu.memory_space<vmem>>
    %dma_start3A_976 = arith.constant 0 : i32
    %dma_start3A_977 = tpu.memref_slice %arg3[%squeeze3A_972, %dma_start3A_976] : memref<100000x64xf32, #tpu.memory_space<hbm>> -> memref<1x64xf32, #tpu.memory_space<hbm>>
    %dma_start3A_978 = arith.constant 80 : i32
    %dma_start3A_979 = arith.constant 0 : i32
    %dma_start3A_980 = tpu.memref_slice %arg6[%dma_start3A_978, %dma_start3A_979] : memref<512x64xf32, #tpu.memory_space<vmem>> -> memref<1x64xf32, #tpu.memory_space<vmem>>
    %dma_start3A_981 = arith.constant 0 : i32
    %dma_start3A_982 = tpu.memref_slice %arg3[%squeeze3A_972, %dma_start3A_981] : memref<100000x64xf32, #tpu.memory_space<hbm>> -> memref<1x64xf32, #tpu.memory_space<hbm>>
    tpu.enqueue_dma source(%dma_start3A_982 : memref<1x64xf32, #tpu.memory_space<hbm>>) target(%dma_start3A_980 : memref<1x64xf32, #tpu.memory_space<vmem>>) target_semaphore(%arg7 : memref<!tpu.dma_semaphore, #tpu.memory_space<semaphore_mem>>)
    %slice3A_983 = vector.extract_strided_slice %get3A_970 {offsets = [1], sizes = [1], strides = [1]} : vector<16xi32> to vector<1xi32>
    %squeeze3A_984 = vector.extract %slice3A_983[0] : i32 from vector<1xi32>
    %dma_start3A_985 = arith.constant 81 : i32
    %dma_start3A_986 = arith.constant 0 : i32
    %dma_start3A_987 = tpu.memref_slice %arg6[%dma_start3A_985, %dma_start3A_986] : memref<512x64xf32, #tpu.memory_space<vmem>> -> memref<1x64xf32, #tpu.memory_space<vmem>>
    %dma_start3A_988 = arith.constant 0 : i32
    %dma_start3A_989 = tpu.memref_slice %arg3[%squeeze3A_984, %dma_start3A_988] : memref<100000x64xf32, #tpu.memory_space<hbm>> -> memref<1x64xf32, #tpu.memory_space<hbm>>
    %dma_start3A_990 = arith.constant 81 : i32
    %dma_start3A_991 = arith.constant 0 : i32
    %dma_start3A_992 = tpu.memref_slice %arg6[%dma_start3A_990, %dma_start3A_991] : memref<512x64xf32, #tpu.memory_space<vmem>> -> memref<1x64xf32, #tpu.memory_space<vmem>>
    %dma_start3A_993 = arith.constant 0 : i32
    %dma_start3A_994 = tpu.memref_slice %arg3[%squeeze3A_984, %dma_start3A_993] : memref<100000x64xf32, #tpu.memory_space<hbm>> -> memref<1x64xf32, #tpu.memory_space<hbm>>
    tpu.enqueue_dma source(%dma_start3A_994 : memref<1x64xf32, #tpu.memory_space<hbm>>) target(%dma_start3A_992 : memref<1x64xf32, #tpu.memory_space<vmem>>) target_semaphore(%arg7 : memref<!tpu.dma_semaphore, #tpu.memory_space<semaphore_mem>>)
    %slice3A_995 = vector.extract_strided_slice %get3A_970 {offsets = [2], sizes = [1], strides = [1]} : vector<16xi32> to vector<1xi32>
    %squeeze3A_996 = vector.extract %slice3A_995[0] : i32 from vector<1xi32>
    %dma_start3A_997 = arith.constant 82 : i32
    %dma_start3A_998 = arith.constant 0 : i32
    %dma_start3A_999 = tpu.memref_slice %arg6[%dma_start3A_997, %dma_start3A_998] : memref<512x64xf32, #tpu.memory_space<vmem>> -> memref<1x64xf32, #tpu.memory_space<vmem>>
    %dma_start3A_1000 = arith.constant 0 : i32
    %dma_start3A_1001 = tpu.memref_slice %arg3[%squeeze3A_996, %dma_start3A_1000] : memref<100000x64xf32, #tpu.memory_space<hbm>> -> memref<1x64xf32, #tpu.memory_space<hbm>>
    %dma_start3A_1002 = arith.constant 82 : i32
    %dma_start3A_1003 = arith.constant 0 : i32
    %dma_start3A_1004 = tpu.memref_slice %arg6[%dma_start3A_1002, %dma_start3A_1003] : memref<512x64xf32, #tpu.memory_space<vmem>> -> memref<1x64xf32, #tpu.memory_space<vmem>>
    %dma_start3A_1005 = arith.constant 0 : i32
    %dma_start3A_1006 = tpu.memref_slice %arg3[%squeeze3A_996, %dma_start3A_1005] : memref<100000x64xf32, #tpu.memory_space<hbm>> -> memref<1x64xf32, #tpu.memory_space<hbm>>
    tpu.enqueue_dma source(%dma_start3A_1006 : memref<1x64xf32, #tpu.memory_space<hbm>>) target(%dma_start3A_1004 : memref<1x64xf32, #tpu.memory_space<vmem>>) target_semaphore(%arg7 : memref<!tpu.dma_semaphore, #tpu.memory_space<semaphore_mem>>)
    %slice3A_1007 = vector.extract_strided_slice %get3A_970 {offsets = [3], sizes = [1], strides = [1]} : vector<16xi32> to vector<1xi32>
    %squeeze3A_1008 = vector.extract %slice3A_1007[0] : i32 from vector<1xi32>
    %dma_start3A_1009 = arith.constant 83 : i32
    %dma_start3A_1010 = arith.constant 0 : i32
    %dma_start3A_1011 = tpu.memref_slice %arg6[%dma_start3A_1009, %dma_start3A_1010] : memref<512x64xf32, #tpu.memory_space<vmem>> -> memref<1x64xf32, #tpu.memory_space<vmem>>
    %dma_start3A_1012 = arith.constant 0 : i32
    %dma_start3A_1013 = tpu.memref_slice %arg3[%squeeze3A_1008, %dma_start3A_1012] : memref<100000x64xf32, #tpu.memory_space<hbm>> -> memref<1x64xf32, #tpu.memory_space<hbm>>
    %dma_start3A_1014 = arith.constant 83 : i32
    %dma_start3A_1015 = arith.constant 0 : i32
    %dma_start3A_1016 = tpu.memref_slice %arg6[%dma_start3A_1014, %dma_start3A_1015] : memref<512x64xf32, #tpu.memory_space<vmem>> -> memref<1x64xf32, #tpu.memory_space<vmem>>
    %dma_start3A_1017 = arith.constant 0 : i32
    %dma_start3A_1018 = tpu.memref_slice %arg3[%squeeze3A_1008, %dma_start3A_1017] : memref<100000x64xf32, #tpu.memory_space<hbm>> -> memref<1x64xf32, #tpu.memory_space<hbm>>
    tpu.enqueue_dma source(%dma_start3A_1018 : memref<1x64xf32, #tpu.memory_space<hbm>>) target(%dma_start3A_1016 : memref<1x64xf32, #tpu.memory_space<vmem>>) target_semaphore(%arg7 : memref<!tpu.dma_semaphore, #tpu.memory_space<semaphore_mem>>)
    %slice3A_1019 = vector.extract_strided_slice %get3A_970 {offsets = [4], sizes = [1], strides = [1]} : vector<16xi32> to vector<1xi32>
    %squeeze3A_1020 = vector.extract %slice3A_1019[0] : i32 from vector<1xi32>
    %dma_start3A_1021 = arith.constant 84 : i32
    %dma_start3A_1022 = arith.constant 0 : i32
    %dma_start3A_1023 = tpu.memref_slice %arg6[%dma_start3A_1021, %dma_start3A_1022] : memref<512x64xf32, #tpu.memory_space<vmem>> -> memref<1x64xf32, #tpu.memory_space<vmem>>
    %dma_start3A_1024 = arith.constant 0 : i32
    %dma_start3A_1025 = tpu.memref_slice %arg3[%squeeze3A_1020, %dma_start3A_1024] : memref<100000x64xf32, #tpu.memory_space<hbm>> -> memref<1x64xf32, #tpu.memory_space<hbm>>
    %dma_start3A_1026 = arith.constant 84 : i32
    %dma_start3A_1027 = arith.constant 0 : i32
    %dma_start3A_1028 = tpu.memref_slice %arg6[%dma_start3A_1026, %dma_start3A_1027] : memref<512x64xf32, #tpu.memory_space<vmem>> -> memref<1x64xf32, #tpu.memory_space<vmem>>
    %dma_start3A_1029 = arith.constant 0 : i32
    %dma_start3A_1030 = tpu.memref_slice %arg3[%squeeze3A_1020, %dma_start3A_1029] : memref<100000x64xf32, #tpu.memory_space<hbm>> -> memref<1x64xf32, #tpu.memory_space<hbm>>
    tpu.enqueue_dma source(%dma_start3A_1030 : memref<1x64xf32, #tpu.memory_space<hbm>>) target(%dma_start3A_1028 : memref<1x64xf32, #tpu.memory_space<vmem>>) target_semaphore(%arg7 : memref<!tpu.dma_semaphore, #tpu.memory_space<semaphore_mem>>)
    %slice3A_1031 = vector.extract_strided_slice %get3A_970 {offsets = [5], sizes = [1], strides = [1]} : vector<16xi32> to vector<1xi32>
    %squeeze3A_1032 = vector.extract %slice3A_1031[0] : i32 from vector<1xi32>
    %dma_start3A_1033 = arith.constant 85 : i32
    %dma_start3A_1034 = arith.constant 0 : i32
    %dma_start3A_1035 = tpu.memref_slice %arg6[%dma_start3A_1033, %dma_start3A_1034] : memref<512x64xf32, #tpu.memory_space<vmem>> -> memref<1x64xf32, #tpu.memory_space<vmem>>
    %dma_start3A_1036 = arith.constant 0 : i32
    %dma_start3A_1037 = tpu.memref_slice %arg3[%squeeze3A_1032, %dma_start3A_1036] : memref<100000x64xf32, #tpu.memory_space<hbm>> -> memref<1x64xf32, #tpu.memory_space<hbm>>
    %dma_start3A_1038 = arith.constant 85 : i32
    %dma_start3A_1039 = arith.constant 0 : i32
    %dma_start3A_1040 = tpu.memref_slice %arg6[%dma_start3A_1038, %dma_start3A_1039] : memref<512x64xf32, #tpu.memory_space<vmem>> -> memref<1x64xf32, #tpu.memory_space<vmem>>
    %dma_start3A_1041 = arith.constant 0 : i32
    %dma_start3A_1042 = tpu.memref_slice %arg3[%squeeze3A_1032, %dma_start3A_1041] : memref<100000x64xf32, #tpu.memory_space<hbm>> -> memref<1x64xf32, #tpu.memory_space<hbm>>
    tpu.enqueue_dma source(%dma_start3A_1042 : memref<1x64xf32, #tpu.memory_space<hbm>>) target(%dma_start3A_1040 : memref<1x64xf32, #tpu.memory_space<vmem>>) target_semaphore(%arg7 : memref<!tpu.dma_semaphore, #tpu.memory_space<semaphore_mem>>)
    %slice3A_1043 = vector.extract_strided_slice %get3A_970 {offsets = [6], sizes = [1], strides = [1]} : vector<16xi32> to vector<1xi32>
    %squeeze3A_1044 = vector.extract %slice3A_1043[0] : i32 from vector<1xi32>
    %dma_start3A_1045 = arith.constant 86 : i32
    %dma_start3A_1046 = arith.constant 0 : i32
    %dma_start3A_1047 = tpu.memref_slice %arg6[%dma_start3A_1045, %dma_start3A_1046] : memref<512x64xf32, #tpu.memory_space<vmem>> -> memref<1x64xf32, #tpu.memory_space<vmem>>
    %dma_start3A_1048 = arith.constant 0 : i32
    %dma_start3A_1049 = tpu.memref_slice %arg3[%squeeze3A_1044, %dma_start3A_1048] : memref<100000x64xf32, #tpu.memory_space<hbm>> -> memref<1x64xf32, #tpu.memory_space<hbm>>
    %dma_start3A_1050 = arith.constant 86 : i32
    %dma_start3A_1051 = arith.constant 0 : i32
    %dma_start3A_1052 = tpu.memref_slice %arg6[%dma_start3A_1050, %dma_start3A_1051] : memref<512x64xf32, #tpu.memory_space<vmem>> -> memref<1x64xf32, #tpu.memory_space<vmem>>
    %dma_start3A_1053 = arith.constant 0 : i32
    %dma_start3A_1054 = tpu.memref_slice %arg3[%squeeze3A_1044, %dma_start3A_1053] : memref<100000x64xf32, #tpu.memory_space<hbm>> -> memref<1x64xf32, #tpu.memory_space<hbm>>
    tpu.enqueue_dma source(%dma_start3A_1054 : memref<1x64xf32, #tpu.memory_space<hbm>>) target(%dma_start3A_1052 : memref<1x64xf32, #tpu.memory_space<vmem>>) target_semaphore(%arg7 : memref<!tpu.dma_semaphore, #tpu.memory_space<semaphore_mem>>)
    %slice3A_1055 = vector.extract_strided_slice %get3A_970 {offsets = [7], sizes = [1], strides = [1]} : vector<16xi32> to vector<1xi32>
    %squeeze3A_1056 = vector.extract %slice3A_1055[0] : i32 from vector<1xi32>
    %dma_start3A_1057 = arith.constant 87 : i32
    %dma_start3A_1058 = arith.constant 0 : i32
    %dma_start3A_1059 = tpu.memref_slice %arg6[%dma_start3A_1057, %dma_start3A_1058] : memref<512x64xf32, #tpu.memory_space<vmem>> -> memref<1x64xf32, #tpu.memory_space<vmem>>
    %dma_start3A_1060 = arith.constant 0 : i32
    %dma_start3A_1061 = tpu.memref_slice %arg3[%squeeze3A_1056, %dma_start3A_1060] : memref<100000x64xf32, #tpu.memory_space<hbm>> -> memref<1x64xf32, #tpu.memory_space<hbm>>
    %dma_start3A_1062 = arith.constant 87 : i32
    %dma_start3A_1063 = arith.constant 0 : i32
    %dma_start3A_1064 = tpu.memref_slice %arg6[%dma_start3A_1062, %dma_start3A_1063] : memref<512x64xf32, #tpu.memory_space<vmem>> -> memref<1x64xf32, #tpu.memory_space<vmem>>
    %dma_start3A_1065 = arith.constant 0 : i32
    %dma_start3A_1066 = tpu.memref_slice %arg3[%squeeze3A_1056, %dma_start3A_1065] : memref<100000x64xf32, #tpu.memory_space<hbm>> -> memref<1x64xf32, #tpu.memory_space<hbm>>
    tpu.enqueue_dma source(%dma_start3A_1066 : memref<1x64xf32, #tpu.memory_space<hbm>>) target(%dma_start3A_1064 : memref<1x64xf32, #tpu.memory_space<vmem>>) target_semaphore(%arg7 : memref<!tpu.dma_semaphore, #tpu.memory_space<semaphore_mem>>)
    %slice3A_1067 = vector.extract_strided_slice %get3A_970 {offsets = [8], sizes = [1], strides = [1]} : vector<16xi32> to vector<1xi32>
    %squeeze3A_1068 = vector.extract %slice3A_1067[0] : i32 from vector<1xi32>
    %dma_start3A_1069 = arith.constant 88 : i32
    %dma_start3A_1070 = arith.constant 0 : i32
    %dma_start3A_1071 = tpu.memref_slice %arg6[%dma_start3A_1069, %dma_start3A_1070] : memref<512x64xf32, #tpu.memory_space<vmem>> -> memref<1x64xf32, #tpu.memory_space<vmem>>
    %dma_start3A_1072 = arith.constant 0 : i32
    %dma_start3A_1073 = tpu.memref_slice %arg3[%squeeze3A_1068, %dma_start3A_1072] : memref<100000x64xf32, #tpu.memory_space<hbm>> -> memref<1x64xf32, #tpu.memory_space<hbm>>
    %dma_start3A_1074 = arith.constant 88 : i32
    %dma_start3A_1075 = arith.constant 0 : i32
    %dma_start3A_1076 = tpu.memref_slice %arg6[%dma_start3A_1074, %dma_start3A_1075] : memref<512x64xf32, #tpu.memory_space<vmem>> -> memref<1x64xf32, #tpu.memory_space<vmem>>
    %dma_start3A_1077 = arith.constant 0 : i32
    %dma_start3A_1078 = tpu.memref_slice %arg3[%squeeze3A_1068, %dma_start3A_1077] : memref<100000x64xf32, #tpu.memory_space<hbm>> -> memref<1x64xf32, #tpu.memory_space<hbm>>
    tpu.enqueue_dma source(%dma_start3A_1078 : memref<1x64xf32, #tpu.memory_space<hbm>>) target(%dma_start3A_1076 : memref<1x64xf32, #tpu.memory_space<vmem>>) target_semaphore(%arg7 : memref<!tpu.dma_semaphore, #tpu.memory_space<semaphore_mem>>)
    %slice3A_1079 = vector.extract_strided_slice %get3A_970 {offsets = [9], sizes = [1], strides = [1]} : vector<16xi32> to vector<1xi32>
    %squeeze3A_1080 = vector.extract %slice3A_1079[0] : i32 from vector<1xi32>
    %dma_start3A_1081 = arith.constant 89 : i32
    %dma_start3A_1082 = arith.constant 0 : i32
    %dma_start3A_1083 = tpu.memref_slice %arg6[%dma_start3A_1081, %dma_start3A_1082] : memref<512x64xf32, #tpu.memory_space<vmem>> -> memref<1x64xf32, #tpu.memory_space<vmem>>
    %dma_start3A_1084 = arith.constant 0 : i32
    %dma_start3A_1085 = tpu.memref_slice %arg3[%squeeze3A_1080, %dma_start3A_1084] : memref<100000x64xf32, #tpu.memory_space<hbm>> -> memref<1x64xf32, #tpu.memory_space<hbm>>
    %dma_start3A_1086 = arith.constant 89 : i32
    %dma_start3A_1087 = arith.constant 0 : i32
    %dma_start3A_1088 = tpu.memref_slice %arg6[%dma_start3A_1086, %dma_start3A_1087] : memref<512x64xf32, #tpu.memory_space<vmem>> -> memref<1x64xf32, #tpu.memory_space<vmem>>
    %dma_start3A_1089 = arith.constant 0 : i32
    %dma_start3A_1090 = tpu.memref_slice %arg3[%squeeze3A_1080, %dma_start3A_1089] : memref<100000x64xf32, #tpu.memory_space<hbm>> -> memref<1x64xf32, #tpu.memory_space<hbm>>
    tpu.enqueue_dma source(%dma_start3A_1090 : memref<1x64xf32, #tpu.memory_space<hbm>>) target(%dma_start3A_1088 : memref<1x64xf32, #tpu.memory_space<vmem>>) target_semaphore(%arg7 : memref<!tpu.dma_semaphore, #tpu.memory_space<semaphore_mem>>)
    %slice3A_1091 = vector.extract_strided_slice %get3A_970 {offsets = [10], sizes = [1], strides = [1]} : vector<16xi32> to vector<1xi32>
    %squeeze3A_1092 = vector.extract %slice3A_1091[0] : i32 from vector<1xi32>
    %dma_start3A_1093 = arith.constant 90 : i32
    %dma_start3A_1094 = arith.constant 0 : i32
    %dma_start3A_1095 = tpu.memref_slice %arg6[%dma_start3A_1093, %dma_start3A_1094] : memref<512x64xf32, #tpu.memory_space<vmem>> -> memref<1x64xf32, #tpu.memory_space<vmem>>
    %dma_start3A_1096 = arith.constant 0 : i32
    %dma_start3A_1097 = tpu.memref_slice %arg3[%squeeze3A_1092, %dma_start3A_1096] : memref<100000x64xf32, #tpu.memory_space<hbm>> -> memref<1x64xf32, #tpu.memory_space<hbm>>
    %dma_start3A_1098 = arith.constant 90 : i32
    %dma_start3A_1099 = arith.constant 0 : i32
    %dma_start3A_1100 = tpu.memref_slice %arg6[%dma_start3A_1098, %dma_start3A_1099] : memref<512x64xf32, #tpu.memory_space<vmem>> -> memref<1x64xf32, #tpu.memory_space<vmem>>
    %dma_start3A_1101 = arith.constant 0 : i32
    %dma_start3A_1102 = tpu.memref_slice %arg3[%squeeze3A_1092, %dma_start3A_1101] : memref<100000x64xf32, #tpu.memory_space<hbm>> -> memref<1x64xf32, #tpu.memory_space<hbm>>
    tpu.enqueue_dma source(%dma_start3A_1102 : memref<1x64xf32, #tpu.memory_space<hbm>>) target(%dma_start3A_1100 : memref<1x64xf32, #tpu.memory_space<vmem>>) target_semaphore(%arg7 : memref<!tpu.dma_semaphore, #tpu.memory_space<semaphore_mem>>)
    %slice3A_1103 = vector.extract_strided_slice %get3A_970 {offsets = [11], sizes = [1], strides = [1]} : vector<16xi32> to vector<1xi32>
    %squeeze3A_1104 = vector.extract %slice3A_1103[0] : i32 from vector<1xi32>
    %dma_start3A_1105 = arith.constant 91 : i32
    %dma_start3A_1106 = arith.constant 0 : i32
    %dma_start3A_1107 = tpu.memref_slice %arg6[%dma_start3A_1105, %dma_start3A_1106] : memref<512x64xf32, #tpu.memory_space<vmem>> -> memref<1x64xf32, #tpu.memory_space<vmem>>
    %dma_start3A_1108 = arith.constant 0 : i32
    %dma_start3A_1109 = tpu.memref_slice %arg3[%squeeze3A_1104, %dma_start3A_1108] : memref<100000x64xf32, #tpu.memory_space<hbm>> -> memref<1x64xf32, #tpu.memory_space<hbm>>
    %dma_start3A_1110 = arith.constant 91 : i32
    %dma_start3A_1111 = arith.constant 0 : i32
    %dma_start3A_1112 = tpu.memref_slice %arg6[%dma_start3A_1110, %dma_start3A_1111] : memref<512x64xf32, #tpu.memory_space<vmem>> -> memref<1x64xf32, #tpu.memory_space<vmem>>
    %dma_start3A_1113 = arith.constant 0 : i32
    %dma_start3A_1114 = tpu.memref_slice %arg3[%squeeze3A_1104, %dma_start3A_1113] : memref<100000x64xf32, #tpu.memory_space<hbm>> -> memref<1x64xf32, #tpu.memory_space<hbm>>
    tpu.enqueue_dma source(%dma_start3A_1114 : memref<1x64xf32, #tpu.memory_space<hbm>>) target(%dma_start3A_1112 : memref<1x64xf32, #tpu.memory_space<vmem>>) target_semaphore(%arg7 : memref<!tpu.dma_semaphore, #tpu.memory_space<semaphore_mem>>)
    %slice3A_1115 = vector.extract_strided_slice %get3A_970 {offsets = [12], sizes = [1], strides = [1]} : vector<16xi32> to vector<1xi32>
    %squeeze3A_1116 = vector.extract %slice3A_1115[0] : i32 from vector<1xi32>
    %dma_start3A_1117 = arith.constant 92 : i32
    %dma_start3A_1118 = arith.constant 0 : i32
    %dma_start3A_1119 = tpu.memref_slice %arg6[%dma_start3A_1117, %dma_start3A_1118] : memref<512x64xf32, #tpu.memory_space<vmem>> -> memref<1x64xf32, #tpu.memory_space<vmem>>
    %dma_start3A_1120 = arith.constant 0 : i32
    %dma_start3A_1121 = tpu.memref_slice %arg3[%squeeze3A_1116, %dma_start3A_1120] : memref<100000x64xf32, #tpu.memory_space<hbm>> -> memref<1x64xf32, #tpu.memory_space<hbm>>
    %dma_start3A_1122 = arith.constant 92 : i32
    %dma_start3A_1123 = arith.constant 0 : i32
    %dma_start3A_1124 = tpu.memref_slice %arg6[%dma_start3A_1122, %dma_start3A_1123] : memref<512x64xf32, #tpu.memory_space<vmem>> -> memref<1x64xf32, #tpu.memory_space<vmem>>
    %dma_start3A_1125 = arith.constant 0 : i32
    %dma_start3A_1126 = tpu.memref_slice %arg3[%squeeze3A_1116, %dma_start3A_1125] : memref<100000x64xf32, #tpu.memory_space<hbm>> -> memref<1x64xf32, #tpu.memory_space<hbm>>
    tpu.enqueue_dma source(%dma_start3A_1126 : memref<1x64xf32, #tpu.memory_space<hbm>>) target(%dma_start3A_1124 : memref<1x64xf32, #tpu.memory_space<vmem>>) target_semaphore(%arg7 : memref<!tpu.dma_semaphore, #tpu.memory_space<semaphore_mem>>)
    %slice3A_1127 = vector.extract_strided_slice %get3A_970 {offsets = [13], sizes = [1], strides = [1]} : vector<16xi32> to vector<1xi32>
    %squeeze3A_1128 = vector.extract %slice3A_1127[0] : i32 from vector<1xi32>
    %dma_start3A_1129 = arith.constant 93 : i32
    %dma_start3A_1130 = arith.constant 0 : i32
    %dma_start3A_1131 = tpu.memref_slice %arg6[%dma_start3A_1129, %dma_start3A_1130] : memref<512x64xf32, #tpu.memory_space<vmem>> -> memref<1x64xf32, #tpu.memory_space<vmem>>
    %dma_start3A_1132 = arith.constant 0 : i32
    %dma_start3A_1133 = tpu.memref_slice %arg3[%squeeze3A_1128, %dma_start3A_1132] : memref<100000x64xf32, #tpu.memory_space<hbm>> -> memref<1x64xf32, #tpu.memory_space<hbm>>
    %dma_start3A_1134 = arith.constant 93 : i32
    %dma_start3A_1135 = arith.constant 0 : i32
    %dma_start3A_1136 = tpu.memref_slice %arg6[%dma_start3A_1134, %dma_start3A_1135] : memref<512x64xf32, #tpu.memory_space<vmem>> -> memref<1x64xf32, #tpu.memory_space<vmem>>
    %dma_start3A_1137 = arith.constant 0 : i32
    %dma_start3A_1138 = tpu.memref_slice %arg3[%squeeze3A_1128, %dma_start3A_1137] : memref<100000x64xf32, #tpu.memory_space<hbm>> -> memref<1x64xf32, #tpu.memory_space<hbm>>
    tpu.enqueue_dma source(%dma_start3A_1138 : memref<1x64xf32, #tpu.memory_space<hbm>>) target(%dma_start3A_1136 : memref<1x64xf32, #tpu.memory_space<vmem>>) target_semaphore(%arg7 : memref<!tpu.dma_semaphore, #tpu.memory_space<semaphore_mem>>)
    %slice3A_1139 = vector.extract_strided_slice %get3A_970 {offsets = [14], sizes = [1], strides = [1]} : vector<16xi32> to vector<1xi32>
    %squeeze3A_1140 = vector.extract %slice3A_1139[0] : i32 from vector<1xi32>
    %dma_start3A_1141 = arith.constant 94 : i32
    %dma_start3A_1142 = arith.constant 0 : i32
    %dma_start3A_1143 = tpu.memref_slice %arg6[%dma_start3A_1141, %dma_start3A_1142] : memref<512x64xf32, #tpu.memory_space<vmem>> -> memref<1x64xf32, #tpu.memory_space<vmem>>
    %dma_start3A_1144 = arith.constant 0 : i32
    %dma_start3A_1145 = tpu.memref_slice %arg3[%squeeze3A_1140, %dma_start3A_1144] : memref<100000x64xf32, #tpu.memory_space<hbm>> -> memref<1x64xf32, #tpu.memory_space<hbm>>
    %dma_start3A_1146 = arith.constant 94 : i32
    %dma_start3A_1147 = arith.constant 0 : i32
    %dma_start3A_1148 = tpu.memref_slice %arg6[%dma_start3A_1146, %dma_start3A_1147] : memref<512x64xf32, #tpu.memory_space<vmem>> -> memref<1x64xf32, #tpu.memory_space<vmem>>
    %dma_start3A_1149 = arith.constant 0 : i32
    %dma_start3A_1150 = tpu.memref_slice %arg3[%squeeze3A_1140, %dma_start3A_1149] : memref<100000x64xf32, #tpu.memory_space<hbm>> -> memref<1x64xf32, #tpu.memory_space<hbm>>
    tpu.enqueue_dma source(%dma_start3A_1150 : memref<1x64xf32, #tpu.memory_space<hbm>>) target(%dma_start3A_1148 : memref<1x64xf32, #tpu.memory_space<vmem>>) target_semaphore(%arg7 : memref<!tpu.dma_semaphore, #tpu.memory_space<semaphore_mem>>)
    %slice3A_1151 = vector.extract_strided_slice %get3A_970 {offsets = [15], sizes = [1], strides = [1]} : vector<16xi32> to vector<1xi32>
    %squeeze3A_1152 = vector.extract %slice3A_1151[0] : i32 from vector<1xi32>
    %dma_start3A_1153 = arith.constant 95 : i32
    %dma_start3A_1154 = arith.constant 0 : i32
    %dma_start3A_1155 = tpu.memref_slice %arg6[%dma_start3A_1153, %dma_start3A_1154] : memref<512x64xf32, #tpu.memory_space<vmem>> -> memref<1x64xf32, #tpu.memory_space<vmem>>
    %dma_start3A_1156 = arith.constant 0 : i32
    %dma_start3A_1157 = tpu.memref_slice %arg3[%squeeze3A_1152, %dma_start3A_1156] : memref<100000x64xf32, #tpu.memory_space<hbm>> -> memref<1x64xf32, #tpu.memory_space<hbm>>
    %dma_start3A_1158 = arith.constant 95 : i32
    %dma_start3A_1159 = arith.constant 0 : i32
    %dma_start3A_1160 = tpu.memref_slice %arg6[%dma_start3A_1158, %dma_start3A_1159] : memref<512x64xf32, #tpu.memory_space<vmem>> -> memref<1x64xf32, #tpu.memory_space<vmem>>
    %dma_start3A_1161 = arith.constant 0 : i32
    %dma_start3A_1162 = tpu.memref_slice %arg3[%squeeze3A_1152, %dma_start3A_1161] : memref<100000x64xf32, #tpu.memory_space<hbm>> -> memref<1x64xf32, #tpu.memory_space<hbm>>
    tpu.enqueue_dma source(%dma_start3A_1162 : memref<1x64xf32, #tpu.memory_space<hbm>>) target(%dma_start3A_1160 : memref<1x64xf32, #tpu.memory_space<vmem>>) target_semaphore(%arg7 : memref<!tpu.dma_semaphore, #tpu.memory_space<semaphore_mem>>)
    %get3A_1163 = arith.constant 96 : index
    %get3A_1164 = tpu.vector_load %arg5[%get3A_1163] {strides = array<i32>} : memref<512xi32, #tpu.memory_space<vmem>>, vector<16xi32>,
    %slice3A_1165 = vector.extract_strided_slice %get3A_1164 {offsets = [0], sizes = [1], strides = [1]} : vector<16xi32> to vector<1xi32>
    %squeeze3A_1166 = vector.extract %slice3A_1165[0] : i32 from vector<1xi32>
    %dma_start3A_1167 = arith.constant 96 : i32
    %dma_start3A_1168 = arith.constant 0 : i32
    %dma_start3A_1169 = tpu.memref_slice %arg6[%dma_start3A_1167, %dma_start3A_1168] : memref<512x64xf32, #tpu.memory_space<vmem>> -> memref<1x64xf32, #tpu.memory_space<vmem>>
    %dma_start3A_1170 = arith.constant 0 : i32
    %dma_start3A_1171 = tpu.memref_slice %arg3[%squeeze3A_1166, %dma_start3A_1170] : memref<100000x64xf32, #tpu.memory_space<hbm>> -> memref<1x64xf32, #tpu.memory_space<hbm>>
    %dma_start3A_1172 = arith.constant 96 : i32
    %dma_start3A_1173 = arith.constant 0 : i32
    %dma_start3A_1174 = tpu.memref_slice %arg6[%dma_start3A_1172, %dma_start3A_1173] : memref<512x64xf32, #tpu.memory_space<vmem>> -> memref<1x64xf32, #tpu.memory_space<vmem>>
    %dma_start3A_1175 = arith.constant 0 : i32
    %dma_start3A_1176 = tpu.memref_slice %arg3[%squeeze3A_1166, %dma_start3A_1175] : memref<100000x64xf32, #tpu.memory_space<hbm>> -> memref<1x64xf32, #tpu.memory_space<hbm>>
    tpu.enqueue_dma source(%dma_start3A_1176 : memref<1x64xf32, #tpu.memory_space<hbm>>) target(%dma_start3A_1174 : memref<1x64xf32, #tpu.memory_space<vmem>>) target_semaphore(%arg7 : memref<!tpu.dma_semaphore, #tpu.memory_space<semaphore_mem>>)
    %slice3A_1177 = vector.extract_strided_slice %get3A_1164 {offsets = [1], sizes = [1], strides = [1]} : vector<16xi32> to vector<1xi32>
    %squeeze3A_1178 = vector.extract %slice3A_1177[0] : i32 from vector<1xi32>
    %dma_start3A_1179 = arith.constant 97 : i32
    %dma_start3A_1180 = arith.constant 0 : i32
    %dma_start3A_1181 = tpu.memref_slice %arg6[%dma_start3A_1179, %dma_start3A_1180] : memref<512x64xf32, #tpu.memory_space<vmem>> -> memref<1x64xf32, #tpu.memory_space<vmem>>
    %dma_start3A_1182 = arith.constant 0 : i32
    %dma_start3A_1183 = tpu.memref_slice %arg3[%squeeze3A_1178, %dma_start3A_1182] : memref<100000x64xf32, #tpu.memory_space<hbm>> -> memref<1x64xf32, #tpu.memory_space<hbm>>
    %dma_start3A_1184 = arith.constant 97 : i32
    %dma_start3A_1185 = arith.constant 0 : i32
    %dma_start3A_1186 = tpu.memref_slice %arg6[%dma_start3A_1184, %dma_start3A_1185] : memref<512x64xf32, #tpu.memory_space<vmem>> -> memref<1x64xf32, #tpu.memory_space<vmem>>
    %dma_start3A_1187 = arith.constant 0 : i32
    %dma_start3A_1188 = tpu.memref_slice %arg3[%squeeze3A_1178, %dma_start3A_1187] : memref<100000x64xf32, #tpu.memory_space<hbm>> -> memref<1x64xf32, #tpu.memory_space<hbm>>
    tpu.enqueue_dma source(%dma_start3A_1188 : memref<1x64xf32, #tpu.memory_space<hbm>>) target(%dma_start3A_1186 : memref<1x64xf32, #tpu.memory_space<vmem>>) target_semaphore(%arg7 : memref<!tpu.dma_semaphore, #tpu.memory_space<semaphore_mem>>)
    %slice3A_1189 = vector.extract_strided_slice %get3A_1164 {offsets = [2], sizes = [1], strides = [1]} : vector<16xi32> to vector<1xi32>
    %squeeze3A_1190 = vector.extract %slice3A_1189[0] : i32 from vector<1xi32>
    %dma_start3A_1191 = arith.constant 98 : i32
    %dma_start3A_1192 = arith.constant 0 : i32
    %dma_start3A_1193 = tpu.memref_slice %arg6[%dma_start3A_1191, %dma_start3A_1192] : memref<512x64xf32, #tpu.memory_space<vmem>> -> memref<1x64xf32, #tpu.memory_space<vmem>>
    %dma_start3A_1194 = arith.constant 0 : i32
    %dma_start3A_1195 = tpu.memref_slice %arg3[%squeeze3A_1190, %dma_start3A_1194] : memref<100000x64xf32, #tpu.memory_space<hbm>> -> memref<1x64xf32, #tpu.memory_space<hbm>>
    %dma_start3A_1196 = arith.constant 98 : i32
    %dma_start3A_1197 = arith.constant 0 : i32
    %dma_start3A_1198 = tpu.memref_slice %arg6[%dma_start3A_1196, %dma_start3A_1197] : memref<512x64xf32, #tpu.memory_space<vmem>> -> memref<1x64xf32, #tpu.memory_space<vmem>>
    %dma_start3A_1199 = arith.constant 0 : i32
    %dma_start3A_1200 = tpu.memref_slice %arg3[%squeeze3A_1190, %dma_start3A_1199] : memref<100000x64xf32, #tpu.memory_space<hbm>> -> memref<1x64xf32, #tpu.memory_space<hbm>>
    tpu.enqueue_dma source(%dma_start3A_1200 : memref<1x64xf32, #tpu.memory_space<hbm>>) target(%dma_start3A_1198 : memref<1x64xf32, #tpu.memory_space<vmem>>) target_semaphore(%arg7 : memref<!tpu.dma_semaphore, #tpu.memory_space<semaphore_mem>>)
    %slice3A_1201 = vector.extract_strided_slice %get3A_1164 {offsets = [3], sizes = [1], strides = [1]} : vector<16xi32> to vector<1xi32>
    %squeeze3A_1202 = vector.extract %slice3A_1201[0] : i32 from vector<1xi32>
    %dma_start3A_1203 = arith.constant 99 : i32
    %dma_start3A_1204 = arith.constant 0 : i32
    %dma_start3A_1205 = tpu.memref_slice %arg6[%dma_start3A_1203, %dma_start3A_1204] : memref<512x64xf32, #tpu.memory_space<vmem>> -> memref<1x64xf32, #tpu.memory_space<vmem>>
    %dma_start3A_1206 = arith.constant 0 : i32
    %dma_start3A_1207 = tpu.memref_slice %arg3[%squeeze3A_1202, %dma_start3A_1206] : memref<100000x64xf32, #tpu.memory_space<hbm>> -> memref<1x64xf32, #tpu.memory_space<hbm>>
    %dma_start3A_1208 = arith.constant 99 : i32
    %dma_start3A_1209 = arith.constant 0 : i32
    %dma_start3A_1210 = tpu.memref_slice %arg6[%dma_start3A_1208, %dma_start3A_1209] : memref<512x64xf32, #tpu.memory_space<vmem>> -> memref<1x64xf32, #tpu.memory_space<vmem>>
    %dma_start3A_1211 = arith.constant 0 : i32
    %dma_start3A_1212 = tpu.memref_slice %arg3[%squeeze3A_1202, %dma_start3A_1211] : memref<100000x64xf32, #tpu.memory_space<hbm>> -> memref<1x64xf32, #tpu.memory_space<hbm>>
    tpu.enqueue_dma source(%dma_start3A_1212 : memref<1x64xf32, #tpu.memory_space<hbm>>) target(%dma_start3A_1210 : memref<1x64xf32, #tpu.memory_space<vmem>>) target_semaphore(%arg7 : memref<!tpu.dma_semaphore, #tpu.memory_space<semaphore_mem>>)
    %slice3A_1213 = vector.extract_strided_slice %get3A_1164 {offsets = [4], sizes = [1], strides = [1]} : vector<16xi32> to vector<1xi32>
    %squeeze3A_1214 = vector.extract %slice3A_1213[0] : i32 from vector<1xi32>
    %dma_start3A_1215 = arith.constant 100 : i32
    %dma_start3A_1216 = arith.constant 0 : i32
    %dma_start3A_1217 = tpu.memref_slice %arg6[%dma_start3A_1215, %dma_start3A_1216] : memref<512x64xf32, #tpu.memory_space<vmem>> -> memref<1x64xf32, #tpu.memory_space<vmem>>
    %dma_start3A_1218 = arith.constant 0 : i32
    %dma_start3A_1219 = tpu.memref_slice %arg3[%squeeze3A_1214, %dma_start3A_1218] : memref<100000x64xf32, #tpu.memory_space<hbm>> -> memref<1x64xf32, #tpu.memory_space<hbm>>
    %dma_start3A_1220 = arith.constant 100 : i32
    %dma_start3A_1221 = arith.constant 0 : i32
    %dma_start3A_1222 = tpu.memref_slice %arg6[%dma_start3A_1220, %dma_start3A_1221] : memref<512x64xf32, #tpu.memory_space<vmem>> -> memref<1x64xf32, #tpu.memory_space<vmem>>
    %dma_start3A_1223 = arith.constant 0 : i32
    %dma_start3A_1224 = tpu.memref_slice %arg3[%squeeze3A_1214, %dma_start3A_1223] : memref<100000x64xf32, #tpu.memory_space<hbm>> -> memref<1x64xf32, #tpu.memory_space<hbm>>
    tpu.enqueue_dma source(%dma_start3A_1224 : memref<1x64xf32, #tpu.memory_space<hbm>>) target(%dma_start3A_1222 : memref<1x64xf32, #tpu.memory_space<vmem>>) target_semaphore(%arg7 : memref<!tpu.dma_semaphore, #tpu.memory_space<semaphore_mem>>)
    %slice3A_1225 = vector.extract_strided_slice %get3A_1164 {offsets = [5], sizes = [1], strides = [1]} : vector<16xi32> to vector<1xi32>
    %squeeze3A_1226 = vector.extract %slice3A_1225[0] : i32 from vector<1xi32>
    %dma_start3A_1227 = arith.constant 101 : i32
    %dma_start3A_1228 = arith.constant 0 : i32
    %dma_start3A_1229 = tpu.memref_slice %arg6[%dma_start3A_1227, %dma_start3A_1228] : memref<512x64xf32, #tpu.memory_space<vmem>> -> memref<1x64xf32, #tpu.memory_space<vmem>>
    %dma_start3A_1230 = arith.constant 0 : i32
    %dma_start3A_1231 = tpu.memref_slice %arg3[%squeeze3A_1226, %dma_start3A_1230] : memref<100000x64xf32, #tpu.memory_space<hbm>> -> memref<1x64xf32, #tpu.memory_space<hbm>>
    %dma_start3A_1232 = arith.constant 101 : i32
    %dma_start3A_1233 = arith.constant 0 : i32
    %dma_start3A_1234 = tpu.memref_slice %arg6[%dma_start3A_1232, %dma_start3A_1233] : memref<512x64xf32, #tpu.memory_space<vmem>> -> memref<1x64xf32, #tpu.memory_space<vmem>>
    %dma_start3A_1235 = arith.constant 0 : i32
    %dma_start3A_1236 = tpu.memref_slice %arg3[%squeeze3A_1226, %dma_start3A_1235] : memref<100000x64xf32, #tpu.memory_space<hbm>> -> memref<1x64xf32, #tpu.memory_space<hbm>>
    tpu.enqueue_dma source(%dma_start3A_1236 : memref<1x64xf32, #tpu.memory_space<hbm>>) target(%dma_start3A_1234 : memref<1x64xf32, #tpu.memory_space<vmem>>) target_semaphore(%arg7 : memref<!tpu.dma_semaphore, #tpu.memory_space<semaphore_mem>>)
    %slice3A_1237 = vector.extract_strided_slice %get3A_1164 {offsets = [6], sizes = [1], strides = [1]} : vector<16xi32> to vector<1xi32>
    %squeeze3A_1238 = vector.extract %slice3A_1237[0] : i32 from vector<1xi32>
    %dma_start3A_1239 = arith.constant 102 : i32
    %dma_start3A_1240 = arith.constant 0 : i32
    %dma_start3A_1241 = tpu.memref_slice %arg6[%dma_start3A_1239, %dma_start3A_1240] : memref<512x64xf32, #tpu.memory_space<vmem>> -> memref<1x64xf32, #tpu.memory_space<vmem>>
    %dma_start3A_1242 = arith.constant 0 : i32
    %dma_start3A_1243 = tpu.memref_slice %arg3[%squeeze3A_1238, %dma_start3A_1242] : memref<100000x64xf32, #tpu.memory_space<hbm>> -> memref<1x64xf32, #tpu.memory_space<hbm>>
    %dma_start3A_1244 = arith.constant 102 : i32
    %dma_start3A_1245 = arith.constant 0 : i32
    %dma_start3A_1246 = tpu.memref_slice %arg6[%dma_start3A_1244, %dma_start3A_1245] : memref<512x64xf32, #tpu.memory_space<vmem>> -> memref<1x64xf32, #tpu.memory_space<vmem>>
    %dma_start3A_1247 = arith.constant 0 : i32
    %dma_start3A_1248 = tpu.memref_slice %arg3[%squeeze3A_1238, %dma_start3A_1247] : memref<100000x64xf32, #tpu.memory_space<hbm>> -> memref<1x64xf32, #tpu.memory_space<hbm>>
    tpu.enqueue_dma source(%dma_start3A_1248 : memref<1x64xf32, #tpu.memory_space<hbm>>) target(%dma_start3A_1246 : memref<1x64xf32, #tpu.memory_space<vmem>>) target_semaphore(%arg7 : memref<!tpu.dma_semaphore, #tpu.memory_space<semaphore_mem>>)
    %slice3A_1249 = vector.extract_strided_slice %get3A_1164 {offsets = [7], sizes = [1], strides = [1]} : vector<16xi32> to vector<1xi32>
    %squeeze3A_1250 = vector.extract %slice3A_1249[0] : i32 from vector<1xi32>
    %dma_start3A_1251 = arith.constant 103 : i32
    %dma_start3A_1252 = arith.constant 0 : i32
    %dma_start3A_1253 = tpu.memref_slice %arg6[%dma_start3A_1251, %dma_start3A_1252] : memref<512x64xf32, #tpu.memory_space<vmem>> -> memref<1x64xf32, #tpu.memory_space<vmem>>
    %dma_start3A_1254 = arith.constant 0 : i32
    %dma_start3A_1255 = tpu.memref_slice %arg3[%squeeze3A_1250, %dma_start3A_1254] : memref<100000x64xf32, #tpu.memory_space<hbm>> -> memref<1x64xf32, #tpu.memory_space<hbm>>
    %dma_start3A_1256 = arith.constant 103 : i32
    %dma_start3A_1257 = arith.constant 0 : i32
    %dma_start3A_1258 = tpu.memref_slice %arg6[%dma_start3A_1256, %dma_start3A_1257] : memref<512x64xf32, #tpu.memory_space<vmem>> -> memref<1x64xf32, #tpu.memory_space<vmem>>
    %dma_start3A_1259 = arith.constant 0 : i32
    %dma_start3A_1260 = tpu.memref_slice %arg3[%squeeze3A_1250, %dma_start3A_1259] : memref<100000x64xf32, #tpu.memory_space<hbm>> -> memref<1x64xf32, #tpu.memory_space<hbm>>
    tpu.enqueue_dma source(%dma_start3A_1260 : memref<1x64xf32, #tpu.memory_space<hbm>>) target(%dma_start3A_1258 : memref<1x64xf32, #tpu.memory_space<vmem>>) target_semaphore(%arg7 : memref<!tpu.dma_semaphore, #tpu.memory_space<semaphore_mem>>)
    %slice3A_1261 = vector.extract_strided_slice %get3A_1164 {offsets = [8], sizes = [1], strides = [1]} : vector<16xi32> to vector<1xi32>
    %squeeze3A_1262 = vector.extract %slice3A_1261[0] : i32 from vector<1xi32>
    %dma_start3A_1263 = arith.constant 104 : i32
    %dma_start3A_1264 = arith.constant 0 : i32
    %dma_start3A_1265 = tpu.memref_slice %arg6[%dma_start3A_1263, %dma_start3A_1264] : memref<512x64xf32, #tpu.memory_space<vmem>> -> memref<1x64xf32, #tpu.memory_space<vmem>>
    %dma_start3A_1266 = arith.constant 0 : i32
    %dma_start3A_1267 = tpu.memref_slice %arg3[%squeeze3A_1262, %dma_start3A_1266] : memref<100000x64xf32, #tpu.memory_space<hbm>> -> memref<1x64xf32, #tpu.memory_space<hbm>>
    %dma_start3A_1268 = arith.constant 104 : i32
    %dma_start3A_1269 = arith.constant 0 : i32
    %dma_start3A_1270 = tpu.memref_slice %arg6[%dma_start3A_1268, %dma_start3A_1269] : memref<512x64xf32, #tpu.memory_space<vmem>> -> memref<1x64xf32, #tpu.memory_space<vmem>>
    %dma_start3A_1271 = arith.constant 0 : i32
    %dma_start3A_1272 = tpu.memref_slice %arg3[%squeeze3A_1262, %dma_start3A_1271] : memref<100000x64xf32, #tpu.memory_space<hbm>> -> memref<1x64xf32, #tpu.memory_space<hbm>>
    tpu.enqueue_dma source(%dma_start3A_1272 : memref<1x64xf32, #tpu.memory_space<hbm>>) target(%dma_start3A_1270 : memref<1x64xf32, #tpu.memory_space<vmem>>) target_semaphore(%arg7 : memref<!tpu.dma_semaphore, #tpu.memory_space<semaphore_mem>>)
    %slice3A_1273 = vector.extract_strided_slice %get3A_1164 {offsets = [9], sizes = [1], strides = [1]} : vector<16xi32> to vector<1xi32>
    %squeeze3A_1274 = vector.extract %slice3A_1273[0] : i32 from vector<1xi32>
    %dma_start3A_1275 = arith.constant 105 : i32
    %dma_start3A_1276 = arith.constant 0 : i32
    %dma_start3A_1277 = tpu.memref_slice %arg6[%dma_start3A_1275, %dma_start3A_1276] : memref<512x64xf32, #tpu.memory_space<vmem>> -> memref<1x64xf32, #tpu.memory_space<vmem>>
    %dma_start3A_1278 = arith.constant 0 : i32
    %dma_start3A_1279 = tpu.memref_slice %arg3[%squeeze3A_1274, %dma_start3A_1278] : memref<100000x64xf32, #tpu.memory_space<hbm>> -> memref<1x64xf32, #tpu.memory_space<hbm>>
    %dma_start3A_1280 = arith.constant 105 : i32
    %dma_start3A_1281 = arith.constant 0 : i32
    %dma_start3A_1282 = tpu.memref_slice %arg6[%dma_start3A_1280, %dma_start3A_1281] : memref<512x64xf32, #tpu.memory_space<vmem>> -> memref<1x64xf32, #tpu.memory_space<vmem>>
    %dma_start3A_1283 = arith.constant 0 : i32
    %dma_start3A_1284 = tpu.memref_slice %arg3[%squeeze3A_1274, %dma_start3A_1283] : memref<100000x64xf32, #tpu.memory_space<hbm>> -> memref<1x64xf32, #tpu.memory_space<hbm>>
    tpu.enqueue_dma source(%dma_start3A_1284 : memref<1x64xf32, #tpu.memory_space<hbm>>) target(%dma_start3A_1282 : memref<1x64xf32, #tpu.memory_space<vmem>>) target_semaphore(%arg7 : memref<!tpu.dma_semaphore, #tpu.memory_space<semaphore_mem>>)
    %slice3A_1285 = vector.extract_strided_slice %get3A_1164 {offsets = [10], sizes = [1], strides = [1]} : vector<16xi32> to vector<1xi32>
    %squeeze3A_1286 = vector.extract %slice3A_1285[0] : i32 from vector<1xi32>
    %dma_start3A_1287 = arith.constant 106 : i32
    %dma_start3A_1288 = arith.constant 0 : i32
    %dma_start3A_1289 = tpu.memref_slice %arg6[%dma_start3A_1287, %dma_start3A_1288] : memref<512x64xf32, #tpu.memory_space<vmem>> -> memref<1x64xf32, #tpu.memory_space<vmem>>
    %dma_start3A_1290 = arith.constant 0 : i32
    %dma_start3A_1291 = tpu.memref_slice %arg3[%squeeze3A_1286, %dma_start3A_1290] : memref<100000x64xf32, #tpu.memory_space<hbm>> -> memref<1x64xf32, #tpu.memory_space<hbm>>
    %dma_start3A_1292 = arith.constant 106 : i32
    %dma_start3A_1293 = arith.constant 0 : i32
    %dma_start3A_1294 = tpu.memref_slice %arg6[%dma_start3A_1292, %dma_start3A_1293] : memref<512x64xf32, #tpu.memory_space<vmem>> -> memref<1x64xf32, #tpu.memory_space<vmem>>
    %dma_start3A_1295 = arith.constant 0 : i32
    %dma_start3A_1296 = tpu.memref_slice %arg3[%squeeze3A_1286, %dma_start3A_1295] : memref<100000x64xf32, #tpu.memory_space<hbm>> -> memref<1x64xf32, #tpu.memory_space<hbm>>
    tpu.enqueue_dma source(%dma_start3A_1296 : memref<1x64xf32, #tpu.memory_space<hbm>>) target(%dma_start3A_1294 : memref<1x64xf32, #tpu.memory_space<vmem>>) target_semaphore(%arg7 : memref<!tpu.dma_semaphore, #tpu.memory_space<semaphore_mem>>)
    %slice3A_1297 = vector.extract_strided_slice %get3A_1164 {offsets = [11], sizes = [1], strides = [1]} : vector<16xi32> to vector<1xi32>
    %squeeze3A_1298 = vector.extract %slice3A_1297[0] : i32 from vector<1xi32>
    %dma_start3A_1299 = arith.constant 107 : i32
    %dma_start3A_1300 = arith.constant 0 : i32
    %dma_start3A_1301 = tpu.memref_slice %arg6[%dma_start3A_1299, %dma_start3A_1300] : memref<512x64xf32, #tpu.memory_space<vmem>> -> memref<1x64xf32, #tpu.memory_space<vmem>>
    %dma_start3A_1302 = arith.constant 0 : i32
    %dma_start3A_1303 = tpu.memref_slice %arg3[%squeeze3A_1298, %dma_start3A_1302] : memref<100000x64xf32, #tpu.memory_space<hbm>> -> memref<1x64xf32, #tpu.memory_space<hbm>>
    %dma_start3A_1304 = arith.constant 107 : i32
    %dma_start3A_1305 = arith.constant 0 : i32
    %dma_start3A_1306 = tpu.memref_slice %arg6[%dma_start3A_1304, %dma_start3A_1305] : memref<512x64xf32, #tpu.memory_space<vmem>> -> memref<1x64xf32, #tpu.memory_space<vmem>>
    %dma_start3A_1307 = arith.constant 0 : i32
    %dma_start3A_1308 = tpu.memref_slice %arg3[%squeeze3A_1298, %dma_start3A_1307] : memref<100000x64xf32, #tpu.memory_space<hbm>> -> memref<1x64xf32, #tpu.memory_space<hbm>>
    tpu.enqueue_dma source(%dma_start3A_1308 : memref<1x64xf32, #tpu.memory_space<hbm>>) target(%dma_start3A_1306 : memref<1x64xf32, #tpu.memory_space<vmem>>) target_semaphore(%arg7 : memref<!tpu.dma_semaphore, #tpu.memory_space<semaphore_mem>>)
    %slice3A_1309 = vector.extract_strided_slice %get3A_1164 {offsets = [12], sizes = [1], strides = [1]} : vector<16xi32> to vector<1xi32>
    %squeeze3A_1310 = vector.extract %slice3A_1309[0] : i32 from vector<1xi32>
    %dma_start3A_1311 = arith.constant 108 : i32
    %dma_start3A_1312 = arith.constant 0 : i32
    %dma_start3A_1313 = tpu.memref_slice %arg6[%dma_start3A_1311, %dma_start3A_1312] : memref<512x64xf32, #tpu.memory_space<vmem>> -> memref<1x64xf32, #tpu.memory_space<vmem>>
    %dma_start3A_1314 = arith.constant 0 : i32
    %dma_start3A_1315 = tpu.memref_slice %arg3[%squeeze3A_1310, %dma_start3A_1314] : memref<100000x64xf32, #tpu.memory_space<hbm>> -> memref<1x64xf32, #tpu.memory_space<hbm>>
    %dma_start3A_1316 = arith.constant 108 : i32
    %dma_start3A_1317 = arith.constant 0 : i32
    %dma_start3A_1318 = tpu.memref_slice %arg6[%dma_start3A_1316, %dma_start3A_1317] : memref<512x64xf32, #tpu.memory_space<vmem>> -> memref<1x64xf32, #tpu.memory_space<vmem>>
    %dma_start3A_1319 = arith.constant 0 : i32
    %dma_start3A_1320 = tpu.memref_slice %arg3[%squeeze3A_1310, %dma_start3A_1319] : memref<100000x64xf32, #tpu.memory_space<hbm>> -> memref<1x64xf32, #tpu.memory_space<hbm>>
    tpu.enqueue_dma source(%dma_start3A_1320 : memref<1x64xf32, #tpu.memory_space<hbm>>) target(%dma_start3A_1318 : memref<1x64xf32, #tpu.memory_space<vmem>>) target_semaphore(%arg7 : memref<!tpu.dma_semaphore, #tpu.memory_space<semaphore_mem>>)
    %slice3A_1321 = vector.extract_strided_slice %get3A_1164 {offsets = [13], sizes = [1], strides = [1]} : vector<16xi32> to vector<1xi32>
    %squeeze3A_1322 = vector.extract %slice3A_1321[0] : i32 from vector<1xi32>
    %dma_start3A_1323 = arith.constant 109 : i32
    %dma_start3A_1324 = arith.constant 0 : i32
    %dma_start3A_1325 = tpu.memref_slice %arg6[%dma_start3A_1323, %dma_start3A_1324] : memref<512x64xf32, #tpu.memory_space<vmem>> -> memref<1x64xf32, #tpu.memory_space<vmem>>
    %dma_start3A_1326 = arith.constant 0 : i32
    %dma_start3A_1327 = tpu.memref_slice %arg3[%squeeze3A_1322, %dma_start3A_1326] : memref<100000x64xf32, #tpu.memory_space<hbm>> -> memref<1x64xf32, #tpu.memory_space<hbm>>
    %dma_start3A_1328 = arith.constant 109 : i32
    %dma_start3A_1329 = arith.constant 0 : i32
    %dma_start3A_1330 = tpu.memref_slice %arg6[%dma_start3A_1328, %dma_start3A_1329] : memref<512x64xf32, #tpu.memory_space<vmem>> -> memref<1x64xf32, #tpu.memory_space<vmem>>
    %dma_start3A_1331 = arith.constant 0 : i32
    %dma_start3A_1332 = tpu.memref_slice %arg3[%squeeze3A_1322, %dma_start3A_1331] : memref<100000x64xf32, #tpu.memory_space<hbm>> -> memref<1x64xf32, #tpu.memory_space<hbm>>
    tpu.enqueue_dma source(%dma_start3A_1332 : memref<1x64xf32, #tpu.memory_space<hbm>>) target(%dma_start3A_1330 : memref<1x64xf32, #tpu.memory_space<vmem>>) target_semaphore(%arg7 : memref<!tpu.dma_semaphore, #tpu.memory_space<semaphore_mem>>)
    %slice3A_1333 = vector.extract_strided_slice %get3A_1164 {offsets = [14], sizes = [1], strides = [1]} : vector<16xi32> to vector<1xi32>
    %squeeze3A_1334 = vector.extract %slice3A_1333[0] : i32 from vector<1xi32>
    %dma_start3A_1335 = arith.constant 110 : i32
    %dma_start3A_1336 = arith.constant 0 : i32
    %dma_start3A_1337 = tpu.memref_slice %arg6[%dma_start3A_1335, %dma_start3A_1336] : memref<512x64xf32, #tpu.memory_space<vmem>> -> memref<1x64xf32, #tpu.memory_space<vmem>>
    %dma_start3A_1338 = arith.constant 0 : i32
    %dma_start3A_1339 = tpu.memref_slice %arg3[%squeeze3A_1334, %dma_start3A_1338] : memref<100000x64xf32, #tpu.memory_space<hbm>> -> memref<1x64xf32, #tpu.memory_space<hbm>>
    %dma_start3A_1340 = arith.constant 110 : i32
    %dma_start3A_1341 = arith.constant 0 : i32
    %dma_start3A_1342 = tpu.memref_slice %arg6[%dma_start3A_1340, %dma_start3A_1341] : memref<512x64xf32, #tpu.memory_space<vmem>> -> memref<1x64xf32, #tpu.memory_space<vmem>>
    %dma_start3A_1343 = arith.constant 0 : i32
    %dma_start3A_1344 = tpu.memref_slice %arg3[%squeeze3A_1334, %dma_start3A_1343] : memref<100000x64xf32, #tpu.memory_space<hbm>> -> memref<1x64xf32, #tpu.memory_space<hbm>>
    tpu.enqueue_dma source(%dma_start3A_1344 : memref<1x64xf32, #tpu.memory_space<hbm>>) target(%dma_start3A_1342 : memref<1x64xf32, #tpu.memory_space<vmem>>) target_semaphore(%arg7 : memref<!tpu.dma_semaphore, #tpu.memory_space<semaphore_mem>>)
    %slice3A_1345 = vector.extract_strided_slice %get3A_1164 {offsets = [15], sizes = [1], strides = [1]} : vector<16xi32> to vector<1xi32>
    %squeeze3A_1346 = vector.extract %slice3A_1345[0] : i32 from vector<1xi32>
    %dma_start3A_1347 = arith.constant 111 : i32
    %dma_start3A_1348 = arith.constant 0 : i32
    %dma_start3A_1349 = tpu.memref_slice %arg6[%dma_start3A_1347, %dma_start3A_1348] : memref<512x64xf32, #tpu.memory_space<vmem>> -> memref<1x64xf32, #tpu.memory_space<vmem>>
    %dma_start3A_1350 = arith.constant 0 : i32
    %dma_start3A_1351 = tpu.memref_slice %arg3[%squeeze3A_1346, %dma_start3A_1350] : memref<100000x64xf32, #tpu.memory_space<hbm>> -> memref<1x64xf32, #tpu.memory_space<hbm>>
    %dma_start3A_1352 = arith.constant 111 : i32
    %dma_start3A_1353 = arith.constant 0 : i32
    %dma_start3A_1354 = tpu.memref_slice %arg6[%dma_start3A_1352, %dma_start3A_1353] : memref<512x64xf32, #tpu.memory_space<vmem>> -> memref<1x64xf32, #tpu.memory_space<vmem>>
    %dma_start3A_1355 = arith.constant 0 : i32
    %dma_start3A_1356 = tpu.memref_slice %arg3[%squeeze3A_1346, %dma_start3A_1355] : memref<100000x64xf32, #tpu.memory_space<hbm>> -> memref<1x64xf32, #tpu.memory_space<hbm>>
    tpu.enqueue_dma source(%dma_start3A_1356 : memref<1x64xf32, #tpu.memory_space<hbm>>) target(%dma_start3A_1354 : memref<1x64xf32, #tpu.memory_space<vmem>>) target_semaphore(%arg7 : memref<!tpu.dma_semaphore, #tpu.memory_space<semaphore_mem>>)
    %get3A_1357 = arith.constant 112 : index
    %get3A_1358 = tpu.vector_load %arg5[%get3A_1357] {strides = array<i32>} : memref<512xi32, #tpu.memory_space<vmem>>, vector<16xi32>,
    %slice3A_1359 = vector.extract_strided_slice %get3A_1358 {offsets = [0], sizes = [1], strides = [1]} : vector<16xi32> to vector<1xi32>
    %squeeze3A_1360 = vector.extract %slice3A_1359[0] : i32 from vector<1xi32>
    %dma_start3A_1361 = arith.constant 112 : i32
    %dma_start3A_1362 = arith.constant 0 : i32
    %dma_start3A_1363 = tpu.memref_slice %arg6[%dma_start3A_1361, %dma_start3A_1362] : memref<512x64xf32, #tpu.memory_space<vmem>> -> memref<1x64xf32, #tpu.memory_space<vmem>>
    %dma_start3A_1364 = arith.constant 0 : i32
    %dma_start3A_1365 = tpu.memref_slice %arg3[%squeeze3A_1360, %dma_start3A_1364] : memref<100000x64xf32, #tpu.memory_space<hbm>> -> memref<1x64xf32, #tpu.memory_space<hbm>>
    %dma_start3A_1366 = arith.constant 112 : i32
    %dma_start3A_1367 = arith.constant 0 : i32
    %dma_start3A_1368 = tpu.memref_slice %arg6[%dma_start3A_1366, %dma_start3A_1367] : memref<512x64xf32, #tpu.memory_space<vmem>> -> memref<1x64xf32, #tpu.memory_space<vmem>>
    %dma_start3A_1369 = arith.constant 0 : i32
    %dma_start3A_1370 = tpu.memref_slice %arg3[%squeeze3A_1360, %dma_start3A_1369] : memref<100000x64xf32, #tpu.memory_space<hbm>> -> memref<1x64xf32, #tpu.memory_space<hbm>>
    tpu.enqueue_dma source(%dma_start3A_1370 : memref<1x64xf32, #tpu.memory_space<hbm>>) target(%dma_start3A_1368 : memref<1x64xf32, #tpu.memory_space<vmem>>) target_semaphore(%arg7 : memref<!tpu.dma_semaphore, #tpu.memory_space<semaphore_mem>>)
    %slice3A_1371 = vector.extract_strided_slice %get3A_1358 {offsets = [1], sizes = [1], strides = [1]} : vector<16xi32> to vector<1xi32>
    %squeeze3A_1372 = vector.extract %slice3A_1371[0] : i32 from vector<1xi32>
    %dma_start3A_1373 = arith.constant 113 : i32
    %dma_start3A_1374 = arith.constant 0 : i32
    %dma_start3A_1375 = tpu.memref_slice %arg6[%dma_start3A_1373, %dma_start3A_1374] : memref<512x64xf32, #tpu.memory_space<vmem>> -> memref<1x64xf32, #tpu.memory_space<vmem>>
    %dma_start3A_1376 = arith.constant 0 : i32
    %dma_start3A_1377 = tpu.memref_slice %arg3[%squeeze3A_1372, %dma_start3A_1376] : memref<100000x64xf32, #tpu.memory_space<hbm>> -> memref<1x64xf32, #tpu.memory_space<hbm>>
    %dma_start3A_1378 = arith.constant 113 : i32
    %dma_start3A_1379 = arith.constant 0 : i32
    %dma_start3A_1380 = tpu.memref_slice %arg6[%dma_start3A_1378, %dma_start3A_1379] : memref<512x64xf32, #tpu.memory_space<vmem>> -> memref<1x64xf32, #tpu.memory_space<vmem>>
    %dma_start3A_1381 = arith.constant 0 : i32
    %dma_start3A_1382 = tpu.memref_slice %arg3[%squeeze3A_1372, %dma_start3A_1381] : memref<100000x64xf32, #tpu.memory_space<hbm>> -> memref<1x64xf32, #tpu.memory_space<hbm>>
    tpu.enqueue_dma source(%dma_start3A_1382 : memref<1x64xf32, #tpu.memory_space<hbm>>) target(%dma_start3A_1380 : memref<1x64xf32, #tpu.memory_space<vmem>>) target_semaphore(%arg7 : memref<!tpu.dma_semaphore, #tpu.memory_space<semaphore_mem>>)
    %slice3A_1383 = vector.extract_strided_slice %get3A_1358 {offsets = [2], sizes = [1], strides = [1]} : vector<16xi32> to vector<1xi32>
    %squeeze3A_1384 = vector.extract %slice3A_1383[0] : i32 from vector<1xi32>
    %dma_start3A_1385 = arith.constant 114 : i32
    %dma_start3A_1386 = arith.constant 0 : i32
    %dma_start3A_1387 = tpu.memref_slice %arg6[%dma_start3A_1385, %dma_start3A_1386] : memref<512x64xf32, #tpu.memory_space<vmem>> -> memref<1x64xf32, #tpu.memory_space<vmem>>
    %dma_start3A_1388 = arith.constant 0 : i32
    %dma_start3A_1389 = tpu.memref_slice %arg3[%squeeze3A_1384, %dma_start3A_1388] : memref<100000x64xf32, #tpu.memory_space<hbm>> -> memref<1x64xf32, #tpu.memory_space<hbm>>
    %dma_start3A_1390 = arith.constant 114 : i32
    %dma_start3A_1391 = arith.constant 0 : i32
    %dma_start3A_1392 = tpu.memref_slice %arg6[%dma_start3A_1390, %dma_start3A_1391] : memref<512x64xf32, #tpu.memory_space<vmem>> -> memref<1x64xf32, #tpu.memory_space<vmem>>
    %dma_start3A_1393 = arith.constant 0 : i32
    %dma_start3A_1394 = tpu.memref_slice %arg3[%squeeze3A_1384, %dma_start3A_1393] : memref<100000x64xf32, #tpu.memory_space<hbm>> -> memref<1x64xf32, #tpu.memory_space<hbm>>
    tpu.enqueue_dma source(%dma_start3A_1394 : memref<1x64xf32, #tpu.memory_space<hbm>>) target(%dma_start3A_1392 : memref<1x64xf32, #tpu.memory_space<vmem>>) target_semaphore(%arg7 : memref<!tpu.dma_semaphore, #tpu.memory_space<semaphore_mem>>)
    %slice3A_1395 = vector.extract_strided_slice %get3A_1358 {offsets = [3], sizes = [1], strides = [1]} : vector<16xi32> to vector<1xi32>
    %squeeze3A_1396 = vector.extract %slice3A_1395[0] : i32 from vector<1xi32>
    %dma_start3A_1397 = arith.constant 115 : i32
    %dma_start3A_1398 = arith.constant 0 : i32
    %dma_start3A_1399 = tpu.memref_slice %arg6[%dma_start3A_1397, %dma_start3A_1398] : memref<512x64xf32, #tpu.memory_space<vmem>> -> memref<1x64xf32, #tpu.memory_space<vmem>>
    %dma_start3A_1400 = arith.constant 0 : i32
    %dma_start3A_1401 = tpu.memref_slice %arg3[%squeeze3A_1396, %dma_start3A_1400] : memref<100000x64xf32, #tpu.memory_space<hbm>> -> memref<1x64xf32, #tpu.memory_space<hbm>>
    %dma_start3A_1402 = arith.constant 115 : i32
    %dma_start3A_1403 = arith.constant 0 : i32
    %dma_start3A_1404 = tpu.memref_slice %arg6[%dma_start3A_1402, %dma_start3A_1403] : memref<512x64xf32, #tpu.memory_space<vmem>> -> memref<1x64xf32, #tpu.memory_space<vmem>>
    %dma_start3A_1405 = arith.constant 0 : i32
    %dma_start3A_1406 = tpu.memref_slice %arg3[%squeeze3A_1396, %dma_start3A_1405] : memref<100000x64xf32, #tpu.memory_space<hbm>> -> memref<1x64xf32, #tpu.memory_space<hbm>>
    tpu.enqueue_dma source(%dma_start3A_1406 : memref<1x64xf32, #tpu.memory_space<hbm>>) target(%dma_start3A_1404 : memref<1x64xf32, #tpu.memory_space<vmem>>) target_semaphore(%arg7 : memref<!tpu.dma_semaphore, #tpu.memory_space<semaphore_mem>>)
    %slice3A_1407 = vector.extract_strided_slice %get3A_1358 {offsets = [4], sizes = [1], strides = [1]} : vector<16xi32> to vector<1xi32>
    %squeeze3A_1408 = vector.extract %slice3A_1407[0] : i32 from vector<1xi32>
    %dma_start3A_1409 = arith.constant 116 : i32
    %dma_start3A_1410 = arith.constant 0 : i32
    %dma_start3A_1411 = tpu.memref_slice %arg6[%dma_start3A_1409, %dma_start3A_1410] : memref<512x64xf32, #tpu.memory_space<vmem>> -> memref<1x64xf32, #tpu.memory_space<vmem>>
    %dma_start3A_1412 = arith.constant 0 : i32
    %dma_start3A_1413 = tpu.memref_slice %arg3[%squeeze3A_1408, %dma_start3A_1412] : memref<100000x64xf32, #tpu.memory_space<hbm>> -> memref<1x64xf32, #tpu.memory_space<hbm>>
    %dma_start3A_1414 = arith.constant 116 : i32
    %dma_start3A_1415 = arith.constant 0 : i32
    %dma_start3A_1416 = tpu.memref_slice %arg6[%dma_start3A_1414, %dma_start3A_1415] : memref<512x64xf32, #tpu.memory_space<vmem>> -> memref<1x64xf32, #tpu.memory_space<vmem>>
    %dma_start3A_1417 = arith.constant 0 : i32
    %dma_start3A_1418 = tpu.memref_slice %arg3[%squeeze3A_1408, %dma_start3A_1417] : memref<100000x64xf32, #tpu.memory_space<hbm>> -> memref<1x64xf32, #tpu.memory_space<hbm>>
    tpu.enqueue_dma source(%dma_start3A_1418 : memref<1x64xf32, #tpu.memory_space<hbm>>) target(%dma_start3A_1416 : memref<1x64xf32, #tpu.memory_space<vmem>>) target_semaphore(%arg7 : memref<!tpu.dma_semaphore, #tpu.memory_space<semaphore_mem>>)
    %slice3A_1419 = vector.extract_strided_slice %get3A_1358 {offsets = [5], sizes = [1], strides = [1]} : vector<16xi32> to vector<1xi32>
    %squeeze3A_1420 = vector.extract %slice3A_1419[0] : i32 from vector<1xi32>
    %dma_start3A_1421 = arith.constant 117 : i32
    %dma_start3A_1422 = arith.constant 0 : i32
    %dma_start3A_1423 = tpu.memref_slice %arg6[%dma_start3A_1421, %dma_start3A_1422] : memref<512x64xf32, #tpu.memory_space<vmem>> -> memref<1x64xf32, #tpu.memory_space<vmem>>
    %dma_start3A_1424 = arith.constant 0 : i32
    %dma_start3A_1425 = tpu.memref_slice %arg3[%squeeze3A_1420, %dma_start3A_1424] : memref<100000x64xf32, #tpu.memory_space<hbm>> -> memref<1x64xf32, #tpu.memory_space<hbm>>
    %dma_start3A_1426 = arith.constant 117 : i32
    %dma_start3A_1427 = arith.constant 0 : i32
    %dma_start3A_1428 = tpu.memref_slice %arg6[%dma_start3A_1426, %dma_start3A_1427] : memref<512x64xf32, #tpu.memory_space<vmem>> -> memref<1x64xf32, #tpu.memory_space<vmem>>
    %dma_start3A_1429 = arith.constant 0 : i32
    %dma_start3A_1430 = tpu.memref_slice %arg3[%squeeze3A_1420, %dma_start3A_1429] : memref<100000x64xf32, #tpu.memory_space<hbm>> -> memref<1x64xf32, #tpu.memory_space<hbm>>
    tpu.enqueue_dma source(%dma_start3A_1430 : memref<1x64xf32, #tpu.memory_space<hbm>>) target(%dma_start3A_1428 : memref<1x64xf32, #tpu.memory_space<vmem>>) target_semaphore(%arg7 : memref<!tpu.dma_semaphore, #tpu.memory_space<semaphore_mem>>)
    %slice3A_1431 = vector.extract_strided_slice %get3A_1358 {offsets = [6], sizes = [1], strides = [1]} : vector<16xi32> to vector<1xi32>
    %squeeze3A_1432 = vector.extract %slice3A_1431[0] : i32 from vector<1xi32>
    %dma_start3A_1433 = arith.constant 118 : i32
    %dma_start3A_1434 = arith.constant 0 : i32
    %dma_start3A_1435 = tpu.memref_slice %arg6[%dma_start3A_1433, %dma_start3A_1434] : memref<512x64xf32, #tpu.memory_space<vmem>> -> memref<1x64xf32, #tpu.memory_space<vmem>>
    %dma_start3A_1436 = arith.constant 0 : i32
    %dma_start3A_1437 = tpu.memref_slice %arg3[%squeeze3A_1432, %dma_start3A_1436] : memref<100000x64xf32, #tpu.memory_space<hbm>> -> memref<1x64xf32, #tpu.memory_space<hbm>>
    %dma_start3A_1438 = arith.constant 118 : i32
    %dma_start3A_1439 = arith.constant 0 : i32
    %dma_start3A_1440 = tpu.memref_slice %arg6[%dma_start3A_1438, %dma_start3A_1439] : memref<512x64xf32, #tpu.memory_space<vmem>> -> memref<1x64xf32, #tpu.memory_space<vmem>>
    %dma_start3A_1441 = arith.constant 0 : i32
    %dma_start3A_1442 = tpu.memref_slice %arg3[%squeeze3A_1432, %dma_start3A_1441] : memref<100000x64xf32, #tpu.memory_space<hbm>> -> memref<1x64xf32, #tpu.memory_space<hbm>>
    tpu.enqueue_dma source(%dma_start3A_1442 : memref<1x64xf32, #tpu.memory_space<hbm>>) target(%dma_start3A_1440 : memref<1x64xf32, #tpu.memory_space<vmem>>) target_semaphore(%arg7 : memref<!tpu.dma_semaphore, #tpu.memory_space<semaphore_mem>>)
    %slice3A_1443 = vector.extract_strided_slice %get3A_1358 {offsets = [7], sizes = [1], strides = [1]} : vector<16xi32> to vector<1xi32>
    %squeeze3A_1444 = vector.extract %slice3A_1443[0] : i32 from vector<1xi32>
    %dma_start3A_1445 = arith.constant 119 : i32
    %dma_start3A_1446 = arith.constant 0 : i32
    %dma_start3A_1447 = tpu.memref_slice %arg6[%dma_start3A_1445, %dma_start3A_1446] : memref<512x64xf32, #tpu.memory_space<vmem>> -> memref<1x64xf32, #tpu.memory_space<vmem>>
    %dma_start3A_1448 = arith.constant 0 : i32
    %dma_start3A_1449 = tpu.memref_slice %arg3[%squeeze3A_1444, %dma_start3A_1448] : memref<100000x64xf32, #tpu.memory_space<hbm>> -> memref<1x64xf32, #tpu.memory_space<hbm>>
    %dma_start3A_1450 = arith.constant 119 : i32
    %dma_start3A_1451 = arith.constant 0 : i32
    %dma_start3A_1452 = tpu.memref_slice %arg6[%dma_start3A_1450, %dma_start3A_1451] : memref<512x64xf32, #tpu.memory_space<vmem>> -> memref<1x64xf32, #tpu.memory_space<vmem>>
    %dma_start3A_1453 = arith.constant 0 : i32
    %dma_start3A_1454 = tpu.memref_slice %arg3[%squeeze3A_1444, %dma_start3A_1453] : memref<100000x64xf32, #tpu.memory_space<hbm>> -> memref<1x64xf32, #tpu.memory_space<hbm>>
    tpu.enqueue_dma source(%dma_start3A_1454 : memref<1x64xf32, #tpu.memory_space<hbm>>) target(%dma_start3A_1452 : memref<1x64xf32, #tpu.memory_space<vmem>>) target_semaphore(%arg7 : memref<!tpu.dma_semaphore, #tpu.memory_space<semaphore_mem>>)
    %slice3A_1455 = vector.extract_strided_slice %get3A_1358 {offsets = [8], sizes = [1], strides = [1]} : vector<16xi32> to vector<1xi32>
    %squeeze3A_1456 = vector.extract %slice3A_1455[0] : i32 from vector<1xi32>
    %dma_start3A_1457 = arith.constant 120 : i32
    %dma_start3A_1458 = arith.constant 0 : i32
    %dma_start3A_1459 = tpu.memref_slice %arg6[%dma_start3A_1457, %dma_start3A_1458] : memref<512x64xf32, #tpu.memory_space<vmem>> -> memref<1x64xf32, #tpu.memory_space<vmem>>
    %dma_start3A_1460 = arith.constant 0 : i32
    %dma_start3A_1461 = tpu.memref_slice %arg3[%squeeze3A_1456, %dma_start3A_1460] : memref<100000x64xf32, #tpu.memory_space<hbm>> -> memref<1x64xf32, #tpu.memory_space<hbm>>
    %dma_start3A_1462 = arith.constant 120 : i32
    %dma_start3A_1463 = arith.constant 0 : i32
    %dma_start3A_1464 = tpu.memref_slice %arg6[%dma_start3A_1462, %dma_start3A_1463] : memref<512x64xf32, #tpu.memory_space<vmem>> -> memref<1x64xf32, #tpu.memory_space<vmem>>
    %dma_start3A_1465 = arith.constant 0 : i32
    %dma_start3A_1466 = tpu.memref_slice %arg3[%squeeze3A_1456, %dma_start3A_1465] : memref<100000x64xf32, #tpu.memory_space<hbm>> -> memref<1x64xf32, #tpu.memory_space<hbm>>
    tpu.enqueue_dma source(%dma_start3A_1466 : memref<1x64xf32, #tpu.memory_space<hbm>>) target(%dma_start3A_1464 : memref<1x64xf32, #tpu.memory_space<vmem>>) target_semaphore(%arg7 : memref<!tpu.dma_semaphore, #tpu.memory_space<semaphore_mem>>)
    %slice3A_1467 = vector.extract_strided_slice %get3A_1358 {offsets = [9], sizes = [1], strides = [1]} : vector<16xi32> to vector<1xi32>
    %squeeze3A_1468 = vector.extract %slice3A_1467[0] : i32 from vector<1xi32>
    %dma_start3A_1469 = arith.constant 121 : i32
    %dma_start3A_1470 = arith.constant 0 : i32
    %dma_start3A_1471 = tpu.memref_slice %arg6[%dma_start3A_1469, %dma_start3A_1470] : memref<512x64xf32, #tpu.memory_space<vmem>> -> memref<1x64xf32, #tpu.memory_space<vmem>>
    %dma_start3A_1472 = arith.constant 0 : i32
    %dma_start3A_1473 = tpu.memref_slice %arg3[%squeeze3A_1468, %dma_start3A_1472] : memref<100000x64xf32, #tpu.memory_space<hbm>> -> memref<1x64xf32, #tpu.memory_space<hbm>>
    %dma_start3A_1474 = arith.constant 121 : i32
    %dma_start3A_1475 = arith.constant 0 : i32
    %dma_start3A_1476 = tpu.memref_slice %arg6[%dma_start3A_1474, %dma_start3A_1475] : memref<512x64xf32, #tpu.memory_space<vmem>> -> memref<1x64xf32, #tpu.memory_space<vmem>>
    %dma_start3A_1477 = arith.constant 0 : i32
    %dma_start3A_1478 = tpu.memref_slice %arg3[%squeeze3A_1468, %dma_start3A_1477] : memref<100000x64xf32, #tpu.memory_space<hbm>> -> memref<1x64xf32, #tpu.memory_space<hbm>>
    tpu.enqueue_dma source(%dma_start3A_1478 : memref<1x64xf32, #tpu.memory_space<hbm>>) target(%dma_start3A_1476 : memref<1x64xf32, #tpu.memory_space<vmem>>) target_semaphore(%arg7 : memref<!tpu.dma_semaphore, #tpu.memory_space<semaphore_mem>>)
    %slice3A_1479 = vector.extract_strided_slice %get3A_1358 {offsets = [10], sizes = [1], strides = [1]} : vector<16xi32> to vector<1xi32>
    %squeeze3A_1480 = vector.extract %slice3A_1479[0] : i32 from vector<1xi32>
    %dma_start3A_1481 = arith.constant 122 : i32
    %dma_start3A_1482 = arith.constant 0 : i32
    %dma_start3A_1483 = tpu.memref_slice %arg6[%dma_start3A_1481, %dma_start3A_1482] : memref<512x64xf32, #tpu.memory_space<vmem>> -> memref<1x64xf32, #tpu.memory_space<vmem>>
    %dma_start3A_1484 = arith.constant 0 : i32
    %dma_start3A_1485 = tpu.memref_slice %arg3[%squeeze3A_1480, %dma_start3A_1484] : memref<100000x64xf32, #tpu.memory_space<hbm>> -> memref<1x64xf32, #tpu.memory_space<hbm>>
    %dma_start3A_1486 = arith.constant 122 : i32
    %dma_start3A_1487 = arith.constant 0 : i32
    %dma_start3A_1488 = tpu.memref_slice %arg6[%dma_start3A_1486, %dma_start3A_1487] : memref<512x64xf32, #tpu.memory_space<vmem>> -> memref<1x64xf32, #tpu.memory_space<vmem>>
    %dma_start3A_1489 = arith.constant 0 : i32
    %dma_start3A_1490 = tpu.memref_slice %arg3[%squeeze3A_1480, %dma_start3A_1489] : memref<100000x64xf32, #tpu.memory_space<hbm>> -> memref<1x64xf32, #tpu.memory_space<hbm>>
    tpu.enqueue_dma source(%dma_start3A_1490 : memref<1x64xf32, #tpu.memory_space<hbm>>) target(%dma_start3A_1488 : memref<1x64xf32, #tpu.memory_space<vmem>>) target_semaphore(%arg7 : memref<!tpu.dma_semaphore, #tpu.memory_space<semaphore_mem>>)
    %slice3A_1491 = vector.extract_strided_slice %get3A_1358 {offsets = [11], sizes = [1], strides = [1]} : vector<16xi32> to vector<1xi32>
    %squeeze3A_1492 = vector.extract %slice3A_1491[0] : i32 from vector<1xi32>
    %dma_start3A_1493 = arith.constant 123 : i32
    %dma_start3A_1494 = arith.constant 0 : i32
    %dma_start3A_1495 = tpu.memref_slice %arg6[%dma_start3A_1493, %dma_start3A_1494] : memref<512x64xf32, #tpu.memory_space<vmem>> -> memref<1x64xf32, #tpu.memory_space<vmem>>
    %dma_start3A_1496 = arith.constant 0 : i32
    %dma_start3A_1497 = tpu.memref_slice %arg3[%squeeze3A_1492, %dma_start3A_1496] : memref<100000x64xf32, #tpu.memory_space<hbm>> -> memref<1x64xf32, #tpu.memory_space<hbm>>
    %dma_start3A_1498 = arith.constant 123 : i32
    %dma_start3A_1499 = arith.constant 0 : i32
    %dma_start3A_1500 = tpu.memref_slice %arg6[%dma_start3A_1498, %dma_start3A_1499] : memref<512x64xf32, #tpu.memory_space<vmem>> -> memref<1x64xf32, #tpu.memory_space<vmem>>
    %dma_start3A_1501 = arith.constant 0 : i32
    %dma_start3A_1502 = tpu.memref_slice %arg3[%squeeze3A_1492, %dma_start3A_1501] : memref<100000x64xf32, #tpu.memory_space<hbm>> -> memref<1x64xf32, #tpu.memory_space<hbm>>
    tpu.enqueue_dma source(%dma_start3A_1502 : memref<1x64xf32, #tpu.memory_space<hbm>>) target(%dma_start3A_1500 : memref<1x64xf32, #tpu.memory_space<vmem>>) target_semaphore(%arg7 : memref<!tpu.dma_semaphore, #tpu.memory_space<semaphore_mem>>)
    %slice3A_1503 = vector.extract_strided_slice %get3A_1358 {offsets = [12], sizes = [1], strides = [1]} : vector<16xi32> to vector<1xi32>
    %squeeze3A_1504 = vector.extract %slice3A_1503[0] : i32 from vector<1xi32>
    %dma_start3A_1505 = arith.constant 124 : i32
    %dma_start3A_1506 = arith.constant 0 : i32
    %dma_start3A_1507 = tpu.memref_slice %arg6[%dma_start3A_1505, %dma_start3A_1506] : memref<512x64xf32, #tpu.memory_space<vmem>> -> memref<1x64xf32, #tpu.memory_space<vmem>>
    %dma_start3A_1508 = arith.constant 0 : i32
    %dma_start3A_1509 = tpu.memref_slice %arg3[%squeeze3A_1504, %dma_start3A_1508] : memref<100000x64xf32, #tpu.memory_space<hbm>> -> memref<1x64xf32, #tpu.memory_space<hbm>>
    %dma_start3A_1510 = arith.constant 124 : i32
    %dma_start3A_1511 = arith.constant 0 : i32
    %dma_start3A_1512 = tpu.memref_slice %arg6[%dma_start3A_1510, %dma_start3A_1511] : memref<512x64xf32, #tpu.memory_space<vmem>> -> memref<1x64xf32, #tpu.memory_space<vmem>>
    %dma_start3A_1513 = arith.constant 0 : i32
    %dma_start3A_1514 = tpu.memref_slice %arg3[%squeeze3A_1504, %dma_start3A_1513] : memref<100000x64xf32, #tpu.memory_space<hbm>> -> memref<1x64xf32, #tpu.memory_space<hbm>>
    tpu.enqueue_dma source(%dma_start3A_1514 : memref<1x64xf32, #tpu.memory_space<hbm>>) target(%dma_start3A_1512 : memref<1x64xf32, #tpu.memory_space<vmem>>) target_semaphore(%arg7 : memref<!tpu.dma_semaphore, #tpu.memory_space<semaphore_mem>>)
    %slice3A_1515 = vector.extract_strided_slice %get3A_1358 {offsets = [13], sizes = [1], strides = [1]} : vector<16xi32> to vector<1xi32>
    %squeeze3A_1516 = vector.extract %slice3A_1515[0] : i32 from vector<1xi32>
    %dma_start3A_1517 = arith.constant 125 : i32
    %dma_start3A_1518 = arith.constant 0 : i32
    %dma_start3A_1519 = tpu.memref_slice %arg6[%dma_start3A_1517, %dma_start3A_1518] : memref<512x64xf32, #tpu.memory_space<vmem>> -> memref<1x64xf32, #tpu.memory_space<vmem>>
    %dma_start3A_1520 = arith.constant 0 : i32
    %dma_start3A_1521 = tpu.memref_slice %arg3[%squeeze3A_1516, %dma_start3A_1520] : memref<100000x64xf32, #tpu.memory_space<hbm>> -> memref<1x64xf32, #tpu.memory_space<hbm>>
    %dma_start3A_1522 = arith.constant 125 : i32
    %dma_start3A_1523 = arith.constant 0 : i32
    %dma_start3A_1524 = tpu.memref_slice %arg6[%dma_start3A_1522, %dma_start3A_1523] : memref<512x64xf32, #tpu.memory_space<vmem>> -> memref<1x64xf32, #tpu.memory_space<vmem>>
    %dma_start3A_1525 = arith.constant 0 : i32
    %dma_start3A_1526 = tpu.memref_slice %arg3[%squeeze3A_1516, %dma_start3A_1525] : memref<100000x64xf32, #tpu.memory_space<hbm>> -> memref<1x64xf32, #tpu.memory_space<hbm>>
    tpu.enqueue_dma source(%dma_start3A_1526 : memref<1x64xf32, #tpu.memory_space<hbm>>) target(%dma_start3A_1524 : memref<1x64xf32, #tpu.memory_space<vmem>>) target_semaphore(%arg7 : memref<!tpu.dma_semaphore, #tpu.memory_space<semaphore_mem>>)
    %slice3A_1527 = vector.extract_strided_slice %get3A_1358 {offsets = [14], sizes = [1], strides = [1]} : vector<16xi32> to vector<1xi32>
    %squeeze3A_1528 = vector.extract %slice3A_1527[0] : i32 from vector<1xi32>
    %dma_start3A_1529 = arith.constant 126 : i32
    %dma_start3A_1530 = arith.constant 0 : i32
    %dma_start3A_1531 = tpu.memref_slice %arg6[%dma_start3A_1529, %dma_start3A_1530] : memref<512x64xf32, #tpu.memory_space<vmem>> -> memref<1x64xf32, #tpu.memory_space<vmem>>
    %dma_start3A_1532 = arith.constant 0 : i32
    %dma_start3A_1533 = tpu.memref_slice %arg3[%squeeze3A_1528, %dma_start3A_1532] : memref<100000x64xf32, #tpu.memory_space<hbm>> -> memref<1x64xf32, #tpu.memory_space<hbm>>
    %dma_start3A_1534 = arith.constant 126 : i32
    %dma_start3A_1535 = arith.constant 0 : i32
    %dma_start3A_1536 = tpu.memref_slice %arg6[%dma_start3A_1534, %dma_start3A_1535] : memref<512x64xf32, #tpu.memory_space<vmem>> -> memref<1x64xf32, #tpu.memory_space<vmem>>
    %dma_start3A_1537 = arith.constant 0 : i32
    %dma_start3A_1538 = tpu.memref_slice %arg3[%squeeze3A_1528, %dma_start3A_1537] : memref<100000x64xf32, #tpu.memory_space<hbm>> -> memref<1x64xf32, #tpu.memory_space<hbm>>
    tpu.enqueue_dma source(%dma_start3A_1538 : memref<1x64xf32, #tpu.memory_space<hbm>>) target(%dma_start3A_1536 : memref<1x64xf32, #tpu.memory_space<vmem>>) target_semaphore(%arg7 : memref<!tpu.dma_semaphore, #tpu.memory_space<semaphore_mem>>)
    %slice3A_1539 = vector.extract_strided_slice %get3A_1358 {offsets = [15], sizes = [1], strides = [1]} : vector<16xi32> to vector<1xi32>
    %squeeze3A_1540 = vector.extract %slice3A_1539[0] : i32 from vector<1xi32>
    %dma_start3A_1541 = arith.constant 127 : i32
    %dma_start3A_1542 = arith.constant 0 : i32
    %dma_start3A_1543 = tpu.memref_slice %arg6[%dma_start3A_1541, %dma_start3A_1542] : memref<512x64xf32, #tpu.memory_space<vmem>> -> memref<1x64xf32, #tpu.memory_space<vmem>>
    %dma_start3A_1544 = arith.constant 0 : i32
    %dma_start3A_1545 = tpu.memref_slice %arg3[%squeeze3A_1540, %dma_start3A_1544] : memref<100000x64xf32, #tpu.memory_space<hbm>> -> memref<1x64xf32, #tpu.memory_space<hbm>>
    %dma_start3A_1546 = arith.constant 127 : i32
    %dma_start3A_1547 = arith.constant 0 : i32
    %dma_start3A_1548 = tpu.memref_slice %arg6[%dma_start3A_1546, %dma_start3A_1547] : memref<512x64xf32, #tpu.memory_space<vmem>> -> memref<1x64xf32, #tpu.memory_space<vmem>>
    %dma_start3A_1549 = arith.constant 0 : i32
    %dma_start3A_1550 = tpu.memref_slice %arg3[%squeeze3A_1540, %dma_start3A_1549] : memref<100000x64xf32, #tpu.memory_space<hbm>> -> memref<1x64xf32, #tpu.memory_space<hbm>>
    tpu.enqueue_dma source(%dma_start3A_1550 : memref<1x64xf32, #tpu.memory_space<hbm>>) target(%dma_start3A_1548 : memref<1x64xf32, #tpu.memory_space<vmem>>) target_semaphore(%arg7 : memref<!tpu.dma_semaphore, #tpu.memory_space<semaphore_mem>>)
    %scan3A = arith.constant 0 : i32
    %scan3A_1551 = arith.constant 8 : i32
    %scan3A_1552 = arith.constant 24 : i32
    %scan3A_1553 = arith.addi %scan3A_1551, %scan3A_1552 : i32
    %scan3A_1554 = arith.constant 1 : i32
    scf.for %scan3A_1651 = %scan3A_1551 to %scan3A_1553 step %scan3A_1554  : i32 {
      %mul3A_1652 = arith.constant 16 : i32
      %mul3A_1653 = arith.muli %scan3A_1651, %mul3A_1652 : i32
      %get3A_1654 = arith.index_cast %mul3A_1653 : i32 to index
      %get3A_1655 = tpu.vector_load %arg5[%get3A_1654] {strides = array<i32>} : memref<512xi32, #tpu.memory_space<vmem>>, vector<16xi32>,
      %slice3A_1656 = vector.extract_strided_slice %get3A_1655 {offsets = [0], sizes = [1], strides = [1]} : vector<16xi32> to vector<1xi32>
      %squeeze3A_1657 = vector.extract %slice3A_1656[0] : i32 from vector<1xi32>
      %mul3A_1658 = arith.constant 16 : i32
      %mul3A_1659 = arith.muli %scan3A_1651, %mul3A_1658 : i32
      %add3A_1660 = arith.constant 0 : i32
      %add3A_1661 = arith.addi %mul3A_1659, %add3A_1660 : i32
      %dma_start3A_1662 = arith.constant 0 : i32
      %dma_start3A_1663 = tpu.memref_slice %arg6[%add3A_1661, %dma_start3A_1662] : memref<512x64xf32, #tpu.memory_space<vmem>> -> memref<1x64xf32, #tpu.memory_space<vmem>>
      %dma_start3A_1664 = arith.constant 0 : i32
      %dma_start3A_1665 = tpu.memref_slice %arg3[%squeeze3A_1657, %dma_start3A_1664] : memref<100000x64xf32, #tpu.memory_space<hbm>> -> memref<1x64xf32, #tpu.memory_space<hbm>>
      %dma_start3A_1666 = arith.constant 0 : i32
      %dma_start3A_1667 = tpu.memref_slice %arg6[%add3A_1661, %dma_start3A_1666] : memref<512x64xf32, #tpu.memory_space<vmem>> -> memref<1x64xf32, #tpu.memory_space<vmem>>
      %dma_start3A_1668 = arith.constant 0 : i32
      %dma_start3A_1669 = tpu.memref_slice %arg3[%squeeze3A_1657, %dma_start3A_1668] : memref<100000x64xf32, #tpu.memory_space<hbm>> -> memref<1x64xf32, #tpu.memory_space<hbm>>
      tpu.enqueue_dma source(%dma_start3A_1669 : memref<1x64xf32, #tpu.memory_space<hbm>>) target(%dma_start3A_1667 : memref<1x64xf32, #tpu.memory_space<vmem>>) target_semaphore(%arg7 : memref<!tpu.dma_semaphore, #tpu.memory_space<semaphore_mem>>)
      %slice3A_1670 = vector.extract_strided_slice %get3A_1655 {offsets = [1], sizes = [1], strides = [1]} : vector<16xi32> to vector<1xi32>
      %squeeze3A_1671 = vector.extract %slice3A_1670[0] : i32 from vector<1xi32>
      %mul3A_1672 = arith.constant 16 : i32
      %mul3A_1673 = arith.muli %scan3A_1651, %mul3A_1672 : i32
      %add3A_1674 = arith.constant 1 : i32
      %add3A_1675 = arith.addi %mul3A_1673, %add3A_1674 : i32
      %dma_start3A_1676 = arith.constant 0 : i32
      %dma_start3A_1677 = tpu.memref_slice %arg6[%add3A_1675, %dma_start3A_1676] : memref<512x64xf32, #tpu.memory_space<vmem>> -> memref<1x64xf32, #tpu.memory_space<vmem>>
      %dma_start3A_1678 = arith.constant 0 : i32
      %dma_start3A_1679 = tpu.memref_slice %arg3[%squeeze3A_1671, %dma_start3A_1678] : memref<100000x64xf32, #tpu.memory_space<hbm>> -> memref<1x64xf32, #tpu.memory_space<hbm>>
      %dma_start3A_1680 = arith.constant 0 : i32
      %dma_start3A_1681 = tpu.memref_slice %arg6[%add3A_1675, %dma_start3A_1680] : memref<512x64xf32, #tpu.memory_space<vmem>> -> memref<1x64xf32, #tpu.memory_space<vmem>>
      %dma_start3A_1682 = arith.constant 0 : i32
      %dma_start3A_1683 = tpu.memref_slice %arg3[%squeeze3A_1671, %dma_start3A_1682] : memref<100000x64xf32, #tpu.memory_space<hbm>> -> memref<1x64xf32, #tpu.memory_space<hbm>>
      tpu.enqueue_dma source(%dma_start3A_1683 : memref<1x64xf32, #tpu.memory_space<hbm>>) target(%dma_start3A_1681 : memref<1x64xf32, #tpu.memory_space<vmem>>) target_semaphore(%arg7 : memref<!tpu.dma_semaphore, #tpu.memory_space<semaphore_mem>>)
      %slice3A_1684 = vector.extract_strided_slice %get3A_1655 {offsets = [2], sizes = [1], strides = [1]} : vector<16xi32> to vector<1xi32>
      %squeeze3A_1685 = vector.extract %slice3A_1684[0] : i32 from vector<1xi32>
      %mul3A_1686 = arith.constant 16 : i32
      %mul3A_1687 = arith.muli %scan3A_1651, %mul3A_1686 : i32
      %add3A_1688 = arith.constant 2 : i32
      %add3A_1689 = arith.addi %mul3A_1687, %add3A_1688 : i32
      %dma_start3A_1690 = arith.constant 0 : i32
      %dma_start3A_1691 = tpu.memref_slice %arg6[%add3A_1689, %dma_start3A_1690] : memref<512x64xf32, #tpu.memory_space<vmem>> -> memref<1x64xf32, #tpu.memory_space<vmem>>
      %dma_start3A_1692 = arith.constant 0 : i32
      %dma_start3A_1693 = tpu.memref_slice %arg3[%squeeze3A_1685, %dma_start3A_1692] : memref<100000x64xf32, #tpu.memory_space<hbm>> -> memref<1x64xf32, #tpu.memory_space<hbm>>
      %dma_start3A_1694 = arith.constant 0 : i32
      %dma_start3A_1695 = tpu.memref_slice %arg6[%add3A_1689, %dma_start3A_1694] : memref<512x64xf32, #tpu.memory_space<vmem>> -> memref<1x64xf32, #tpu.memory_space<vmem>>
      %dma_start3A_1696 = arith.constant 0 : i32
      %dma_start3A_1697 = tpu.memref_slice %arg3[%squeeze3A_1685, %dma_start3A_1696] : memref<100000x64xf32, #tpu.memory_space<hbm>> -> memref<1x64xf32, #tpu.memory_space<hbm>>
      tpu.enqueue_dma source(%dma_start3A_1697 : memref<1x64xf32, #tpu.memory_space<hbm>>) target(%dma_start3A_1695 : memref<1x64xf32, #tpu.memory_space<vmem>>) target_semaphore(%arg7 : memref<!tpu.dma_semaphore, #tpu.memory_space<semaphore_mem>>)
      %slice3A_1698 = vector.extract_strided_slice %get3A_1655 {offsets = [3], sizes = [1], strides = [1]} : vector<16xi32> to vector<1xi32>
      %squeeze3A_1699 = vector.extract %slice3A_1698[0] : i32 from vector<1xi32>
      %mul3A_1700 = arith.constant 16 : i32
      %mul3A_1701 = arith.muli %scan3A_1651, %mul3A_1700 : i32
      %add3A_1702 = arith.constant 3 : i32
      %add3A_1703 = arith.addi %mul3A_1701, %add3A_1702 : i32
      %dma_start3A_1704 = arith.constant 0 : i32
      %dma_start3A_1705 = tpu.memref_slice %arg6[%add3A_1703, %dma_start3A_1704] : memref<512x64xf32, #tpu.memory_space<vmem>> -> memref<1x64xf32, #tpu.memory_space<vmem>>
      %dma_start3A_1706 = arith.constant 0 : i32
      %dma_start3A_1707 = tpu.memref_slice %arg3[%squeeze3A_1699, %dma_start3A_1706] : memref<100000x64xf32, #tpu.memory_space<hbm>> -> memref<1x64xf32, #tpu.memory_space<hbm>>
      %dma_start3A_1708 = arith.constant 0 : i32
      %dma_start3A_1709 = tpu.memref_slice %arg6[%add3A_1703, %dma_start3A_1708] : memref<512x64xf32, #tpu.memory_space<vmem>> -> memref<1x64xf32, #tpu.memory_space<vmem>>
      %dma_start3A_1710 = arith.constant 0 : i32
      %dma_start3A_1711 = tpu.memref_slice %arg3[%squeeze3A_1699, %dma_start3A_1710] : memref<100000x64xf32, #tpu.memory_space<hbm>> -> memref<1x64xf32, #tpu.memory_space<hbm>>
      tpu.enqueue_dma source(%dma_start3A_1711 : memref<1x64xf32, #tpu.memory_space<hbm>>) target(%dma_start3A_1709 : memref<1x64xf32, #tpu.memory_space<vmem>>) target_semaphore(%arg7 : memref<!tpu.dma_semaphore, #tpu.memory_space<semaphore_mem>>)
      %slice3A_1712 = vector.extract_strided_slice %get3A_1655 {offsets = [4], sizes = [1], strides = [1]} : vector<16xi32> to vector<1xi32>
      %squeeze3A_1713 = vector.extract %slice3A_1712[0] : i32 from vector<1xi32>
      %mul3A_1714 = arith.constant 16 : i32
      %mul3A_1715 = arith.muli %scan3A_1651, %mul3A_1714 : i32
      %add3A_1716 = arith.constant 4 : i32
      %add3A_1717 = arith.addi %mul3A_1715, %add3A_1716 : i32
      %dma_start3A_1718 = arith.constant 0 : i32
      %dma_start3A_1719 = tpu.memref_slice %arg6[%add3A_1717, %dma_start3A_1718] : memref<512x64xf32, #tpu.memory_space<vmem>> -> memref<1x64xf32, #tpu.memory_space<vmem>>
      %dma_start3A_1720 = arith.constant 0 : i32
      %dma_start3A_1721 = tpu.memref_slice %arg3[%squeeze3A_1713, %dma_start3A_1720] : memref<100000x64xf32, #tpu.memory_space<hbm>> -> memref<1x64xf32, #tpu.memory_space<hbm>>
      %dma_start3A_1722 = arith.constant 0 : i32
      %dma_start3A_1723 = tpu.memref_slice %arg6[%add3A_1717, %dma_start3A_1722] : memref<512x64xf32, #tpu.memory_space<vmem>> -> memref<1x64xf32, #tpu.memory_space<vmem>>
      %dma_start3A_1724 = arith.constant 0 : i32
      %dma_start3A_1725 = tpu.memref_slice %arg3[%squeeze3A_1713, %dma_start3A_1724] : memref<100000x64xf32, #tpu.memory_space<hbm>> -> memref<1x64xf32, #tpu.memory_space<hbm>>
      tpu.enqueue_dma source(%dma_start3A_1725 : memref<1x64xf32, #tpu.memory_space<hbm>>) target(%dma_start3A_1723 : memref<1x64xf32, #tpu.memory_space<vmem>>) target_semaphore(%arg7 : memref<!tpu.dma_semaphore, #tpu.memory_space<semaphore_mem>>)
      %slice3A_1726 = vector.extract_strided_slice %get3A_1655 {offsets = [5], sizes = [1], strides = [1]} : vector<16xi32> to vector<1xi32>
      %squeeze3A_1727 = vector.extract %slice3A_1726[0] : i32 from vector<1xi32>
      %mul3A_1728 = arith.constant 16 : i32
      %mul3A_1729 = arith.muli %scan3A_1651, %mul3A_1728 : i32
      %add3A_1730 = arith.constant 5 : i32
      %add3A_1731 = arith.addi %mul3A_1729, %add3A_1730 : i32
      %dma_start3A_1732 = arith.constant 0 : i32
      %dma_start3A_1733 = tpu.memref_slice %arg6[%add3A_1731, %dma_start3A_1732] : memref<512x64xf32, #tpu.memory_space<vmem>> -> memref<1x64xf32, #tpu.memory_space<vmem>>
      %dma_start3A_1734 = arith.constant 0 : i32
      %dma_start3A_1735 = tpu.memref_slice %arg3[%squeeze3A_1727, %dma_start3A_1734] : memref<100000x64xf32, #tpu.memory_space<hbm>> -> memref<1x64xf32, #tpu.memory_space<hbm>>
      %dma_start3A_1736 = arith.constant 0 : i32
      %dma_start3A_1737 = tpu.memref_slice %arg6[%add3A_1731, %dma_start3A_1736] : memref<512x64xf32, #tpu.memory_space<vmem>> -> memref<1x64xf32, #tpu.memory_space<vmem>>
      %dma_start3A_1738 = arith.constant 0 : i32
      %dma_start3A_1739 = tpu.memref_slice %arg3[%squeeze3A_1727, %dma_start3A_1738] : memref<100000x64xf32, #tpu.memory_space<hbm>> -> memref<1x64xf32, #tpu.memory_space<hbm>>
      tpu.enqueue_dma source(%dma_start3A_1739 : memref<1x64xf32, #tpu.memory_space<hbm>>) target(%dma_start3A_1737 : memref<1x64xf32, #tpu.memory_space<vmem>>) target_semaphore(%arg7 : memref<!tpu.dma_semaphore, #tpu.memory_space<semaphore_mem>>)
      %slice3A_1740 = vector.extract_strided_slice %get3A_1655 {offsets = [6], sizes = [1], strides = [1]} : vector<16xi32> to vector<1xi32>
      %squeeze3A_1741 = vector.extract %slice3A_1740[0] : i32 from vector<1xi32>
      %mul3A_1742 = arith.constant 16 : i32
      %mul3A_1743 = arith.muli %scan3A_1651, %mul3A_1742 : i32
      %add3A_1744 = arith.constant 6 : i32
      %add3A_1745 = arith.addi %mul3A_1743, %add3A_1744 : i32
      %dma_start3A_1746 = arith.constant 0 : i32
      %dma_start3A_1747 = tpu.memref_slice %arg6[%add3A_1745, %dma_start3A_1746] : memref<512x64xf32, #tpu.memory_space<vmem>> -> memref<1x64xf32, #tpu.memory_space<vmem>>
      %dma_start3A_1748 = arith.constant 0 : i32
      %dma_start3A_1749 = tpu.memref_slice %arg3[%squeeze3A_1741, %dma_start3A_1748] : memref<100000x64xf32, #tpu.memory_space<hbm>> -> memref<1x64xf32, #tpu.memory_space<hbm>>
      %dma_start3A_1750 = arith.constant 0 : i32
      %dma_start3A_1751 = tpu.memref_slice %arg6[%add3A_1745, %dma_start3A_1750] : memref<512x64xf32, #tpu.memory_space<vmem>> -> memref<1x64xf32, #tpu.memory_space<vmem>>
      %dma_start3A_1752 = arith.constant 0 : i32
      %dma_start3A_1753 = tpu.memref_slice %arg3[%squeeze3A_1741, %dma_start3A_1752] : memref<100000x64xf32, #tpu.memory_space<hbm>> -> memref<1x64xf32, #tpu.memory_space<hbm>>
      tpu.enqueue_dma source(%dma_start3A_1753 : memref<1x64xf32, #tpu.memory_space<hbm>>) target(%dma_start3A_1751 : memref<1x64xf32, #tpu.memory_space<vmem>>) target_semaphore(%arg7 : memref<!tpu.dma_semaphore, #tpu.memory_space<semaphore_mem>>)
      %slice3A_1754 = vector.extract_strided_slice %get3A_1655 {offsets = [7], sizes = [1], strides = [1]} : vector<16xi32> to vector<1xi32>
      %squeeze3A_1755 = vector.extract %slice3A_1754[0] : i32 from vector<1xi32>
      %mul3A_1756 = arith.constant 16 : i32
      %mul3A_1757 = arith.muli %scan3A_1651, %mul3A_1756 : i32
      %add3A_1758 = arith.constant 7 : i32
      %add3A_1759 = arith.addi %mul3A_1757, %add3A_1758 : i32
      %dma_start3A_1760 = arith.constant 0 : i32
      %dma_start3A_1761 = tpu.memref_slice %arg6[%add3A_1759, %dma_start3A_1760] : memref<512x64xf32, #tpu.memory_space<vmem>> -> memref<1x64xf32, #tpu.memory_space<vmem>>
      %dma_start3A_1762 = arith.constant 0 : i32
      %dma_start3A_1763 = tpu.memref_slice %arg3[%squeeze3A_1755, %dma_start3A_1762] : memref<100000x64xf32, #tpu.memory_space<hbm>> -> memref<1x64xf32, #tpu.memory_space<hbm>>
      %dma_start3A_1764 = arith.constant 0 : i32
      %dma_start3A_1765 = tpu.memref_slice %arg6[%add3A_1759, %dma_start3A_1764] : memref<512x64xf32, #tpu.memory_space<vmem>> -> memref<1x64xf32, #tpu.memory_space<vmem>>
      %dma_start3A_1766 = arith.constant 0 : i32
      %dma_start3A_1767 = tpu.memref_slice %arg3[%squeeze3A_1755, %dma_start3A_1766] : memref<100000x64xf32, #tpu.memory_space<hbm>> -> memref<1x64xf32, #tpu.memory_space<hbm>>
      tpu.enqueue_dma source(%dma_start3A_1767 : memref<1x64xf32, #tpu.memory_space<hbm>>) target(%dma_start3A_1765 : memref<1x64xf32, #tpu.memory_space<vmem>>) target_semaphore(%arg7 : memref<!tpu.dma_semaphore, #tpu.memory_space<semaphore_mem>>)
      %slice3A_1768 = vector.extract_strided_slice %get3A_1655 {offsets = [8], sizes = [1], strides = [1]} : vector<16xi32> to vector<1xi32>
      %squeeze3A_1769 = vector.extract %slice3A_1768[0] : i32 from vector<1xi32>
      %mul3A_1770 = arith.constant 16 : i32
      %mul3A_1771 = arith.muli %scan3A_1651, %mul3A_1770 : i32
      %add3A_1772 = arith.constant 8 : i32
      %add3A_1773 = arith.addi %mul3A_1771, %add3A_1772 : i32
      %dma_start3A_1774 = arith.constant 0 : i32
      %dma_start3A_1775 = tpu.memref_slice %arg6[%add3A_1773, %dma_start3A_1774] : memref<512x64xf32, #tpu.memory_space<vmem>> -> memref<1x64xf32, #tpu.memory_space<vmem>>
      %dma_start3A_1776 = arith.constant 0 : i32
      %dma_start3A_1777 = tpu.memref_slice %arg3[%squeeze3A_1769, %dma_start3A_1776] : memref<100000x64xf32, #tpu.memory_space<hbm>> -> memref<1x64xf32, #tpu.memory_space<hbm>>
      %dma_start3A_1778 = arith.constant 0 : i32
      %dma_start3A_1779 = tpu.memref_slice %arg6[%add3A_1773, %dma_start3A_1778] : memref<512x64xf32, #tpu.memory_space<vmem>> -> memref<1x64xf32, #tpu.memory_space<vmem>>
      %dma_start3A_1780 = arith.constant 0 : i32
      %dma_start3A_1781 = tpu.memref_slice %arg3[%squeeze3A_1769, %dma_start3A_1780] : memref<100000x64xf32, #tpu.memory_space<hbm>> -> memref<1x64xf32, #tpu.memory_space<hbm>>
      tpu.enqueue_dma source(%dma_start3A_1781 : memref<1x64xf32, #tpu.memory_space<hbm>>) target(%dma_start3A_1779 : memref<1x64xf32, #tpu.memory_space<vmem>>) target_semaphore(%arg7 : memref<!tpu.dma_semaphore, #tpu.memory_space<semaphore_mem>>)
      %slice3A_1782 = vector.extract_strided_slice %get3A_1655 {offsets = [9], sizes = [1], strides = [1]} : vector<16xi32> to vector<1xi32>
      %squeeze3A_1783 = vector.extract %slice3A_1782[0] : i32 from vector<1xi32>
      %mul3A_1784 = arith.constant 16 : i32
      %mul3A_1785 = arith.muli %scan3A_1651, %mul3A_1784 : i32
      %add3A_1786 = arith.constant 9 : i32
      %add3A_1787 = arith.addi %mul3A_1785, %add3A_1786 : i32
      %dma_start3A_1788 = arith.constant 0 : i32
      %dma_start3A_1789 = tpu.memref_slice %arg6[%add3A_1787, %dma_start3A_1788] : memref<512x64xf32, #tpu.memory_space<vmem>> -> memref<1x64xf32, #tpu.memory_space<vmem>>
      %dma_start3A_1790 = arith.constant 0 : i32
      %dma_start3A_1791 = tpu.memref_slice %arg3[%squeeze3A_1783, %dma_start3A_1790] : memref<100000x64xf32, #tpu.memory_space<hbm>> -> memref<1x64xf32, #tpu.memory_space<hbm>>
      %dma_start3A_1792 = arith.constant 0 : i32
      %dma_start3A_1793 = tpu.memref_slice %arg6[%add3A_1787, %dma_start3A_1792] : memref<512x64xf32, #tpu.memory_space<vmem>> -> memref<1x64xf32, #tpu.memory_space<vmem>>
      %dma_start3A_1794 = arith.constant 0 : i32
      %dma_start3A_1795 = tpu.memref_slice %arg3[%squeeze3A_1783, %dma_start3A_1794] : memref<100000x64xf32, #tpu.memory_space<hbm>> -> memref<1x64xf32, #tpu.memory_space<hbm>>
      tpu.enqueue_dma source(%dma_start3A_1795 : memref<1x64xf32, #tpu.memory_space<hbm>>) target(%dma_start3A_1793 : memref<1x64xf32, #tpu.memory_space<vmem>>) target_semaphore(%arg7 : memref<!tpu.dma_semaphore, #tpu.memory_space<semaphore_mem>>)
      %slice3A_1796 = vector.extract_strided_slice %get3A_1655 {offsets = [10], sizes = [1], strides = [1]} : vector<16xi32> to vector<1xi32>
      %squeeze3A_1797 = vector.extract %slice3A_1796[0] : i32 from vector<1xi32>
      %mul3A_1798 = arith.constant 16 : i32
      %mul3A_1799 = arith.muli %scan3A_1651, %mul3A_1798 : i32
      %add3A_1800 = arith.constant 10 : i32
      %add3A_1801 = arith.addi %mul3A_1799, %add3A_1800 : i32
      %dma_start3A_1802 = arith.constant 0 : i32
      %dma_start3A_1803 = tpu.memref_slice %arg6[%add3A_1801, %dma_start3A_1802] : memref<512x64xf32, #tpu.memory_space<vmem>> -> memref<1x64xf32, #tpu.memory_space<vmem>>
      %dma_start3A_1804 = arith.constant 0 : i32
      %dma_start3A_1805 = tpu.memref_slice %arg3[%squeeze3A_1797, %dma_start3A_1804] : memref<100000x64xf32, #tpu.memory_space<hbm>> -> memref<1x64xf32, #tpu.memory_space<hbm>>
      %dma_start3A_1806 = arith.constant 0 : i32
      %dma_start3A_1807 = tpu.memref_slice %arg6[%add3A_1801, %dma_start3A_1806] : memref<512x64xf32, #tpu.memory_space<vmem>> -> memref<1x64xf32, #tpu.memory_space<vmem>>
      %dma_start3A_1808 = arith.constant 0 : i32
      %dma_start3A_1809 = tpu.memref_slice %arg3[%squeeze3A_1797, %dma_start3A_1808] : memref<100000x64xf32, #tpu.memory_space<hbm>> -> memref<1x64xf32, #tpu.memory_space<hbm>>
      tpu.enqueue_dma source(%dma_start3A_1809 : memref<1x64xf32, #tpu.memory_space<hbm>>) target(%dma_start3A_1807 : memref<1x64xf32, #tpu.memory_space<vmem>>) target_semaphore(%arg7 : memref<!tpu.dma_semaphore, #tpu.memory_space<semaphore_mem>>)
      %slice3A_1810 = vector.extract_strided_slice %get3A_1655 {offsets = [11], sizes = [1], strides = [1]} : vector<16xi32> to vector<1xi32>
      %squeeze3A_1811 = vector.extract %slice3A_1810[0] : i32 from vector<1xi32>
      %mul3A_1812 = arith.constant 16 : i32
      %mul3A_1813 = arith.muli %scan3A_1651, %mul3A_1812 : i32
      %add3A_1814 = arith.constant 11 : i32
      %add3A_1815 = arith.addi %mul3A_1813, %add3A_1814 : i32
      %dma_start3A_1816 = arith.constant 0 : i32
      %dma_start3A_1817 = tpu.memref_slice %arg6[%add3A_1815, %dma_start3A_1816] : memref<512x64xf32, #tpu.memory_space<vmem>> -> memref<1x64xf32, #tpu.memory_space<vmem>>
      %dma_start3A_1818 = arith.constant 0 : i32
      %dma_start3A_1819 = tpu.memref_slice %arg3[%squeeze3A_1811, %dma_start3A_1818] : memref<100000x64xf32, #tpu.memory_space<hbm>> -> memref<1x64xf32, #tpu.memory_space<hbm>>
      %dma_start3A_1820 = arith.constant 0 : i32
      %dma_start3A_1821 = tpu.memref_slice %arg6[%add3A_1815, %dma_start3A_1820] : memref<512x64xf32, #tpu.memory_space<vmem>> -> memref<1x64xf32, #tpu.memory_space<vmem>>
      %dma_start3A_1822 = arith.constant 0 : i32
      %dma_start3A_1823 = tpu.memref_slice %arg3[%squeeze3A_1811, %dma_start3A_1822] : memref<100000x64xf32, #tpu.memory_space<hbm>> -> memref<1x64xf32, #tpu.memory_space<hbm>>
      tpu.enqueue_dma source(%dma_start3A_1823 : memref<1x64xf32, #tpu.memory_space<hbm>>) target(%dma_start3A_1821 : memref<1x64xf32, #tpu.memory_space<vmem>>) target_semaphore(%arg7 : memref<!tpu.dma_semaphore, #tpu.memory_space<semaphore_mem>>)
      %slice3A_1824 = vector.extract_strided_slice %get3A_1655 {offsets = [12], sizes = [1], strides = [1]} : vector<16xi32> to vector<1xi32>
      %squeeze3A_1825 = vector.extract %slice3A_1824[0] : i32 from vector<1xi32>
      %mul3A_1826 = arith.constant 16 : i32
      %mul3A_1827 = arith.muli %scan3A_1651, %mul3A_1826 : i32
      %add3A_1828 = arith.constant 12 : i32
      %add3A_1829 = arith.addi %mul3A_1827, %add3A_1828 : i32
      %dma_start3A_1830 = arith.constant 0 : i32
      %dma_start3A_1831 = tpu.memref_slice %arg6[%add3A_1829, %dma_start3A_1830] : memref<512x64xf32, #tpu.memory_space<vmem>> -> memref<1x64xf32, #tpu.memory_space<vmem>>
      %dma_start3A_1832 = arith.constant 0 : i32
      %dma_start3A_1833 = tpu.memref_slice %arg3[%squeeze3A_1825, %dma_start3A_1832] : memref<100000x64xf32, #tpu.memory_space<hbm>> -> memref<1x64xf32, #tpu.memory_space<hbm>>
      %dma_start3A_1834 = arith.constant 0 : i32
      %dma_start3A_1835 = tpu.memref_slice %arg6[%add3A_1829, %dma_start3A_1834] : memref<512x64xf32, #tpu.memory_space<vmem>> -> memref<1x64xf32, #tpu.memory_space<vmem>>
      %dma_start3A_1836 = arith.constant 0 : i32
      %dma_start3A_1837 = tpu.memref_slice %arg3[%squeeze3A_1825, %dma_start3A_1836] : memref<100000x64xf32, #tpu.memory_space<hbm>> -> memref<1x64xf32, #tpu.memory_space<hbm>>
      tpu.enqueue_dma source(%dma_start3A_1837 : memref<1x64xf32, #tpu.memory_space<hbm>>) target(%dma_start3A_1835 : memref<1x64xf32, #tpu.memory_space<vmem>>) target_semaphore(%arg7 : memref<!tpu.dma_semaphore, #tpu.memory_space<semaphore_mem>>)
      %slice3A_1838 = vector.extract_strided_slice %get3A_1655 {offsets = [13], sizes = [1], strides = [1]} : vector<16xi32> to vector<1xi32>
      %squeeze3A_1839 = vector.extract %slice3A_1838[0] : i32 from vector<1xi32>
      %mul3A_1840 = arith.constant 16 : i32
      %mul3A_1841 = arith.muli %scan3A_1651, %mul3A_1840 : i32
      %add3A_1842 = arith.constant 13 : i32
      %add3A_1843 = arith.addi %mul3A_1841, %add3A_1842 : i32
      %dma_start3A_1844 = arith.constant 0 : i32
      %dma_start3A_1845 = tpu.memref_slice %arg6[%add3A_1843, %dma_start3A_1844] : memref<512x64xf32, #tpu.memory_space<vmem>> -> memref<1x64xf32, #tpu.memory_space<vmem>>
      %dma_start3A_1846 = arith.constant 0 : i32
      %dma_start3A_1847 = tpu.memref_slice %arg3[%squeeze3A_1839, %dma_start3A_1846] : memref<100000x64xf32, #tpu.memory_space<hbm>> -> memref<1x64xf32, #tpu.memory_space<hbm>>
      %dma_start3A_1848 = arith.constant 0 : i32
      %dma_start3A_1849 = tpu.memref_slice %arg6[%add3A_1843, %dma_start3A_1848] : memref<512x64xf32, #tpu.memory_space<vmem>> -> memref<1x64xf32, #tpu.memory_space<vmem>>
      %dma_start3A_1850 = arith.constant 0 : i32
      %dma_start3A_1851 = tpu.memref_slice %arg3[%squeeze3A_1839, %dma_start3A_1850] : memref<100000x64xf32, #tpu.memory_space<hbm>> -> memref<1x64xf32, #tpu.memory_space<hbm>>
      tpu.enqueue_dma source(%dma_start3A_1851 : memref<1x64xf32, #tpu.memory_space<hbm>>) target(%dma_start3A_1849 : memref<1x64xf32, #tpu.memory_space<vmem>>) target_semaphore(%arg7 : memref<!tpu.dma_semaphore, #tpu.memory_space<semaphore_mem>>)
      %slice3A_1852 = vector.extract_strided_slice %get3A_1655 {offsets = [14], sizes = [1], strides = [1]} : vector<16xi32> to vector<1xi32>
      %squeeze3A_1853 = vector.extract %slice3A_1852[0] : i32 from vector<1xi32>
      %mul3A_1854 = arith.constant 16 : i32
      %mul3A_1855 = arith.muli %scan3A_1651, %mul3A_1854 : i32
      %add3A_1856 = arith.constant 14 : i32
      %add3A_1857 = arith.addi %mul3A_1855, %add3A_1856 : i32
      %dma_start3A_1858 = arith.constant 0 : i32
      %dma_start3A_1859 = tpu.memref_slice %arg6[%add3A_1857, %dma_start3A_1858] : memref<512x64xf32, #tpu.memory_space<vmem>> -> memref<1x64xf32, #tpu.memory_space<vmem>>
      %dma_start3A_1860 = arith.constant 0 : i32
      %dma_start3A_1861 = tpu.memref_slice %arg3[%squeeze3A_1853, %dma_start3A_1860] : memref<100000x64xf32, #tpu.memory_space<hbm>> -> memref<1x64xf32, #tpu.memory_space<hbm>>
      %dma_start3A_1862 = arith.constant 0 : i32
      %dma_start3A_1863 = tpu.memref_slice %arg6[%add3A_1857, %dma_start3A_1862] : memref<512x64xf32, #tpu.memory_space<vmem>> -> memref<1x64xf32, #tpu.memory_space<vmem>>
      %dma_start3A_1864 = arith.constant 0 : i32
      %dma_start3A_1865 = tpu.memref_slice %arg3[%squeeze3A_1853, %dma_start3A_1864] : memref<100000x64xf32, #tpu.memory_space<hbm>> -> memref<1x64xf32, #tpu.memory_space<hbm>>
      tpu.enqueue_dma source(%dma_start3A_1865 : memref<1x64xf32, #tpu.memory_space<hbm>>) target(%dma_start3A_1863 : memref<1x64xf32, #tpu.memory_space<vmem>>) target_semaphore(%arg7 : memref<!tpu.dma_semaphore, #tpu.memory_space<semaphore_mem>>)
      %slice3A_1866 = vector.extract_strided_slice %get3A_1655 {offsets = [15], sizes = [1], strides = [1]} : vector<16xi32> to vector<1xi32>
      %squeeze3A_1867 = vector.extract %slice3A_1866[0] : i32 from vector<1xi32>
      %mul3A_1868 = arith.constant 16 : i32
      %mul3A_1869 = arith.muli %scan3A_1651, %mul3A_1868 : i32
      %add3A_1870 = arith.constant 15 : i32
      %add3A_1871 = arith.addi %mul3A_1869, %add3A_1870 : i32
      %dma_start3A_1872 = arith.constant 0 : i32
      %dma_start3A_1873 = tpu.memref_slice %arg6[%add3A_1871, %dma_start3A_1872] : memref<512x64xf32, #tpu.memory_space<vmem>> -> memref<1x64xf32, #tpu.memory_space<vmem>>
      %dma_start3A_1874 = arith.constant 0 : i32
      %dma_start3A_1875 = tpu.memref_slice %arg3[%squeeze3A_1867, %dma_start3A_1874] : memref<100000x64xf32, #tpu.memory_space<hbm>> -> memref<1x64xf32, #tpu.memory_space<hbm>>
      %dma_start3A_1876 = arith.constant 0 : i32
      %dma_start3A_1877 = tpu.memref_slice %arg6[%add3A_1871, %dma_start3A_1876] : memref<512x64xf32, #tpu.memory_space<vmem>> -> memref<1x64xf32, #tpu.memory_space<vmem>>
      %dma_start3A_1878 = arith.constant 0 : i32
      %dma_start3A_1879 = tpu.memref_slice %arg3[%squeeze3A_1867, %dma_start3A_1878] : memref<100000x64xf32, #tpu.memory_space<hbm>> -> memref<1x64xf32, #tpu.memory_space<hbm>>
      tpu.enqueue_dma source(%dma_start3A_1879 : memref<1x64xf32, #tpu.memory_space<hbm>>) target(%dma_start3A_1877 : memref<1x64xf32, #tpu.memory_space<vmem>>) target_semaphore(%arg7 : memref<!tpu.dma_semaphore, #tpu.memory_space<semaphore_mem>>)
      %dma_wait3A_1880 = arith.constant 0 : i32
      %dma_wait3A_1881 = arith.constant 0 : i32
      %dma_wait3A_1882 = tpu.memref_slice %arg6[%dma_wait3A_1880, %dma_wait3A_1881] : memref<512x64xf32, #tpu.memory_space<vmem>> -> memref<16x64xf32, #tpu.memory_space<vmem>>
      %dma_wait3A_1883 = arith.constant 0 : i32
      %dma_wait3A_1884 = arith.constant 0 : i32
      %dma_wait3A_1885 = tpu.memref_slice %arg3[%dma_wait3A_1883, %dma_wait3A_1884] : memref<100000x64xf32, #tpu.memory_space<hbm>> -> memref<16x64xf32, #tpu.memory_space<hbm>>
      %dma_wait3A_1886 = arith.constant 0 : i32
      %dma_wait3A_1887 = arith.constant 0 : i32
      %dma_wait3A_1888 = tpu.memref_slice %arg6[%dma_wait3A_1886, %dma_wait3A_1887] : memref<512x64xf32, #tpu.memory_space<vmem>> -> memref<16x64xf32, #tpu.memory_space<vmem>>
      %dma_wait3A_1889 = arith.constant 0 : i32
      %dma_wait3A_1890 = arith.constant 0 : i32
      %dma_wait3A_1891 = tpu.memref_slice %arg3[%dma_wait3A_1889, %dma_wait3A_1890] : memref<100000x64xf32, #tpu.memory_space<hbm>> -> memref<16x64xf32, #tpu.memory_space<hbm>>
      tpu.wait_dma2 semaphore(%arg7 : memref<!tpu.dma_semaphore, #tpu.memory_space<semaphore_mem>>) src(%dma_wait3A_1891 : memref<16x64xf32, #tpu.memory_space<hbm>>) dst(%dma_wait3A_1888 : memref<16x64xf32, #tpu.memory_space<vmem>>)
    }
    %scan3A_1555 = arith.constant 24 : i32
    %dma_wait3A = arith.constant 0 : i32
    %dma_wait3A_1556 = arith.constant 0 : i32
    %dma_wait3A_1557 = tpu.memref_slice %arg6[%dma_wait3A, %dma_wait3A_1556] : memref<512x64xf32, #tpu.memory_space<vmem>> -> memref<16x64xf32, #tpu.memory_space<vmem>>
    %dma_wait3A_1558 = arith.constant 0 : i32
    %dma_wait3A_1559 = arith.constant 0 : i32
    %dma_wait3A_1560 = tpu.memref_slice %arg3[%dma_wait3A_1558, %dma_wait3A_1559] : memref<100000x64xf32, #tpu.memory_space<hbm>> -> memref<16x64xf32, #tpu.memory_space<hbm>>
    %dma_wait3A_1561 = arith.constant 0 : i32
    %dma_wait3A_1562 = arith.constant 0 : i32
    %dma_wait3A_1563 = tpu.memref_slice %arg6[%dma_wait3A_1561, %dma_wait3A_1562] : memref<512x64xf32, #tpu.memory_space<vmem>> -> memref<16x64xf32, #tpu.memory_space<vmem>>
    %dma_wait3A_1564 = arith.constant 0 : i32
    %dma_wait3A_1565 = arith.constant 0 : i32
    %dma_wait3A_1566 = tpu.memref_slice %arg3[%dma_wait3A_1564, %dma_wait3A_1565] : memref<100000x64xf32, #tpu.memory_space<hbm>> -> memref<16x64xf32, #tpu.memory_space<hbm>>
    tpu.wait_dma2 semaphore(%arg7 : memref<!tpu.dma_semaphore, #tpu.memory_space<semaphore_mem>>) src(%dma_wait3A_1566 : memref<16x64xf32, #tpu.memory_space<hbm>>) dst(%dma_wait3A_1563 : memref<16x64xf32, #tpu.memory_space<vmem>>)
    %dma_wait3A_1567 = arith.constant 0 : i32
    %dma_wait3A_1568 = arith.constant 0 : i32
    %dma_wait3A_1569 = tpu.memref_slice %arg6[%dma_wait3A_1567, %dma_wait3A_1568] : memref<512x64xf32, #tpu.memory_space<vmem>> -> memref<16x64xf32, #tpu.memory_space<vmem>>
    %dma_wait3A_1570 = arith.constant 0 : i32
    %dma_wait3A_1571 = arith.constant 0 : i32
    %dma_wait3A_1572 = tpu.memref_slice %arg3[%dma_wait3A_1570, %dma_wait3A_1571] : memref<100000x64xf32, #tpu.memory_space<hbm>> -> memref<16x64xf32, #tpu.memory_space<hbm>>
    %dma_wait3A_1573 = arith.constant 0 : i32
    %dma_wait3A_1574 = arith.constant 0 : i32
    %dma_wait3A_1575 = tpu.memref_slice %arg6[%dma_wait3A_1573, %dma_wait3A_1574] : memref<512x64xf32, #tpu.memory_space<vmem>> -> memref<16x64xf32, #tpu.memory_space<vmem>>
    %dma_wait3A_1576 = arith.constant 0 : i32
    %dma_wait3A_1577 = arith.constant 0 : i32
    %dma_wait3A_1578 = tpu.memref_slice %arg3[%dma_wait3A_1576, %dma_wait3A_1577] : memref<100000x64xf32, #tpu.memory_space<hbm>> -> memref<16x64xf32, #tpu.memory_space<hbm>>
    tpu.wait_dma2 semaphore(%arg7 : memref<!tpu.dma_semaphore, #tpu.memory_space<semaphore_mem>>) src(%dma_wait3A_1578 : memref<16x64xf32, #tpu.memory_space<hbm>>) dst(%dma_wait3A_1575 : memref<16x64xf32, #tpu.memory_space<vmem>>)
    %dma_wait3A_1579 = arith.constant 0 : i32
    %dma_wait3A_1580 = arith.constant 0 : i32
    %dma_wait3A_1581 = tpu.memref_slice %arg6[%dma_wait3A_1579, %dma_wait3A_1580] : memref<512x64xf32, #tpu.memory_space<vmem>> -> memref<16x64xf32, #tpu.memory_space<vmem>>
    %dma_wait3A_1582 = arith.constant 0 : i32
    %dma_wait3A_1583 = arith.constant 0 : i32
    %dma_wait3A_1584 = tpu.memref_slice %arg3[%dma_wait3A_1582, %dma_wait3A_1583] : memref<100000x64xf32, #tpu.memory_space<hbm>> -> memref<16x64xf32, #tpu.memory_space<hbm>>
    %dma_wait3A_1585 = arith.constant 0 : i32
    %dma_wait3A_1586 = arith.constant 0 : i32
    %dma_wait3A_1587 = tpu.memref_slice %arg6[%dma_wait3A_1585, %dma_wait3A_1586] : memref<512x64xf32, #tpu.memory_space<vmem>> -> memref<16x64xf32, #tpu.memory_space<vmem>>
    %dma_wait3A_1588 = arith.constant 0 : i32
    %dma_wait3A_1589 = arith.constant 0 : i32
    %dma_wait3A_1590 = tpu.memref_slice %arg3[%dma_wait3A_1588, %dma_wait3A_1589] : memref<100000x64xf32, #tpu.memory_space<hbm>> -> memref<16x64xf32, #tpu.memory_space<hbm>>
    tpu.wait_dma2 semaphore(%arg7 : memref<!tpu.dma_semaphore, #tpu.memory_space<semaphore_mem>>) src(%dma_wait3A_1590 : memref<16x64xf32, #tpu.memory_space<hbm>>) dst(%dma_wait3A_1587 : memref<16x64xf32, #tpu.memory_space<vmem>>)
    %dma_wait3A_1591 = arith.constant 0 : i32
    %dma_wait3A_1592 = arith.constant 0 : i32
    %dma_wait3A_1593 = tpu.memref_slice %arg6[%dma_wait3A_1591, %dma_wait3A_1592] : memref<512x64xf32, #tpu.memory_space<vmem>> -> memref<16x64xf32, #tpu.memory_space<vmem>>
    %dma_wait3A_1594 = arith.constant 0 : i32
    %dma_wait3A_1595 = arith.constant 0 : i32
    %dma_wait3A_1596 = tpu.memref_slice %arg3[%dma_wait3A_1594, %dma_wait3A_1595] : memref<100000x64xf32, #tpu.memory_space<hbm>> -> memref<16x64xf32, #tpu.memory_space<hbm>>
    %dma_wait3A_1597 = arith.constant 0 : i32
    %dma_wait3A_1598 = arith.constant 0 : i32
    %dma_wait3A_1599 = tpu.memref_slice %arg6[%dma_wait3A_1597, %dma_wait3A_1598] : memref<512x64xf32, #tpu.memory_space<vmem>> -> memref<16x64xf32, #tpu.memory_space<vmem>>
    %dma_wait3A_1600 = arith.constant 0 : i32
    %dma_wait3A_1601 = arith.constant 0 : i32
    %dma_wait3A_1602 = tpu.memref_slice %arg3[%dma_wait3A_1600, %dma_wait3A_1601] : memref<100000x64xf32, #tpu.memory_space<hbm>> -> memref<16x64xf32, #tpu.memory_space<hbm>>
    tpu.wait_dma2 semaphore(%arg7 : memref<!tpu.dma_semaphore, #tpu.memory_space<semaphore_mem>>) src(%dma_wait3A_1602 : memref<16x64xf32, #tpu.memory_space<hbm>>) dst(%dma_wait3A_1599 : memref<16x64xf32, #tpu.memory_space<vmem>>)
    %dma_wait3A_1603 = arith.constant 0 : i32
    %dma_wait3A_1604 = arith.constant 0 : i32
    %dma_wait3A_1605 = tpu.memref_slice %arg6[%dma_wait3A_1603, %dma_wait3A_1604] : memref<512x64xf32, #tpu.memory_space<vmem>> -> memref<16x64xf32, #tpu.memory_space<vmem>>
    %dma_wait3A_1606 = arith.constant 0 : i32
    %dma_wait3A_1607 = arith.constant 0 : i32
    %dma_wait3A_1608 = tpu.memref_slice %arg3[%dma_wait3A_1606, %dma_wait3A_1607] : memref<100000x64xf32, #tpu.memory_space<hbm>> -> memref<16x64xf32, #tpu.memory_space<hbm>>
    %dma_wait3A_1609 = arith.constant 0 : i32
    %dma_wait3A_1610 = arith.constant 0 : i32
    %dma_wait3A_1611 = tpu.memref_slice %arg6[%dma_wait3A_1609, %dma_wait3A_1610] : memref<512x64xf32, #tpu.memory_space<vmem>> -> memref<16x64xf32, #tpu.memory_space<vmem>>
    %dma_wait3A_1612 = arith.constant 0 : i32
    %dma_wait3A_1613 = arith.constant 0 : i32
    %dma_wait3A_1614 = tpu.memref_slice %arg3[%dma_wait3A_1612, %dma_wait3A_1613] : memref<100000x64xf32, #tpu.memory_space<hbm>> -> memref<16x64xf32, #tpu.memory_space<hbm>>
    tpu.wait_dma2 semaphore(%arg7 : memref<!tpu.dma_semaphore, #tpu.memory_space<semaphore_mem>>) src(%dma_wait3A_1614 : memref<16x64xf32, #tpu.memory_space<hbm>>) dst(%dma_wait3A_1611 : memref<16x64xf32, #tpu.memory_space<vmem>>)
    %dma_wait3A_1615 = arith.constant 0 : i32
    %dma_wait3A_1616 = arith.constant 0 : i32
    %dma_wait3A_1617 = tpu.memref_slice %arg6[%dma_wait3A_1615, %dma_wait3A_1616] : memref<512x64xf32, #tpu.memory_space<vmem>> -> memref<16x64xf32, #tpu.memory_space<vmem>>
    %dma_wait3A_1618 = arith.constant 0 : i32
    %dma_wait3A_1619 = arith.constant 0 : i32
    %dma_wait3A_1620 = tpu.memref_slice %arg3[%dma_wait3A_1618, %dma_wait3A_1619] : memref<100000x64xf32, #tpu.memory_space<hbm>> -> memref<16x64xf32, #tpu.memory_space<hbm>>
    %dma_wait3A_1621 = arith.constant 0 : i32
    %dma_wait3A_1622 = arith.constant 0 : i32
    %dma_wait3A_1623 = tpu.memref_slice %arg6[%dma_wait3A_1621, %dma_wait3A_1622] : memref<512x64xf32, #tpu.memory_space<vmem>> -> memref<16x64xf32, #tpu.memory_space<vmem>>
    %dma_wait3A_1624 = arith.constant 0 : i32
    %dma_wait3A_1625 = arith.constant 0 : i32
    %dma_wait3A_1626 = tpu.memref_slice %arg3[%dma_wait3A_1624, %dma_wait3A_1625] : memref<100000x64xf32, #tpu.memory_space<hbm>> -> memref<16x64xf32, #tpu.memory_space<hbm>>
    tpu.wait_dma2 semaphore(%arg7 : memref<!tpu.dma_semaphore, #tpu.memory_space<semaphore_mem>>) src(%dma_wait3A_1626 : memref<16x64xf32, #tpu.memory_space<hbm>>) dst(%dma_wait3A_1623 : memref<16x64xf32, #tpu.memory_space<vmem>>)
    %dma_wait3A_1627 = arith.constant 0 : i32
    %dma_wait3A_1628 = arith.constant 0 : i32
    %dma_wait3A_1629 = tpu.memref_slice %arg6[%dma_wait3A_1627, %dma_wait3A_1628] : memref<512x64xf32, #tpu.memory_space<vmem>> -> memref<16x64xf32, #tpu.memory_space<vmem>>
    %dma_wait3A_1630 = arith.constant 0 : i32
    %dma_wait3A_1631 = arith.constant 0 : i32
    %dma_wait3A_1632 = tpu.memref_slice %arg3[%dma_wait3A_1630, %dma_wait3A_1631] : memref<100000x64xf32, #tpu.memory_space<hbm>> -> memref<16x64xf32, #tpu.memory_space<hbm>>
    %dma_wait3A_1633 = arith.constant 0 : i32
    %dma_wait3A_1634 = arith.constant 0 : i32
    %dma_wait3A_1635 = tpu.memref_slice %arg6[%dma_wait3A_1633, %dma_wait3A_1634] : memref<512x64xf32, #tpu.memory_space<vmem>> -> memref<16x64xf32, #tpu.memory_space<vmem>>
    %dma_wait3A_1636 = arith.constant 0 : i32
    %dma_wait3A_1637 = arith.constant 0 : i32
    %dma_wait3A_1638 = tpu.memref_slice %arg3[%dma_wait3A_1636, %dma_wait3A_1637] : memref<100000x64xf32, #tpu.memory_space<hbm>> -> memref<16x64xf32, #tpu.memory_space<hbm>>
    tpu.wait_dma2 semaphore(%arg7 : memref<!tpu.dma_semaphore, #tpu.memory_space<semaphore_mem>>) src(%dma_wait3A_1638 : memref<16x64xf32, #tpu.memory_space<hbm>>) dst(%dma_wait3A_1635 : memref<16x64xf32, #tpu.memory_space<vmem>>)
    %dma_wait3A_1639 = arith.constant 0 : i32
    %dma_wait3A_1640 = arith.constant 0 : i32
    %dma_wait3A_1641 = tpu.memref_slice %arg6[%dma_wait3A_1639, %dma_wait3A_1640] : memref<512x64xf32, #tpu.memory_space<vmem>> -> memref<16x64xf32, #tpu.memory_space<vmem>>
    %dma_wait3A_1642 = arith.constant 0 : i32
    %dma_wait3A_1643 = arith.constant 0 : i32
    %dma_wait3A_1644 = tpu.memref_slice %arg3[%dma_wait3A_1642, %dma_wait3A_1643] : memref<100000x64xf32, #tpu.memory_space<hbm>> -> memref<16x64xf32, #tpu.memory_space<hbm>>
    %dma_wait3A_1645 = arith.constant 0 : i32
    %dma_wait3A_1646 = arith.constant 0 : i32
    %dma_wait3A_1647 = tpu.memref_slice %arg6[%dma_wait3A_1645, %dma_wait3A_1646] : memref<512x64xf32, #tpu.memory_space<vmem>> -> memref<16x64xf32, #tpu.memory_space<vmem>>
    %dma_wait3A_1648 = arith.constant 0 : i32
    %dma_wait3A_1649 = arith.constant 0 : i32
    %dma_wait3A_1650 = tpu.memref_slice %arg3[%dma_wait3A_1648, %dma_wait3A_1649] : memref<100000x64xf32, #tpu.memory_space<hbm>> -> memref<16x64xf32, #tpu.memory_space<hbm>>
    tpu.wait_dma2 semaphore(%arg7 : memref<!tpu.dma_semaphore, #tpu.memory_space<semaphore_mem>>) src(%dma_wait3A_1650 : memref<16x64xf32, #tpu.memory_space<hbm>>) dst(%dma_wait3A_1647 : memref<16x64xf32, #tpu.memory_space<vmem>>)
    "tpu.region"() ({
      %run_scoped3A = tpu.sem_alloc : memref<!tpu.dma_semaphore, #tpu.memory_space<semaphore_mem>>
      %dma_start3A_1651 = arith.constant 0 : i32
      %dma_start3A_1652 = tpu.memref_slice %arg4[%mul3A_2, %dma_start3A_1651] : memref<16384x64xf32, #tpu.memory_space<hbm>> -> memref<512x64xf32, #tpu.memory_space<hbm>>
      %dma_start3A_1653 = arith.constant 0 : i32
      %dma_start3A_1654 = tpu.memref_slice %arg4[%mul3A_2, %dma_start3A_1653] : memref<16384x64xf32, #tpu.memory_space<hbm>> -> memref<512x64xf32, #tpu.memory_space<hbm>>
      tpu.enqueue_dma source(%arg6 : memref<512x64xf32, #tpu.memory_space<vmem>>) target(%dma_start3A_1654 : memref<512x64xf32, #tpu.memory_space<hbm>>) target_semaphore(%run_scoped3A : memref<!tpu.dma_semaphore, #tpu.memory_space<semaphore_mem>>)
      %dma_wait3A_1655 = arith.constant 0 : i32
      %dma_wait3A_1656 = tpu.memref_slice %arg4[%mul3A_2, %dma_wait3A_1655] : memref<16384x64xf32, #tpu.memory_space<hbm>> -> memref<512x64xf32, #tpu.memory_space<hbm>>
      %dma_wait3A_1657 = arith.constant 0 : i32
      %dma_wait3A_1658 = tpu.memref_slice %arg4[%mul3A_2, %dma_wait3A_1657] : memref<16384x64xf32, #tpu.memory_space<hbm>> -> memref<512x64xf32, #tpu.memory_space<hbm>>
      tpu.wait_dma2 semaphore(%run_scoped3A : memref<!tpu.dma_semaphore, #tpu.memory_space<semaphore_mem>>) src(%arg6 : memref<512x64xf32, #tpu.memory_space<vmem>>) dst(%dma_wait3A_1658 : memref<512x64xf32, #tpu.memory_space<hbm>>)
      tpu.yield
    }) : () -> ()
    return
  }
}

</mosaic_0001>

<sc_bundles>
// kernel: kernel.3.cloned.1.call-start
scs
__scs_entry_jumppad:
0x0: {  	(pc) =	sbr.rel $0x88, $3  }
0x1: {  	(tag) =	ssettag $0x0;
	lr =	simm.s32 $0x1  }
0x2: {  	[smem:$0x3F9F] =	sst lr;
	_ =	strace $0xD0000000  }
0x3: {  	_ = 	snop  }
0x4: {  	_ = 	snop  }
0x5: {  	_ = 	snop  }
0x6: {  	_ = 	snop  }
0x7: {  	_ = 	snop  }
__scs_overlays_trampoline_lowered:
0x8: {  	[smem:$0x3FAE] =	sst s0  }
0x9: {  	[smem:$0x3FAF] =	sst s1  }
0xa: {  	[smem:$0x3FB0] =	sst s2  }
0xb: {  	[smem:$0x3FB1] =	sst s3  }
0xc: {  	[smem:$0x3FB2] =	sst s4  }
0xd: {  	[smem:$0x3FB3] =	sst s5  }
0xe: {  	[smem:$0x3FB4] =	sst s6  }
0xf: {  	[smem:$0x3FB5] =	sst s7  }
0x10: {  	[smem:$0x3FB6] =	sst s8  }
0x11: {  	[smem:$0x3FB7] =	sst s9;
	s0 =	simm.s32 @!p0 $0x0  }
0x12: {  	s1 =	sld [smem:$0x3F9D];
	s0 =	simm.s32 @p0 $0x1  }
0x13: {  	[smem:$0x3FB8] =	sst s0;
	s0 =	simm.s32 @!p1 $0x0  }
0x14: {  	s2 =	sld [smem:$0x3F9C];
	s0 =	simm.s32 @p1 $0x1  }
0x15: {  	[smem:$0x3FB9] =	sst s0;
	s0 =	simm.s32 @!p2 $0x0  }
0x16: {  	s3 =	sld [smem:$0x3FDB];
	s0 =	simm.s32 @p2 $0x1  }
0x17: {  	s4 =	simm.s32 $0x1BF5;
	[smem:$0x3FBB] =	sst s0  }
0x18: {  	s0 =	sld [smem:$0x3F9E];
	_ =	swait.ge [sflag:s4], $0x0  }
0x19: {  	s7 =	sld [smem:$0x3F9F]  }
0x1a: {  	s8 =	sadd.s32 $0xFFFFE003, lr  }
0x1b: {  	s9 =	sadd.s32 $0xFFFFFEF7, lr;
	s5 =	simm.s32 $0xFFFFFFFF;
	p2 =	slt.u32 s8, $0xFFFFF086  }
0x1c: {  	p1 =	slt.u32 s9, $0xF7A;
	s5 =	simm.s32 @!p2 $0x0  }
0x1d: {  	s5 =	simm.s32 @p1 $0x1;
	p0 =	seq.s32 s7, s2  }
0x1e: {  	s7 =	smul.u32 @!p0 $0xF7A, s2;
	p2 =	seq.s32 @!p0 s5, $0x0  }
0x1f: {  	s9 =	smul.u32 $0xF7A, s1;
	s8 =	simm.s32 @!p0 $0x1BF5;
	p2 =	por !p2, p0  }
0x20: {  	[sflag:s8] =	ssyncset.s32 @!p0 $0xFFFFF086;
	s6 =	sadd.s32 @!p0 s3, s7;
	s7 =	simm.s32 @!p0 $0x108  }
0x21: {  	s3 =	sadd.s32 s3, s9;
	s6 =	sadd.s32 @!p0 $0x88, s6;
	s7 =	simm.s32 @p2 $0x1082  }
0x22: {  	[simem:s7], [sflag:s8] =	dma.local @!p0 [hbm:s6], $0xF7A  }
0x23: {  	s9 =	sor.u32 $0xD0000000, s2;
	s6 =	simm.s32 $0x108;
	_ =	swait.ge @!p0 [sflag:s8], $0x0  }
0x24: {  	s3 =	sadd.s32 $0x88, s3;
	s6 =	simm.s32 @!p1 $0x1082;
	[sflag:s4] =	ssyncset.s32 $0xFFFFF086  }
0x25: {  	[simem:s6], [sflag:s4] =	dma.local [hbm:s3], $0xF7A  }
0x26: {  	[smem:$0x3F9F] =	sst s1;
	(tag) =	ssettag s2;
	_ =	strace s9  }
0x27: {  	s1 =	sld [smem:$0x3FAF]  }
0x28: {  	s2 =	sld [smem:$0x3FB0]  }
0x29: {  	s4 =	sld [smem:$0x3FB2]  }
0x2a: {  	p0 =	seq.s32 s5, $0x0;
	s5 =	sld [smem:$0x3FB3]  }
0x2b: {  	s6 =	sld [smem:$0x3FB4]  }
0x2c: {  	s7 =	sld [smem:$0x3FB5]  }
0x2d: {  	s3 =	simm.s32 $0x108;
	s8 =	sld [smem:$0x3FB6]  }
0x2e: {  	s3 =	simm.s32 @!p0 $0x1082;
	s9 =	sld [smem:$0x3FB7]  }
0x2f: {  	lr =	sadd.s32 s0, s3;
	s0 =	sld [smem:$0x3FAE]  }
0x30: {  	s3 =	sld [smem:$0x3FB1]  }
0x31: {  	[smem:$0x3FBA] =	sst s10  }
0x32: {  	s10 =	sld [smem:$0x3FB8];
	_ =	sdelay $0x3  }
0x33: {  	p0 =	seq.s32 s10, $0x1;
	s10 =	sld [smem:$0x3FBA];
	_ =	sdelay $0x3  }
0x34: {  	[smem:$0x3FBA] =	sst s10  }
0x35: {  	s10 =	sld [smem:$0x3FB9];
	_ =	sdelay $0x3  }
0x36: {  	p1 =	seq.s32 s10, $0x1;
	s10 =	sld [smem:$0x3FBA];
	_ =	sdelay $0x3  }
0x37: {  	[smem:$0x3FBA] =	sst s10  }
0x38: {  	s10 =	sld [smem:$0x3FBB]  }
0x39: {  	_ = 	snop;
	(pc) =	sbr.ind lr, $3  }
0x3a: {  	_ = 	snop  }
0x3b: {  	_ = 	snop  }
0x3c: {  	p2 =	seq.s32 s10, $0x1;
	s10 =	sld [smem:$0x3FBA]  }
0x3d: {  	_ =	shalt  }
0x3e: {  	_ =	shalt  }
0x3f: {  	_ =	shalt  }
0x40: {  	_ =	shalt  }
0x41: {  	_ =	shalt  }
0x42: {  	_ =	shalt  }
0x43: {  	_ =	shalt  }
0x44: {  	_ =	shalt  }
0x45: {  	_ =	shalt  }
0x46: {  	_ =	shalt  }
0x47: {  	_ =	shalt  }
0x48: {  	_ =	shalt  }
0x49: {  	_ =	shalt  }
0x4a: {  	_ =	shalt  }
0x4b: {  	_ =	shalt  }
0x4c: {  	_ =	shalt  }
0x4d: {  	_ =	shalt  }
0x4e: {  	_ =	shalt  }
0x4f: {  	_ =	shalt  }
0x50: {  	_ =	shalt  }
0x51: {  	_ =	shalt  }
0x52: {  	_ =	shalt  }
0x53: {  	_ =	shalt  }
0x54: {  	_ =	shalt  }
0x55: {  	_ =	shalt  }
0x56: {  	_ =	shalt  }
0x57: {  	_ =	shalt  }
0x58: {  	_ =	shalt  }
0x59: {  	_ =	shalt  }
0x5a: {  	_ =	shalt  }
0x5b: {  	_ =	shalt  }
0x5c: {  	_ =	shalt  }
0x5d: {  	_ =	shalt  }
0x5e: {  	_ =	shalt  }
0x5f: {  	_ =	shalt  }
0x60: {  	_ =	shalt  }
0x61: {  	_ =	shalt  }
0x62: {  	_ =	shalt  }
0x63: {  	_ =	shalt  }
0x64: {  	_ =	shalt  }
0x65: {  	_ =	shalt  }
0x66: {  	_ =	shalt  }
0x67: {  	_ =	shalt  }
0x68: {  	_ =	shalt  }
0x69: {  	_ =	shalt  }
0x6a: {  	_ =	shalt  }
0x6b: {  	_ =	shalt  }
0x6c: {  	_ =	shalt  }
0x6d: {  	_ =	shalt  }
0x6e: {  	_ =	shalt  }
0x6f: {  	_ =	shalt  }
0x70: {  	_ =	shalt  }
0x71: {  	_ =	shalt  }
0x72: {  	_ =	shalt  }
0x73: {  	_ =	shalt  }
0x74: {  	_ =	shalt  }
0x75: {  	_ =	shalt  }
0x76: {  	_ =	shalt  }
0x77: {  	_ =	shalt  }
0x78: {  	_ =	shalt  }
0x79: {  	_ =	shalt  }
0x7a: {  	_ =	shalt  }
0x7b: {  	_ =	shalt  }
0x7c: {  	_ =	shalt  }
0x7d: {  	_ =	shalt  }
0x7e: {  	_ =	shalt  }
0x7f: {  	_ =	shalt  }
0x80: {  	_ =	shalt  }
0x81: {  	_ =	shalt  }
0x82: {  	_ =	shalt  }
0x83: {  	_ =	shalt  }
0x84: {  	_ =	shalt  }
0x85: {  	_ =	shalt  }
0x86: {  	_ =	shalt  }
0x87: {  	_ =	shalt  }
.Lfunc_end0:
.L_simem_size_0:
called_computation_lowered:
.L_overlay_start_0:
0x88: {  	s2 =	sld [smem:$0x3FD9]  }
0x89: {  	s3 =	sld [smem:$0x3FFE];
	_ =	sdelay $0x1  }
0x8a: {  	s1 =	srdreg.scid  }
0x8b: {  	s0 =	sand.u32 $0x1, s1  }
0x8c: {  	s17 =	sshll.u32 s0, $0xA;
	s2 =	sadd.s32 s3, s2  }
0x8d: {  	s2 =	sadd.s32 s2, s17  }
0x8e: {  	[smem:$0x3FC6] =	sst s2  }
0x8f: {  	_ = 	snop  }
0x90: {  	s2 =	sld [smem:$0x3FC9];
	(tm) =	ssettm $0x1  }
0x91: {  	s18 =	sld [smem:$0x3FFB];
	_ =	sdelay $0x3  }
0x92: {  	_ =	strace s18  }
0x93: {  	s3 =	sld [smem:$0x3FFC];
	_ =	sdelay $0x3  }
0x94: {  	_ =	strace s3  }
0x95: {  	s3 =	sld [smem:$0x3FFD];
	_ =	sdelay $0x3  }
0x96: {  	_ =	strace s3  }
0x97: {  	_ =	strace $0x8FFFFFFF  }
0x98: {  	s19 =	sld [smem:$0x3FDB];
	_ =	sdelay $0x1  }
0x99: {  	s4 =	simm.s32 $_scs_section_size  }
0x9a: {  	s5 =	simm.s32 $_size__tile_overlayer_lowered;
	s6 =	simm.s32 $_tile_overlayer_lowered  }
0x9b: {  	s22 =	simm.s32 $0x1BFF;
	s21 =	sshll.u32 s6, $0x1;
	s3 =	sadd.s32 s4, s19  }
0x9c: {  	s7 =	simm.s32 $0x0;
	s20 =	sshll.u32 s5, $0x1;
	s5 =	sadd.s32 s21, s3  }
0x9d: {  	[timem:s7], [sflag:s22] =	dma.local [hbm:s5], s20  }
0x9e: {  	_ =	swait.ge [sflag:s22], s20  }
0x9f: {  	s4 =	ssub.s32 $0x0, s20;
	[sflag:s22] =	ssyncset.done $0x0  }
0xa0: {  	[sflag:s22] =	ssyncadd.s32 s4;
	_ =	sdelay $0x1  }
0xa1: {  	s23 =	simm.s32 $0x1B8B  }
0xa2: {  	_ =	swait.ge [sflag:s23], $0x1  }
0xa3: {  	[sflag:s23] =	ssyncset.done $0x0  }
0xa4: {  	s25 =	simm.s32 $0x1B8E;
	s24 =	sld [smem:$0x3FFE];
	[sflag:s23] =	ssyncadd.s32 $0xFFFFFFFF  }
0xa5: {  	s26 =	simm.s32 $execute0_lowered;
	[smem:$0x3FD2] =	sst s25  }
0xa6: {  	s5 =	sshll.u32 s26, $0x1;
	_ =	strace $0x80000046;
	[dreg:$0x1] =	wrdreg $0xFFFFFFFF  }
0xa7: {  	s28 =	simm.s32 $_size_execute0_lowered;
	s3 =	sadd.s32 s3, s5;
	[dreg:$0x0] =	wrdreg $0x0  }
0xa8: {  	s5 =	sshll.u32 s28, $0x1;
	[dreg:$0x2] =	wrdreg s3  }
0xa9: {  	[dreg:$0x3] =	wrdreg s5  }
0xaa: {  	[dreg:$0x4] =	wrdreg $0xC0  }
0xab: {  	_ =	task [dreg:s7], $0x5FFFF  }
0xac: {  	[dreg:$0x1] =	wrdreg $0xFFFFFFFF  }
0xad: {  	[dreg:$0x0] =	wrdreg $0x60  }
0xae: {  	[dreg:$0x2] =	wrdreg s2  }
0xaf: {  	[dreg:$0x3] =	wrdreg s24  }
0xb0: {  	[dreg:$0x4] =	wrdreg $0x9  }
0xb1: {  	_ =	task.clear_ibuf [dreg:s7], $0x5FFFF;
	_ =	strace $0x90000046  }
0xb2: {  	s29 =	simm.s32 $0x9;
	_ =	strace $0x80000048  }
0xb3: {  	_ =	swait.ge [sflag:s29], $0x1  }
0xb4: {  	[sflag:s29] =	ssyncadd.s32 $0xFFFFFFFF  }
0xb5: {  	_ =	strace $0x90000048  }
0xb6: {  	_ =	sfence  }
0xb7: {  	s30 =	sld [smem:$0x0];
	_ =	sdelay $0x2  }
0xb8: {  	s31 =	sshll.u32 s1, $0xD;
	s1 =	sshrl.u32 s1, $0x2  }
0xb9: {  	s3 =	sand.u32 $0x4000, s31;
	s1 =	sadd.s32 s1, s30  }
0xba: {  	s0 =	sor.u32 s3, s0;
	s1 =	sshll.u32 s1, $0x11  }
0xbb: {  	s0 =	sor.u32 s1, s0  }
0xbc: {  	s0 =	sadd.s32 $0x8F2B, s0  }
0xbd: {  	[sflag:s0] =	ssyncadd.remote.s32 $0x1  }
0xbe: {  	_ =	sfence.sel $0xFFFF  }
0xbf: {  	[dreg:$0x0] =	wrdreg $0xFFFFFFFF;
	(pc) =	sbr.abs _section_cstart, $3  }
0xc0: {  	[dreg:$0x1] =	wrdreg $0xFFFFFFFF  }
0xc1: {  	_ =	task.clear_ibuf [dreg:s7], $0x2FFFF;
	_ =	strace $0x9FFFFFFF  }
0xc2: {  	(tm) =	ssettm $0x7FFFFFFF  }
0xc3: {  	_ =	shalt  }
tec
execute0_lowered:
.L_overlay_start_1:
0x0: {  	(tag) =	ssettag $0x1  }
0x1: {  	s0 =	rddreg [dreg:$0x0]  }
0x2: {  	s1 =	rddreg [dreg:$0x1];
	s3 =	srdreg.scid  }
0x3: {  	s2 =	simm.s32 $0x0;
	s5 =	stileid.u32;
	s7 =	simm.s32 $0x2  }
0x4: {  	s8 =	simm.s32 $0x200;
	s14 =	simm.s32 $0x4100;
	s15 =	simm.s32 $0x4180  }
0x5: {  	s16 =	simm.s32 $0x1;
	s17 =	simm.s32 $0x0;
	s4 =	sand.u32 $0x1, s3  }
0x6: {  	[smem:$0x7FF] =	sst s2;
	s29 =	sshll.u32 s5, $0xA;
	s30 =	sshll.u32 s4, $0x9  }
0x7: {  	s3 =	sadd.s32 $0x400, s1;
	s4 =	ssub.s32 $0x2, s4;
	s5 =	sor.u32 s30, s29  }
0x8: {  	_ =	strace $0x80000047;
	s31 =	sshrl.u32 s4, $0x1;
	s6 =	sshll.u32 s5, $0x4  }
0x9: {  	s5 =	sshrl.u32 s5, $0x3;
	s1 =	sadd.s32 s6, s1;
	s6 =	ssub.s32 s4, s31  }
0xa: {  	s4 =	sadd.s32 s0, s5;
	s5 =	sadd.s32 $0x186E00, s1;
	s6 =	smax.u32 s6, $0x1  }
.LBB2_1:
0xb: {  	[tilespmem:s2], [sflag:$0x2] =	stream.linear.gather [hbm4b:s4+s2], $0x200, $0x38;
	[tilespmem:$0x10200] =	vst v63  }
0xc: {  	_ =	swait.ge [sflag:s7], $0x200  }
0xd: {  	[sflag:s7] =	ssyncset.done $0x0  }
0xe: {  	[sflag:s7] =	ssyncadd.s32 $0xFFFFFE00  }
0xf: {  	v0 =	vld [tilespmem:$0x0];
	_ =	sdelay $0x4  }
0x10: {  	v0 =	vshll.u32 v0, $0x4  }
0x11: {  	(v2sf) =	vpush v0, $0x0;
	_ =	sdelay $0x6  }
0x12: {  	(v2sf) =	vpush v0, $0x1;
	_ =	sdelay $0x2  }
0x13: {  	(v2sf) =	vpush v0, $0x2;
	_ =	sdelay $0x2  }
0x14: {  	(v2sf) =	vpush v0, $0x3;
	_ =	sdelay $0x1  }
0x15: {  	s18 =	spop (v2sf);
	(v2sf) =	vpush v0, $0x4;
	_ =	sdelay $0x1  }
0x16: {  	(v2sf) =	vpush v0, $0x5;
	_ =	sdelay $0x1  }
0x17: {  	(v2sf) =	vpush v0, $0x6;
	_ =	sdelay $0x1  }
0x18: {  	s18 =	sand.u32 $0x1FFFFFF0, s18  }
0x19: {  	s9 =	spop (v2sf);
	s18 =	sadd.s32 s3, s18;
	(v2sf) =	vpush v0, $0x7  }
0x1a: {  	[tilespmem:s8], [sflag:$0x1] =	stream.linear.gather [hbm4b:s18+s2], $0x80, $0x38;
	[tilespmem:$0x10200] =	vst v63  }
0x1b: {  	s18 =	sand.u32 $0x1FFFFFF0, s9  }
0x1c: {  	s0 =	simm.s32 $0x280;
	s10 =	spop (v2sf);
	s18 =	sadd.s32 s3, s18  }
0x1d: {  	[tilespmem:s0], [sflag:$0x1] =	stream.linear.gather [hbm4b:s18+s2], $0x80, $0x38;
	[tilespmem:$0x10200] =	vst v63  }
0x1e: {  	s18 =	sand.u32 $0x1FFFFFF0, s10  }
0x1f: {  	s11 =	simm.s32 $0x300;
	s12 =	spop (v2sf);
	s18 =	sadd.s32 s3, s18  }
0x20: {  	[tilespmem:s11], [sflag:$0x1] =	stream.linear.gather [hbm4b:s18+s2], $0x80, $0x38;
	[tilespmem:$0x10200] =	vst v63  }
0x21: {  	s19 =	spop (v2sf);
	(v2sf) =	vpush v0, $0x8  }
0x22: {  	s18 =	sand.u32 $0x1FFFFFF0, s12  }
0x23: {  	s13 =	simm.s32 $0x380;
	s18 =	sadd.s32 s3, s18;
	s21 =	spop (v2sf);
	(v2sf) =	vpush v0, $0x9  }
0x24: {  	[tilespmem:s13], [sflag:$0x1] =	stream.linear.gather [hbm4b:s18+s2], $0x80, $0x38;
	[tilespmem:$0x10200] =	vst v63  }
0x25: {  	s18 =	sand.u32 $0x1FFFFFF0, s19;
	s23 =	spop (v2sf);
	(v2sf) =	vpush v0, $0xA  }
0x26: {  	s20 =	simm.s32 $0x400;
	s18 =	sadd.s32 s3, s18  }
0x27: {  	[tilespmem:s20], [sflag:$0x1] =	stream.linear.gather [hbm4b:s18+s2], $0x80, $0x38;
	[tilespmem:$0x10200] =	vst v63  }
0x28: {  	s25 =	spop (v2sf);
	(v2sf) =	vpush v0, $0xB  }
0x29: {  	s18 =	sand.u32 $0x1FFFFFF0, s21  }
0x2a: {  	s22 =	simm.s32 $0x480;
	s18 =	sadd.s32 s3, s18  }
0x2b: {  	[tilespmem:s22], [sflag:$0x1] =	stream.linear.gather [hbm4b:s18+s2], $0x80, $0x38;
	[tilespmem:$0x10200] =	vst v63  }
0x2c: {  	s18 =	sand.u32 $0x1FFFFFF0, s23  }
0x2d: {  	s24 =	simm.s32 $0x500;
	s18 =	sadd.s32 s3, s18  }
0x2e: {  	[tilespmem:s24], [sflag:$0x1] =	stream.linear.gather [hbm4b:s18+s2], $0x80, $0x38;
	[tilespmem:$0x10200] =	vst v63  }
0x2f: {  	s18 =	sand.u32 $0x1FFFFFF0, s25  }
0x30: {  	s26 =	simm.s32 $0x580;
	s18 =	sadd.s32 s3, s18;
	s28 =	spop (v2sf);
	(v2sf) =	vpush v0, $0xC  }
0x31: {  	[tilespmem:s26], [sflag:$0x1] =	stream.linear.gather [hbm4b:s18+s2], $0x80, $0x38;
	[tilespmem:$0x10200] =	vst v63  }
0x32: {  	s30 =	spop (v2sf);
	(v2sf) =	vpush v0, $0xD  }
0x33: {  	s18 =	sand.u32 $0x1FFFFFF0, s28  }
0x34: {  	s29 =	simm.s32 $0x600;
	s18 =	sadd.s32 s3, s18;
	s1 =	spop (v2sf)  }
0x35: {  	(v2sf) =	vpush v0, $0xE;
	[tilespmem:s29], [sflag:$0x1] =	stream.linear.gather [hbm4b:s18+s2], $0x80, $0x38;
	[tilespmem:$0x10200] =	vst v63  }
0x36: {  	s18 =	sand.u32 $0x1FFFFFF0, s30  }
0x37: {  	s31 =	simm.s32 $0x680;
	s10 =	spop (v2sf);
	s18 =	sadd.s32 s3, s18  }
0x38: {  	(v2sf) =	vpush v0, $0xF;
	[tilespmem:s31], [sflag:$0x1] =	stream.linear.gather [hbm4b:s18+s2], $0x80, $0x38;
	[tilespmem:$0x10200] =	vst v63  }
0x39: {  	s18 =	sand.u32 $0x1FFFFFF0, s1  }
0x3a: {  	s9 =	simm.s32 $0x700;
	s18 =	sadd.s32 s3, s18  }
0x3b: {  	[tilespmem:s9], [sflag:$0x1] =	stream.linear.gather [hbm4b:s18+s2], $0x80, $0x38;
	[tilespmem:$0x10200] =	vst v63  }
0x3c: {  	s18 =	sand.u32 $0x1FFFFFF0, s10  }
0x3d: {  	s11 =	simm.s32 $0x780;
	s18 =	sadd.s32 s3, s18  }
0x3e: {  	[tilespmem:s11], [sflag:$0x1] =	stream.linear.gather [hbm4b:s18+s2], $0x80, $0x38;
	[tilespmem:$0x10200] =	vst v63  }
0x3f: {  	s12 =	spop (v2sf)  }
0x40: {  	s18 =	sand.u32 $0x1FFFFFF0, s12  }
0x41: {  	s13 =	simm.s32 $0x800;
	s19 =	spop (v2sf);
	s18 =	sadd.s32 s3, s18  }
0x42: {  	[tilespmem:s13], [sflag:$0x1] =	stream.linear.gather [hbm4b:s18+s2], $0x80, $0x38;
	[tilespmem:$0x10200] =	vst v63  }
0x43: {  	s18 =	sand.u32 $0x1FFFFFF0, s19  }
0x44: {  	s20 =	simm.s32 $0x880;
	s21 =	spop (v2sf);
	s18 =	sadd.s32 s3, s18  }
0x45: {  	[tilespmem:s20], [sflag:$0x1] =	stream.linear.gather [hbm4b:s18+s2], $0x80, $0x38;
	[tilespmem:$0x10200] =	vst v63  }
0x46: {  	s18 =	sand.u32 $0x1FFFFFF0, s21  }
0x47: {  	s22 =	simm.s32 $0x900;
	s23 =	spop (v2sf);
	s18 =	sadd.s32 s3, s18  }
0x48: {  	[tilespmem:s22], [sflag:$0x1] =	stream.linear.gather [hbm4b:s18+s2], $0x80, $0x38;
	[tilespmem:$0x10200] =	vst v63  }
0x49: {  	s18 =	sand.u32 $0x1FFFFFF0, s23  }
0x4a: {  	s24 =	simm.s32 $0x980;
	s18 =	sadd.s32 s3, s18  }
0x4b: {  	[tilespmem:s24], [sflag:$0x1] =	stream.linear.gather [hbm4b:s18+s2], $0x80, $0x38;
	[tilespmem:$0x10200] =	vst v63  }
0x4c: {  	v0 =	vld [tilespmem:$0x10];
	_ =	sdelay $0x4  }
0x4d: {  	v0 =	vshll.u32 v0, $0x4  }
0x4e: {  	(v2sf) =	vpush v0, $0x0  }
0x4f: {  	(v2sf) =	vpush v0, $0x1;
	_ =	sdelay $0x1  }
0x50: {  	(v2sf) =	vpush v0, $0x2;
	_ =	sdelay $0x1  }
0x51: {  	(v2sf) =	vpush v0, $0x3;
	_ =	sdelay $0x4  }
0x52: {  	(v2sf) =	vpush v0, $0x4;
	_ =	sdelay $0x4  }
0x53: {  	s25 =	spop (v2sf)  }
0x54: {  	s28 =	spop (v2sf);
	(v2sf) =	vpush v0, $0x5;
	_ =	sdelay $0x1  }
0x55: {  	s30 =	spop (v2sf);
	(v2sf) =	vpush v0, $0x6  }
0x56: {  	s18 =	sand.u32 $0x1FFFFFF0, s25  }
0x57: {  	s26 =	simm.s32 $0xA00;
	s18 =	sadd.s32 s3, s18;
	s1 =	spop (v2sf);
	(v2sf) =	vpush v0, $0x7  }
0x58: {  	[tilespmem:s26], [sflag:$0x1] =	stream.linear.gather [hbm4b:s18+s2], $0x80, $0x38;
	[tilespmem:$0x10200] =	vst v63  }
0x59: {  	s18 =	sand.u32 $0x1FFFFFF0, s28  }
0x5a: {  	s29 =	simm.s32 $0xA80;
	s18 =	sadd.s32 s3, s18  }
0x5b: {  	[tilespmem:s29], [sflag:$0x1] =	stream.linear.gather [hbm4b:s18+s2], $0x80, $0x38;
	[tilespmem:$0x10200] =	vst v63  }
0x5c: {  	s10 =	spop (v2sf);
	(v2sf) =	vpush v0, $0x8;
	s18 =	sand.u32 $0x1FFFFFF0, s30  }
0x5d: {  	s31 =	simm.s32 $0xB00;
	s18 =	sadd.s32 s3, s18  }
0x5e: {  	[tilespmem:s31], [sflag:$0x1] =	stream.linear.gather [hbm4b:s18+s2], $0x80, $0x38;
	[tilespmem:$0x10200] =	vst v63  }
0x5f: {  	s18 =	sand.u32 $0x1FFFFFF0, s1  }
0x60: {  	s9 =	simm.s32 $0xB80;
	s18 =	sadd.s32 s3, s18  }
0x61: {  	[tilespmem:s9], [sflag:$0x1] =	stream.linear.gather [hbm4b:s18+s2], $0x80, $0x38;
	[tilespmem:$0x10200] =	vst v63  }
0x62: {  	s12 =	spop (v2sf);
	(v2sf) =	vpush v0, $0x9  }
0x63: {  	s18 =	sand.u32 $0x1FFFFFF0, s10  }
0x64: {  	s11 =	simm.s32 $0xC00;
	s18 =	sadd.s32 s3, s18;
	s19 =	spop (v2sf);
	(v2sf) =	vpush v0, $0xA  }
0x65: {  	[tilespmem:s11], [sflag:$0x1] =	stream.linear.gather [hbm4b:s18+s2], $0x80, $0x38;
	[tilespmem:$0x10200] =	vst v63  }
0x66: {  	s21 =	spop (v2sf);
	(v2sf) =	vpush v0, $0xB  }
0x67: {  	s18 =	sand.u32 $0x1FFFFFF0, s12  }
0x68: {  	s13 =	simm.s32 $0xC80;
	s18 =	sadd.s32 s3, s18  }
0x69: {  	[tilespmem:s13], [sflag:$0x1] =	stream.linear.gather [hbm4b:s18+s2], $0x80, $0x38;
	[tilespmem:$0x10200] =	vst v63  }
0x6a: {  	s18 =	sand.u32 $0x1FFFFFF0, s19  }
0x6b: {  	s20 =	simm.s32 $0xD00;
	s23 =	spop (v2sf);
	s18 =	sadd.s32 s3, s18  }
0x6c: {  	(v2sf) =	vpush v0, $0xC;
	[tilespmem:s20], [sflag:$0x1] =	stream.linear.gather [hbm4b:s18+s2], $0x80, $0x38;
	[tilespmem:$0x10200] =	vst v63  }
0x6d: {  	s18 =	sand.u32 $0x1FFFFFF0, s21  }
0x6e: {  	s22 =	simm.s32 $0xD80;
	s18 =	sadd.s32 s3, s18  }
0x6f: {  	[tilespmem:s22], [sflag:$0x1] =	stream.linear.gather [hbm4b:s18+s2], $0x80, $0x38;
	[tilespmem:$0x10200] =	vst v63  }
0x70: {  	s18 =	sand.u32 $0x1FFFFFF0, s23  }
0x71: {  	s24 =	simm.s32 $0xE00;
	s18 =	sadd.s32 s3, s18;
	s25 =	spop (v2sf);
	(v2sf) =	vpush v0, $0xD  }
0x72: {  	[tilespmem:s24], [sflag:$0x1] =	stream.linear.gather [hbm4b:s18+s2], $0x80, $0x38;
	[tilespmem:$0x10200] =	vst v63  }
0x73: {  	s28 =	spop (v2sf);
	(v2sf) =	vpush v0, $0xE  }
0x74: {  	s18 =	sand.u32 $0x1FFFFFF0, s25  }
0x75: {  	s26 =	simm.s32 $0xE80;
	s18 =	sadd.s32 s3, s18;
	s30 =	spop (v2sf)  }
0x76: {  	(v2sf) =	vpush v0, $0xF;
	[tilespmem:s26], [sflag:$0x1] =	stream.linear.gather [hbm4b:s18+s2], $0x80, $0x38;
	[tilespmem:$0x10200] =	vst v63  }
0x77: {  	s18 =	sand.u32 $0x1FFFFFF0, s28  }
0x78: {  	s29 =	simm.s32 $0xF00;
	s18 =	sadd.s32 s3, s18  }
0x79: {  	[tilespmem:s29], [sflag:$0x1] =	stream.linear.gather [hbm4b:s18+s2], $0x80, $0x38;
	[tilespmem:$0x10200] =	vst v63  }
0x7a: {  	s18 =	sand.u32 $0x1FFFFFF0, s30  }
0x7b: {  	s31 =	simm.s32 $0xF80;
	s1 =	spop (v2sf);
	s18 =	sadd.s32 s3, s18  }
0x7c: {  	[tilespmem:s31], [sflag:$0x1] =	stream.linear.gather [hbm4b:s18+s2], $0x80, $0x38;
	[tilespmem:$0x10200] =	vst v63  }
0x7d: {  	s18 =	sand.u32 $0x1FFFFFF0, s1  }
0x7e: {  	s9 =	simm.s32 $0x1000;
	s18 =	sadd.s32 s3, s18  }
0x7f: {  	[tilespmem:s9], [sflag:$0x1] =	stream.linear.gather [hbm4b:s18+s2], $0x80, $0x38;
	[tilespmem:$0x10200] =	vst v63  }
0x80: {  	s10 =	spop (v2sf)  }
0x81: {  	s18 =	sand.u32 $0x1FFFFFF0, s10  }
0x82: {  	s11 =	simm.s32 $0x1080;
	s12 =	spop (v2sf);
	s18 =	sadd.s32 s3, s18  }
0x83: {  	[tilespmem:s11], [sflag:$0x1] =	stream.linear.gather [hbm4b:s18+s2], $0x80, $0x38;
	[tilespmem:$0x10200] =	vst v63  }
0x84: {  	s18 =	sand.u32 $0x1FFFFFF0, s12  }
0x85: {  	s13 =	simm.s32 $0x1100;
	s19 =	spop (v2sf);
	s18 =	sadd.s32 s3, s18  }
0x86: {  	[tilespmem:s13], [sflag:$0x1] =	stream.linear.gather [hbm4b:s18+s2], $0x80, $0x38;
	[tilespmem:$0x10200] =	vst v63  }
0x87: {  	s18 =	sand.u32 $0x1FFFFFF0, s19  }
0x88: {  	s20 =	simm.s32 $0x1180;
	s18 =	sadd.s32 s3, s18  }
0x89: {  	[tilespmem:s20], [sflag:$0x1] =	stream.linear.gather [hbm4b:s18+s2], $0x80, $0x38;
	[tilespmem:$0x10200] =	vst v63  }
0x8a: {  	v0 =	vld [tilespmem:$0x20];
	_ =	sdelay $0x4  }
0x8b: {  	v0 =	vshll.u32 v0, $0x4  }
0x8c: {  	(v2sf) =	vpush v0, $0x0  }
0x8d: {  	(v2sf) =	vpush v0, $0x1;
	_ =	sdelay $0x1  }
0x8e: {  	(v2sf) =	vpush v0, $0x2;
	_ =	sdelay $0x1  }
0x8f: {  	(v2sf) =	vpush v0, $0x3;
	_ =	sdelay $0x4  }
0x90: {  	(v2sf) =	vpush v0, $0x4;
	_ =	sdelay $0x4  }
0x91: {  	s21 =	spop (v2sf)  }
0x92: {  	s23 =	spop (v2sf);
	(v2sf) =	vpush v0, $0x5;
	_ =	sdelay $0x1  }
0x93: {  	s25 =	spop (v2sf);
	(v2sf) =	vpush v0, $0x6  }
0x94: {  	s18 =	sand.u32 $0x1FFFFFF0, s21  }
0x95: {  	s22 =	simm.s32 $0x1200;
	s18 =	sadd.s32 s3, s18;
	s28 =	spop (v2sf);
	(v2sf) =	vpush v0, $0x7  }
0x96: {  	[tilespmem:s22], [sflag:$0x1] =	stream.linear.gather [hbm4b:s18+s2], $0x80, $0x38;
	[tilespmem:$0x10200] =	vst v63  }
0x97: {  	s18 =	sand.u32 $0x1FFFFFF0, s23  }
0x98: {  	s24 =	simm.s32 $0x1280;
	s18 =	sadd.s32 s3, s18  }
0x99: {  	[tilespmem:s24], [sflag:$0x1] =	stream.linear.gather [hbm4b:s18+s2], $0x80, $0x38;
	[tilespmem:$0x10200] =	vst v63  }
0x9a: {  	s30 =	spop (v2sf);
	(v2sf) =	vpush v0, $0x8;
	s18 =	sand.u32 $0x1FFFFFF0, s25  }
0x9b: {  	s26 =	simm.s32 $0x1300;
	s18 =	sadd.s32 s3, s18  }
0x9c: {  	[tilespmem:s26], [sflag:$0x1] =	stream.linear.gather [hbm4b:s18+s2], $0x80, $0x38;
	[tilespmem:$0x10200] =	vst v63  }
0x9d: {  	s18 =	sand.u32 $0x1FFFFFF0, s28  }
0x9e: {  	s29 =	simm.s32 $0x1380;
	s18 =	sadd.s32 s3, s18  }
0x9f: {  	[tilespmem:s29], [sflag:$0x1] =	stream.linear.gather [hbm4b:s18+s2], $0x80, $0x38;
	[tilespmem:$0x10200] =	vst v63  }
0xa0: {  	s1 =	spop (v2sf);
	(v2sf) =	vpush v0, $0x9  }
0xa1: {  	s18 =	sand.u32 $0x1FFFFFF0, s30  }
0xa2: {  	s31 =	simm.s32 $0x1400;
	s18 =	sadd.s32 s3, s18;
	s10 =	spop (v2sf);
	(v2sf) =	vpush v0, $0xA  }
0xa3: {  	[tilespmem:s31], [sflag:$0x1] =	stream.linear.gather [hbm4b:s18+s2], $0x80, $0x38;
	[tilespmem:$0x10200] =	vst v63  }
0xa4: {  	s12 =	spop (v2sf);
	(v2sf) =	vpush v0, $0xB  }
0xa5: {  	s18 =	sand.u32 $0x1FFFFFF0, s1  }
0xa6: {  	s9 =	simm.s32 $0x1480;
	s18 =	sadd.s32 s3, s18  }
0xa7: {  	[tilespmem:s9], [sflag:$0x1] =	stream.linear.gather [hbm4b:s18+s2], $0x80, $0x38;
	[tilespmem:$0x10200] =	vst v63  }
0xa8: {  	s18 =	sand.u32 $0x1FFFFFF0, s10  }
0xa9: {  	s11 =	simm.s32 $0x1500;
	s19 =	spop (v2sf);
	s18 =	sadd.s32 s3, s18  }
0xaa: {  	(v2sf) =	vpush v0, $0xC;
	[tilespmem:s11], [sflag:$0x1] =	stream.linear.gather [hbm4b:s18+s2], $0x80, $0x38;
	[tilespmem:$0x10200] =	vst v63  }
0xab: {  	s18 =	sand.u32 $0x1FFFFFF0, s12  }
0xac: {  	s13 =	simm.s32 $0x1580;
	s18 =	sadd.s32 s3, s18  }
0xad: {  	[tilespmem:s13], [sflag:$0x1] =	stream.linear.gather [hbm4b:s18+s2], $0x80, $0x38;
	[tilespmem:$0x10200] =	vst v63  }
0xae: {  	s18 =	sand.u32 $0x1FFFFFF0, s19  }
0xaf: {  	s20 =	simm.s32 $0x1600;
	s18 =	sadd.s32 s3, s18;
	s21 =	spop (v2sf);
	(v2sf) =	vpush v0, $0xD  }
0xb0: {  	[tilespmem:s20], [sflag:$0x1] =	stream.linear.gather [hbm4b:s18+s2], $0x80, $0x38;
	[tilespmem:$0x10200] =	vst v63  }
0xb1: {  	s23 =	spop (v2sf);
	(v2sf) =	vpush v0, $0xE  }
0xb2: {  	s18 =	sand.u32 $0x1FFFFFF0, s21  }
0xb3: {  	s22 =	simm.s32 $0x1680;
	s18 =	sadd.s32 s3, s18;
	s25 =	spop (v2sf)  }
0xb4: {  	(v2sf) =	vpush v0, $0xF;
	[tilespmem:s22], [sflag:$0x1] =	stream.linear.gather [hbm4b:s18+s2], $0x80, $0x38;
	[tilespmem:$0x10200] =	vst v63  }
0xb5: {  	s18 =	sand.u32 $0x1FFFFFF0, s23  }
0xb6: {  	s24 =	simm.s32 $0x1700;
	s18 =	sadd.s32 s3, s18  }
0xb7: {  	[tilespmem:s24], [sflag:$0x1] =	stream.linear.gather [hbm4b:s18+s2], $0x80, $0x38;
	[tilespmem:$0x10200] =	vst v63  }
0xb8: {  	s18 =	sand.u32 $0x1FFFFFF0, s25  }
0xb9: {  	s26 =	simm.s32 $0x1780;
	s28 =	spop (v2sf);
	s18 =	sadd.s32 s3, s18  }
0xba: {  	[tilespmem:s26], [sflag:$0x1] =	stream.linear.gather [hbm4b:s18+s2], $0x80, $0x38;
	[tilespmem:$0x10200] =	vst v63  }
0xbb: {  	s18 =	sand.u32 $0x1FFFFFF0, s28  }
0xbc: {  	s29 =	simm.s32 $0x1800;
	s18 =	sadd.s32 s3, s18  }
0xbd: {  	[tilespmem:s29], [sflag:$0x1] =	stream.linear.gather [hbm4b:s18+s2], $0x80, $0x38;
	[tilespmem:$0x10200] =	vst v63  }
0xbe: {  	s30 =	spop (v2sf)  }
0xbf: {  	s18 =	sand.u32 $0x1FFFFFF0, s30  }
0xc0: {  	s31 =	simm.s32 $0x1880;
	s1 =	spop (v2sf);
	s18 =	sadd.s32 s3, s18  }
0xc1: {  	[tilespmem:s31], [sflag:$0x1] =	stream.linear.gather [hbm4b:s18+s2], $0x80, $0x38;
	[tilespmem:$0x10200] =	vst v63  }
0xc2: {  	s18 =	sand.u32 $0x1FFFFFF0, s1  }
0xc3: {  	s9 =	simm.s32 $0x1900;
	s10 =	spop (v2sf);
	s18 =	sadd.s32 s3, s18  }
0xc4: {  	[tilespmem:s9], [sflag:$0x1] =	stream.linear.gather [hbm4b:s18+s2], $0x80, $0x38;
	[tilespmem:$0x10200] =	vst v63  }
0xc5: {  	s18 =	sand.u32 $0x1FFFFFF0, s10  }
0xc6: {  	s11 =	simm.s32 $0x1980;
	s18 =	sadd.s32 s3, s18  }
0xc7: {  	[tilespmem:s11], [sflag:$0x1] =	stream.linear.gather [hbm4b:s18+s2], $0x80, $0x38;
	[tilespmem:$0x10200] =	vst v63  }
0xc8: {  	v0 =	vld [tilespmem:$0x30];
	_ =	sdelay $0x4  }
0xc9: {  	v0 =	vshll.u32 v0, $0x4  }
0xca: {  	(v2sf) =	vpush v0, $0x0  }
0xcb: {  	(v2sf) =	vpush v0, $0x1;
	_ =	sdelay $0x1  }
0xcc: {  	(v2sf) =	vpush v0, $0x2;
	_ =	sdelay $0x1  }
0xcd: {  	(v2sf) =	vpush v0, $0x3;
	_ =	sdelay $0x4  }
0xce: {  	(v2sf) =	vpush v0, $0x4;
	_ =	sdelay $0x4  }
0xcf: {  	s12 =	spop (v2sf)  }
0xd0: {  	s19 =	spop (v2sf);
	(v2sf) =	vpush v0, $0x5;
	_ =	sdelay $0x1  }
0xd1: {  	s21 =	spop (v2sf);
	(v2sf) =	vpush v0, $0x6  }
0xd2: {  	s18 =	sand.u32 $0x1FFFFFF0, s12  }
0xd3: {  	s13 =	simm.s32 $0x1A00;
	s18 =	sadd.s32 s3, s18;
	s23 =	spop (v2sf);
	(v2sf) =	vpush v0, $0x7  }
0xd4: {  	[tilespmem:s13], [sflag:$0x1] =	stream.linear.gather [hbm4b:s18+s2], $0x80, $0x38;
	[tilespmem:$0x10200] =	vst v63  }
0xd5: {  	s18 =	sand.u32 $0x1FFFFFF0, s19  }
0xd6: {  	s20 =	simm.s32 $0x1A80;
	s18 =	sadd.s32 s3, s18  }
0xd7: {  	[tilespmem:s20], [sflag:$0x1] =	stream.linear.gather [hbm4b:s18+s2], $0x80, $0x38;
	[tilespmem:$0x10200] =	vst v63  }
0xd8: {  	s25 =	spop (v2sf);
	(v2sf) =	vpush v0, $0x8;
	s18 =	sand.u32 $0x1FFFFFF0, s21  }
0xd9: {  	s22 =	simm.s32 $0x1B00;
	s18 =	sadd.s32 s3, s18  }
0xda: {  	[tilespmem:s22], [sflag:$0x1] =	stream.linear.gather [hbm4b:s18+s2], $0x80, $0x38;
	[tilespmem:$0x10200] =	vst v63  }
0xdb: {  	s18 =	sand.u32 $0x1FFFFFF0, s23  }
0xdc: {  	s24 =	simm.s32 $0x1B80;
	s18 =	sadd.s32 s3, s18  }
0xdd: {  	[tilespmem:s24], [sflag:$0x1] =	stream.linear.gather [hbm4b:s18+s2], $0x80, $0x38;
	[tilespmem:$0x10200] =	vst v63  }
0xde: {  	s28 =	spop (v2sf);
	(v2sf) =	vpush v0, $0x9  }
0xdf: {  	s18 =	sand.u32 $0x1FFFFFF0, s25  }
0xe0: {  	s26 =	simm.s32 $0x1C00;
	s18 =	sadd.s32 s3, s18;
	s30 =	spop (v2sf);
	(v2sf) =	vpush v0, $0xA  }
0xe1: {  	[tilespmem:s26], [sflag:$0x1] =	stream.linear.gather [hbm4b:s18+s2], $0x80, $0x38;
	[tilespmem:$0x10200] =	vst v63  }
0xe2: {  	s1 =	spop (v2sf);
	(v2sf) =	vpush v0, $0xB  }
0xe3: {  	s18 =	sand.u32 $0x1FFFFFF0, s28  }
0xe4: {  	s29 =	simm.s32 $0x1C80;
	s18 =	sadd.s32 s3, s18  }
0xe5: {  	[tilespmem:s29], [sflag:$0x1] =	stream.linear.gather [hbm4b:s18+s2], $0x80, $0x38;
	[tilespmem:$0x10200] =	vst v63  }
0xe6: {  	s18 =	sand.u32 $0x1FFFFFF0, s30  }
0xe7: {  	s31 =	simm.s32 $0x1D00;
	s10 =	spop (v2sf);
	s18 =	sadd.s32 s3, s18  }
0xe8: {  	(v2sf) =	vpush v0, $0xC;
	[tilespmem:s31], [sflag:$0x1] =	stream.linear.gather [hbm4b:s18+s2], $0x80, $0x38;
	[tilespmem:$0x10200] =	vst v63  }
0xe9: {  	s18 =	sand.u32 $0x1FFFFFF0, s1  }
0xea: {  	s9 =	simm.s32 $0x1D80;
	s18 =	sadd.s32 s3, s18  }
0xeb: {  	[tilespmem:s9], [sflag:$0x1] =	stream.linear.gather [hbm4b:s18+s2], $0x80, $0x38;
	[tilespmem:$0x10200] =	vst v63  }
0xec: {  	s18 =	sand.u32 $0x1FFFFFF0, s10  }
0xed: {  	s11 =	simm.s32 $0x1E00;
	s18 =	sadd.s32 s3, s18;
	s12 =	spop (v2sf);
	(v2sf) =	vpush v0, $0xD  }
0xee: {  	[tilespmem:s11], [sflag:$0x1] =	stream.linear.gather [hbm4b:s18+s2], $0x80, $0x38;
	[tilespmem:$0x10200] =	vst v63  }
0xef: {  	s19 =	spop (v2sf);
	(v2sf) =	vpush v0, $0xE  }
0xf0: {  	s18 =	sand.u32 $0x1FFFFFF0, s12  }
0xf1: {  	s13 =	simm.s32 $0x1E80;
	s18 =	sadd.s32 s3, s18;
	s21 =	spop (v2sf)  }
0xf2: {  	(v2sf) =	vpush v0, $0xF;
	[tilespmem:s13], [sflag:$0x1] =	stream.linear.gather [hbm4b:s18+s2], $0x80, $0x38;
	[tilespmem:$0x10200] =	vst v63  }
0xf3: {  	s18 =	sand.u32 $0x1FFFFFF0, s19  }
0xf4: {  	s20 =	simm.s32 $0x1F00;
	s18 =	sadd.s32 s3, s18  }
0xf5: {  	[tilespmem:s20], [sflag:$0x1] =	stream.linear.gather [hbm4b:s18+s2], $0x80, $0x38;
	[tilespmem:$0x10200] =	vst v63  }
0xf6: {  	s18 =	sand.u32 $0x1FFFFFF0, s21  }
0xf7: {  	s22 =	simm.s32 $0x1F80;
	s23 =	spop (v2sf);
	s18 =	sadd.s32 s3, s18  }
0xf8: {  	[tilespmem:s22], [sflag:$0x1] =	stream.linear.gather [hbm4b:s18+s2], $0x80, $0x38;
	[tilespmem:$0x10200] =	vst v63  }
0xf9: {  	s18 =	sand.u32 $0x1FFFFFF0, s23  }
0xfa: {  	s24 =	simm.s32 $0x2000;
	s18 =	sadd.s32 s3, s18  }
0xfb: {  	[tilespmem:s24], [sflag:$0x1] =	stream.linear.gather [hbm4b:s18+s2], $0x80, $0x38;
	[tilespmem:$0x10200] =	vst v63  }
0xfc: {  	s25 =	spop (v2sf)  }
0xfd: {  	s18 =	sand.u32 $0x1FFFFFF0, s25  }
0xfe: {  	s26 =	simm.s32 $0x2080;
	s28 =	spop (v2sf);
	s18 =	sadd.s32 s3, s18  }
0xff: {  	[tilespmem:s26], [sflag:$0x1] =	stream.linear.gather [hbm4b:s18+s2], $0x80, $0x38;
	[tilespmem:$0x10200] =	vst v63  }
0x100: {  	s18 =	sand.u32 $0x1FFFFFF0, s28  }
0x101: {  	s29 =	simm.s32 $0x2100;
	s30 =	spop (v2sf);
	s18 =	sadd.s32 s3, s18  }
0x102: {  	[tilespmem:s29], [sflag:$0x1] =	stream.linear.gather [hbm4b:s18+s2], $0x80, $0x38;
	[tilespmem:$0x10200] =	vst v63  }
0x103: {  	s18 =	sand.u32 $0x1FFFFFF0, s30  }
0x104: {  	s31 =	simm.s32 $0x2180;
	s18 =	sadd.s32 s3, s18  }
0x105: {  	[tilespmem:s31], [sflag:$0x1] =	stream.linear.gather [hbm4b:s18+s2], $0x80, $0x38;
	[tilespmem:$0x10200] =	vst v63  }
0x106: {  	v0 =	vld [tilespmem:$0x40];
	_ =	sdelay $0x4  }
0x107: {  	v0 =	vshll.u32 v0, $0x4  }
0x108: {  	(v2sf) =	vpush v0, $0x0  }
0x109: {  	(v2sf) =	vpush v0, $0x1;
	_ =	sdelay $0x1  }
0x10a: {  	(v2sf) =	vpush v0, $0x2;
	_ =	sdelay $0x1  }
0x10b: {  	(v2sf) =	vpush v0, $0x3;
	_ =	sdelay $0x4  }
0x10c: {  	(v2sf) =	vpush v0, $0x4;
	_ =	sdelay $0x4  }
0x10d: {  	s1 =	spop (v2sf)  }
0x10e: {  	s10 =	spop (v2sf);
	(v2sf) =	vpush v0, $0x5;
	_ =	sdelay $0x1  }
0x10f: {  	s12 =	spop (v2sf);
	(v2sf) =	vpush v0, $0x6  }
0x110: {  	s18 =	sand.u32 $0x1FFFFFF0, s1  }
0x111: {  	s9 =	simm.s32 $0x2200;
	s18 =	sadd.s32 s3, s18;
	s19 =	spop (v2sf);
	(v2sf) =	vpush v0, $0x7  }
0x112: {  	[tilespmem:s9], [sflag:$0x1] =	stream.linear.gather [hbm4b:s18+s2], $0x80, $0x38;
	[tilespmem:$0x10200] =	vst v63  }
0x113: {  	s18 =	sand.u32 $0x1FFFFFF0, s10  }
0x114: {  	s11 =	simm.s32 $0x2280;
	s18 =	sadd.s32 s3, s18  }
0x115: {  	[tilespmem:s11], [sflag:$0x1] =	stream.linear.gather [hbm4b:s18+s2], $0x80, $0x38;
	[tilespmem:$0x10200] =	vst v63  }
0x116: {  	s21 =	spop (v2sf);
	(v2sf) =	vpush v0, $0x8;
	s18 =	sand.u32 $0x1FFFFFF0, s12  }
0x117: {  	s13 =	simm.s32 $0x2300;
	s18 =	sadd.s32 s3, s18  }
0x118: {  	[tilespmem:s13], [sflag:$0x1] =	stream.linear.gather [hbm4b:s18+s2], $0x80, $0x38;
	[tilespmem:$0x10200] =	vst v63  }
0x119: {  	s18 =	sand.u32 $0x1FFFFFF0, s19  }
0x11a: {  	s20 =	simm.s32 $0x2380;
	s18 =	sadd.s32 s3, s18  }
0x11b: {  	[tilespmem:s20], [sflag:$0x1] =	stream.linear.gather [hbm4b:s18+s2], $0x80, $0x38;
	[tilespmem:$0x10200] =	vst v63  }
0x11c: {  	s23 =	spop (v2sf);
	(v2sf) =	vpush v0, $0x9  }
0x11d: {  	s18 =	sand.u32 $0x1FFFFFF0, s21  }
0x11e: {  	s22 =	simm.s32 $0x2400;
	s18 =	sadd.s32 s3, s18;
	s25 =	spop (v2sf);
	(v2sf) =	vpush v0, $0xA  }
0x11f: {  	[tilespmem:s22], [sflag:$0x1] =	stream.linear.gather [hbm4b:s18+s2], $0x80, $0x38;
	[tilespmem:$0x10200] =	vst v63  }
0x120: {  	s28 =	spop (v2sf);
	(v2sf) =	vpush v0, $0xB  }
0x121: {  	s18 =	sand.u32 $0x1FFFFFF0, s23  }
0x122: {  	s24 =	simm.s32 $0x2480;
	s18 =	sadd.s32 s3, s18  }
0x123: {  	[tilespmem:s24], [sflag:$0x1] =	stream.linear.gather [hbm4b:s18+s2], $0x80, $0x38;
	[tilespmem:$0x10200] =	vst v63  }
0x124: {  	s18 =	sand.u32 $0x1FFFFFF0, s25  }
0x125: {  	s26 =	simm.s32 $0x2500;
	s30 =	spop (v2sf);
	s18 =	sadd.s32 s3, s18  }
0x126: {  	(v2sf) =	vpush v0, $0xC;
	[tilespmem:s26], [sflag:$0x1] =	stream.linear.gather [hbm4b:s18+s2], $0x80, $0x38;
	[tilespmem:$0x10200] =	vst v63  }
0x127: {  	s18 =	sand.u32 $0x1FFFFFF0, s28  }
0x128: {  	s29 =	simm.s32 $0x2580;
	s18 =	sadd.s32 s3, s18  }
0x129: {  	[tilespmem:s29], [sflag:$0x1] =	stream.linear.gather [hbm4b:s18+s2], $0x80, $0x38;
	[tilespmem:$0x10200] =	vst v63  }
0x12a: {  	s18 =	sand.u32 $0x1FFFFFF0, s30  }
0x12b: {  	s31 =	simm.s32 $0x2600;
	s18 =	sadd.s32 s3, s18;
	s1 =	spop (v2sf);
	(v2sf) =	vpush v0, $0xD  }
0x12c: {  	[tilespmem:s31], [sflag:$0x1] =	stream.linear.gather [hbm4b:s18+s2], $0x80, $0x38;
	[tilespmem:$0x10200] =	vst v63  }
0x12d: {  	s10 =	spop (v2sf);
	(v2sf) =	vpush v0, $0xE  }
0x12e: {  	s18 =	sand.u32 $0x1FFFFFF0, s1  }
0x12f: {  	s9 =	simm.s32 $0x2680;
	s18 =	sadd.s32 s3, s18;
	s12 =	spop (v2sf)  }
0x130: {  	(v2sf) =	vpush v0, $0xF;
	[tilespmem:s9], [sflag:$0x1] =	stream.linear.gather [hbm4b:s18+s2], $0x80, $0x38;
	[tilespmem:$0x10200] =	vst v63  }
0x131: {  	s18 =	sand.u32 $0x1FFFFFF0, s10  }
0x132: {  	s11 =	simm.s32 $0x2700;
	s18 =	sadd.s32 s3, s18  }
0x133: {  	[tilespmem:s11], [sflag:$0x1] =	stream.linear.gather [hbm4b:s18+s2], $0x80, $0x38;
	[tilespmem:$0x10200] =	vst v63  }
0x134: {  	s18 =	sand.u32 $0x1FFFFFF0, s12  }
0x135: {  	s13 =	simm.s32 $0x2780;
	s19 =	spop (v2sf);
	s18 =	sadd.s32 s3, s18  }
0x136: {  	[tilespmem:s13], [sflag:$0x1] =	stream.linear.gather [hbm4b:s18+s2], $0x80, $0x38;
	[tilespmem:$0x10200] =	vst v63  }
0x137: {  	s18 =	sand.u32 $0x1FFFFFF0, s19  }
0x138: {  	s20 =	simm.s32 $0x2800;
	s18 =	sadd.s32 s3, s18  }
0x139: {  	[tilespmem:s20], [sflag:$0x1] =	stream.linear.gather [hbm4b:s18+s2], $0x80, $0x38;
	[tilespmem:$0x10200] =	vst v63  }
0x13a: {  	s21 =	spop (v2sf)  }
0x13b: {  	s18 =	sand.u32 $0x1FFFFFF0, s21  }
0x13c: {  	s22 =	simm.s32 $0x2880;
	s23 =	spop (v2sf);
	s18 =	sadd.s32 s3, s18  }
0x13d: {  	[tilespmem:s22], [sflag:$0x1] =	stream.linear.gather [hbm4b:s18+s2], $0x80, $0x38;
	[tilespmem:$0x10200] =	vst v63  }
0x13e: {  	s18 =	sand.u32 $0x1FFFFFF0, s23  }
0x13f: {  	s24 =	simm.s32 $0x2900;
	s25 =	spop (v2sf);
	s18 =	sadd.s32 s3, s18  }
0x140: {  	[tilespmem:s24], [sflag:$0x1] =	stream.linear.gather [hbm4b:s18+s2], $0x80, $0x38;
	[tilespmem:$0x10200] =	vst v63  }
0x141: {  	s18 =	sand.u32 $0x1FFFFFF0, s25  }
0x142: {  	s26 =	simm.s32 $0x2980;
	s18 =	sadd.s32 s3, s18  }
0x143: {  	[tilespmem:s26], [sflag:$0x1] =	stream.linear.gather [hbm4b:s18+s2], $0x80, $0x38;
	[tilespmem:$0x10200] =	vst v63  }
0x144: {  	v0 =	vld [tilespmem:$0x50];
	_ =	sdelay $0x4  }
0x145: {  	v0 =	vshll.u32 v0, $0x4  }
0x146: {  	(v2sf) =	vpush v0, $0x0  }
0x147: {  	(v2sf) =	vpush v0, $0x1;
	_ =	sdelay $0x1  }
0x148: {  	(v2sf) =	vpush v0, $0x2;
	_ =	sdelay $0x1  }
0x149: {  	(v2sf) =	vpush v0, $0x3;
	_ =	sdelay $0x4  }
0x14a: {  	(v2sf) =	vpush v0, $0x4;
	_ =	sdelay $0x4  }
0x14b: {  	s28 =	spop (v2sf)  }
0x14c: {  	s30 =	spop (v2sf);
	(v2sf) =	vpush v0, $0x5;
	_ =	sdelay $0x1  }
0x14d: {  	s1 =	spop (v2sf);
	(v2sf) =	vpush v0, $0x6  }
0x14e: {  	s18 =	sand.u32 $0x1FFFFFF0, s28  }
0x14f: {  	s29 =	simm.s32 $0x2A00;
	s18 =	sadd.s32 s3, s18;
	s10 =	spop (v2sf);
	(v2sf) =	vpush v0, $0x7  }
0x150: {  	[tilespmem:s29], [sflag:$0x1] =	stream.linear.gather [hbm4b:s18+s2], $0x80, $0x38;
	[tilespmem:$0x10200] =	vst v63  }
0x151: {  	s18 =	sand.u32 $0x1FFFFFF0, s30  }
0x152: {  	s31 =	simm.s32 $0x2A80;
	s18 =	sadd.s32 s3, s18  }
0x153: {  	[tilespmem:s31], [sflag:$0x1] =	stream.linear.gather [hbm4b:s18+s2], $0x80, $0x38;
	[tilespmem:$0x10200] =	vst v63  }
0x154: {  	s12 =	spop (v2sf);
	(v2sf) =	vpush v0, $0x8;
	s18 =	sand.u32 $0x1FFFFFF0, s1  }
0x155: {  	s9 =	simm.s32 $0x2B00;
	s18 =	sadd.s32 s3, s18  }
0x156: {  	[tilespmem:s9], [sflag:$0x1] =	stream.linear.gather [hbm4b:s18+s2], $0x80, $0x38;
	[tilespmem:$0x10200] =	vst v63  }
0x157: {  	s18 =	sand.u32 $0x1FFFFFF0, s10  }
0x158: {  	s11 =	simm.s32 $0x2B80;
	s18 =	sadd.s32 s3, s18  }
0x159: {  	[tilespmem:s11], [sflag:$0x1] =	stream.linear.gather [hbm4b:s18+s2], $0x80, $0x38;
	[tilespmem:$0x10200] =	vst v63  }
0x15a: {  	s19 =	spop (v2sf);
	(v2sf) =	vpush v0, $0x9  }
0x15b: {  	s18 =	sand.u32 $0x1FFFFFF0, s12  }
0x15c: {  	s13 =	simm.s32 $0x2C00;
	s18 =	sadd.s32 s3, s18;
	s21 =	spop (v2sf);
	(v2sf) =	vpush v0, $0xA  }
0x15d: {  	[tilespmem:s13], [sflag:$0x1] =	stream.linear.gather [hbm4b:s18+s2], $0x80, $0x38;
	[tilespmem:$0x10200] =	vst v63  }
0x15e: {  	s23 =	spop (v2sf);
	(v2sf) =	vpush v0, $0xB  }
0x15f: {  	s18 =	sand.u32 $0x1FFFFFF0, s19  }
0x160: {  	s20 =	simm.s32 $0x2C80;
	s18 =	sadd.s32 s3, s18  }
0x161: {  	[tilespmem:s20], [sflag:$0x1] =	stream.linear.gather [hbm4b:s18+s2], $0x80, $0x38;
	[tilespmem:$0x10200] =	vst v63  }
0x162: {  	s18 =	sand.u32 $0x1FFFFFF0, s21  }
0x163: {  	s22 =	simm.s32 $0x2D00;
	s25 =	spop (v2sf);
	s18 =	sadd.s32 s3, s18  }
0x164: {  	(v2sf) =	vpush v0, $0xC;
	[tilespmem:s22], [sflag:$0x1] =	stream.linear.gather [hbm4b:s18+s2], $0x80, $0x38;
	[tilespmem:$0x10200] =	vst v63  }
0x165: {  	s18 =	sand.u32 $0x1FFFFFF0, s23  }
0x166: {  	s24 =	simm.s32 $0x2D80;
	s18 =	sadd.s32 s3, s18  }
0x167: {  	[tilespmem:s24], [sflag:$0x1] =	stream.linear.gather [hbm4b:s18+s2], $0x80, $0x38;
	[tilespmem:$0x10200] =	vst v63  }
0x168: {  	s18 =	sand.u32 $0x1FFFFFF0, s25  }
0x169: {  	s26 =	simm.s32 $0x2E00;
	s18 =	sadd.s32 s3, s18;
	s28 =	spop (v2sf);
	(v2sf) =	vpush v0, $0xD  }
0x16a: {  	[tilespmem:s26], [sflag:$0x1] =	stream.linear.gather [hbm4b:s18+s2], $0x80, $0x38;
	[tilespmem:$0x10200] =	vst v63  }
0x16b: {  	s30 =	spop (v2sf);
	(v2sf) =	vpush v0, $0xE  }
0x16c: {  	s18 =	sand.u32 $0x1FFFFFF0, s28  }
0x16d: {  	s29 =	simm.s32 $0x2E80;
	s18 =	sadd.s32 s3, s18;
	s1 =	spop (v2sf)  }
0x16e: {  	(v2sf) =	vpush v0, $0xF;
	[tilespmem:s29], [sflag:$0x1] =	stream.linear.gather [hbm4b:s18+s2], $0x80, $0x38;
	[tilespmem:$0x10200] =	vst v63  }
0x16f: {  	s18 =	sand.u32 $0x1FFFFFF0, s30  }
0x170: {  	s31 =	simm.s32 $0x2F00;
	s18 =	sadd.s32 s3, s18  }
0x171: {  	[tilespmem:s31], [sflag:$0x1] =	stream.linear.gather [hbm4b:s18+s2], $0x80, $0x38;
	[tilespmem:$0x10200] =	vst v63  }
0x172: {  	s18 =	sand.u32 $0x1FFFFFF0, s1  }
0x173: {  	s9 =	simm.s32 $0x2F80;
	s10 =	spop (v2sf);
	s18 =	sadd.s32 s3, s18  }
0x174: {  	[tilespmem:s9], [sflag:$0x1] =	stream.linear.gather [hbm4b:s18+s2], $0x80, $0x38;
	[tilespmem:$0x10200] =	vst v63  }
0x175: {  	s18 =	sand.u32 $0x1FFFFFF0, s10  }
0x176: {  	s11 =	simm.s32 $0x3000;
	s18 =	sadd.s32 s3, s18  }
0x177: {  	[tilespmem:s11], [sflag:$0x1] =	stream.linear.gather [hbm4b:s18+s2], $0x80, $0x38;
	[tilespmem:$0x10200] =	vst v63  }
0x178: {  	s12 =	spop (v2sf)  }
0x179: {  	s18 =	sand.u32 $0x1FFFFFF0, s12  }
0x17a: {  	s13 =	simm.s32 $0x3080;
	s19 =	spop (v2sf);
	s18 =	sadd.s32 s3, s18  }
0x17b: {  	[tilespmem:s13], [sflag:$0x1] =	stream.linear.gather [hbm4b:s18+s2], $0x80, $0x38;
	[tilespmem:$0x10200] =	vst v63  }
0x17c: {  	s18 =	sand.u32 $0x1FFFFFF0, s19  }
0x17d: {  	s20 =	simm.s32 $0x3100;
	s21 =	spop (v2sf);
	s18 =	sadd.s32 s3, s18  }
0x17e: {  	[tilespmem:s20], [sflag:$0x1] =	stream.linear.gather [hbm4b:s18+s2], $0x80, $0x38;
	[tilespmem:$0x10200] =	vst v63  }
0x17f: {  	s18 =	sand.u32 $0x1FFFFFF0, s21  }
0x180: {  	s22 =	simm.s32 $0x3180;
	s18 =	sadd.s32 s3, s18  }
0x181: {  	[tilespmem:s22], [sflag:$0x1] =	stream.linear.gather [hbm4b:s18+s2], $0x80, $0x38;
	[tilespmem:$0x10200] =	vst v63  }
0x182: {  	v0 =	vld [tilespmem:$0x60];
	_ =	sdelay $0x4  }
0x183: {  	v0 =	vshll.u32 v0, $0x4  }
0x184: {  	(v2sf) =	vpush v0, $0x0  }
0x185: {  	(v2sf) =	vpush v0, $0x1;
	_ =	sdelay $0x1  }
0x186: {  	(v2sf) =	vpush v0, $0x2;
	_ =	sdelay $0x1  }
0x187: {  	(v2sf) =	vpush v0, $0x3;
	_ =	sdelay $0x4  }
0x188: {  	(v2sf) =	vpush v0, $0x4;
	_ =	sdelay $0x4  }
0x189: {  	s23 =	spop (v2sf)  }
0x18a: {  	s25 =	spop (v2sf);
	(v2sf) =	vpush v0, $0x5;
	_ =	sdelay $0x1  }
0x18b: {  	s28 =	spop (v2sf);
	(v2sf) =	vpush v0, $0x6  }
0x18c: {  	s18 =	sand.u32 $0x1FFFFFF0, s23  }
0x18d: {  	s24 =	simm.s32 $0x3200;
	s18 =	sadd.s32 s3, s18;
	s30 =	spop (v2sf);
	(v2sf) =	vpush v0, $0x7  }
0x18e: {  	[tilespmem:s24], [sflag:$0x1] =	stream.linear.gather [hbm4b:s18+s2], $0x80, $0x38;
	[tilespmem:$0x10200] =	vst v63  }
0x18f: {  	s18 =	sand.u32 $0x1FFFFFF0, s25  }
0x190: {  	s26 =	simm.s32 $0x3280;
	s18 =	sadd.s32 s3, s18  }
0x191: {  	[tilespmem:s26], [sflag:$0x1] =	stream.linear.gather [hbm4b:s18+s2], $0x80, $0x38;
	[tilespmem:$0x10200] =	vst v63  }
0x192: {  	s1 =	spop (v2sf);
	(v2sf) =	vpush v0, $0x8;
	s18 =	sand.u32 $0x1FFFFFF0, s28  }
0x193: {  	s29 =	simm.s32 $0x3300;
	s18 =	sadd.s32 s3, s18  }
0x194: {  	[tilespmem:s29], [sflag:$0x1] =	stream.linear.gather [hbm4b:s18+s2], $0x80, $0x38;
	[tilespmem:$0x10200] =	vst v63  }
0x195: {  	s18 =	sand.u32 $0x1FFFFFF0, s30  }
0x196: {  	s31 =	simm.s32 $0x3380;
	s18 =	sadd.s32 s3, s18  }
0x197: {  	[tilespmem:s31], [sflag:$0x1] =	stream.linear.gather [hbm4b:s18+s2], $0x80, $0x38;
	[tilespmem:$0x10200] =	vst v63  }
0x198: {  	s10 =	spop (v2sf);
	(v2sf) =	vpush v0, $0x9  }
0x199: {  	s18 =	sand.u32 $0x1FFFFFF0, s1  }
0x19a: {  	s9 =	simm.s32 $0x3400;
	s18 =	sadd.s32 s3, s18;
	s12 =	spop (v2sf);
	(v2sf) =	vpush v0, $0xA  }
0x19b: {  	[tilespmem:s9], [sflag:$0x1] =	stream.linear.gather [hbm4b:s18+s2], $0x80, $0x38;
	[tilespmem:$0x10200] =	vst v63  }
0x19c: {  	s19 =	spop (v2sf);
	(v2sf) =	vpush v0, $0xB  }
0x19d: {  	s18 =	sand.u32 $0x1FFFFFF0, s10  }
0x19e: {  	s11 =	simm.s32 $0x3480;
	s18 =	sadd.s32 s3, s18  }
0x19f: {  	[tilespmem:s11], [sflag:$0x1] =	stream.linear.gather [hbm4b:s18+s2], $0x80, $0x38;
	[tilespmem:$0x10200] =	vst v63  }
0x1a0: {  	s18 =	sand.u32 $0x1FFFFFF0, s12  }
0x1a1: {  	s13 =	simm.s32 $0x3500;
	s21 =	spop (v2sf);
	s18 =	sadd.s32 s3, s18  }
0x1a2: {  	(v2sf) =	vpush v0, $0xC;
	[tilespmem:s13], [sflag:$0x1] =	stream.linear.gather [hbm4b:s18+s2], $0x80, $0x38;
	[tilespmem:$0x10200] =	vst v63  }
0x1a3: {  	s18 =	sand.u32 $0x1FFFFFF0, s19  }
0x1a4: {  	s20 =	simm.s32 $0x3580;
	s18 =	sadd.s32 s3, s18  }
0x1a5: {  	[tilespmem:s20], [sflag:$0x1] =	stream.linear.gather [hbm4b:s18+s2], $0x80, $0x38;
	[tilespmem:$0x10200] =	vst v63  }
0x1a6: {  	s18 =	sand.u32 $0x1FFFFFF0, s21  }
0x1a7: {  	s22 =	simm.s32 $0x3600;
	s18 =	sadd.s32 s3, s18;
	s23 =	spop (v2sf);
	(v2sf) =	vpush v0, $0xD  }
0x1a8: {  	[tilespmem:s22], [sflag:$0x1] =	stream.linear.gather [hbm4b:s18+s2], $0x80, $0x38;
	[tilespmem:$0x10200] =	vst v63  }
0x1a9: {  	s25 =	spop (v2sf);
	(v2sf) =	vpush v0, $0xE  }
0x1aa: {  	s18 =	sand.u32 $0x1FFFFFF0, s23  }
0x1ab: {  	s24 =	simm.s32 $0x3680;
	s18 =	sadd.s32 s3, s18;
	s28 =	spop (v2sf)  }
0x1ac: {  	(v2sf) =	vpush v0, $0xF;
	[tilespmem:s24], [sflag:$0x1] =	stream.linear.gather [hbm4b:s18+s2], $0x80, $0x38;
	[tilespmem:$0x10200] =	vst v63  }
0x1ad: {  	s18 =	sand.u32 $0x1FFFFFF0, s25  }
0x1ae: {  	s26 =	simm.s32 $0x3700;
	s18 =	sadd.s32 s3, s18  }
0x1af: {  	[tilespmem:s26], [sflag:$0x1] =	stream.linear.gather [hbm4b:s18+s2], $0x80, $0x38;
	[tilespmem:$0x10200] =	vst v63  }
0x1b0: {  	s18 =	sand.u32 $0x1FFFFFF0, s28  }
0x1b1: {  	s29 =	simm.s32 $0x3780;
	s30 =	spop (v2sf);
	s18 =	sadd.s32 s3, s18  }
0x1b2: {  	[tilespmem:s29], [sflag:$0x1] =	stream.linear.gather [hbm4b:s18+s2], $0x80, $0x38;
	[tilespmem:$0x10200] =	vst v63  }
0x1b3: {  	s18 =	sand.u32 $0x1FFFFFF0, s30  }
0x1b4: {  	s31 =	simm.s32 $0x3800;
	s18 =	sadd.s32 s3, s18  }
0x1b5: {  	[tilespmem:s31], [sflag:$0x1] =	stream.linear.gather [hbm4b:s18+s2], $0x80, $0x38;
	[tilespmem:$0x10200] =	vst v63  }
0x1b6: {  	s1 =	spop (v2sf)  }
0x1b7: {  	s18 =	sand.u32 $0x1FFFFFF0, s1  }
0x1b8: {  	s9 =	simm.s32 $0x3880;
	s10 =	spop (v2sf);
	s18 =	sadd.s32 s3, s18  }
0x1b9: {  	[tilespmem:s9], [sflag:$0x1] =	stream.linear.gather [hbm4b:s18+s2], $0x80, $0x38;
	[tilespmem:$0x10200] =	vst v63  }
0x1ba: {  	s18 =	sand.u32 $0x1FFFFFF0, s10  }
0x1bb: {  	s11 =	simm.s32 $0x3900;
	s12 =	spop (v2sf);
	s18 =	sadd.s32 s3, s18  }
0x1bc: {  	[tilespmem:s11], [sflag:$0x1] =	stream.linear.gather [hbm4b:s18+s2], $0x80, $0x38;
	[tilespmem:$0x10200] =	vst v63  }
0x1bd: {  	s18 =	sand.u32 $0x1FFFFFF0, s12  }
0x1be: {  	s13 =	simm.s32 $0x3980;
	s18 =	sadd.s32 s3, s18  }
0x1bf: {  	[tilespmem:s13], [sflag:$0x1] =	stream.linear.gather [hbm4b:s18+s2], $0x80, $0x38;
	[tilespmem:$0x10200] =	vst v63  }
0x1c0: {  	v0 =	vld [tilespmem:$0x70];
	_ =	sdelay $0x4  }
0x1c1: {  	v0 =	vshll.u32 v0, $0x4  }
0x1c2: {  	(v2sf) =	vpush v0, $0x0  }
0x1c3: {  	(v2sf) =	vpush v0, $0x1;
	_ =	sdelay $0x1  }
0x1c4: {  	(v2sf) =	vpush v0, $0x2;
	_ =	sdelay $0x1  }
0x1c5: {  	(v2sf) =	vpush v0, $0x3;
	_ =	sdelay $0x4  }
0x1c6: {  	(v2sf) =	vpush v0, $0x4;
	_ =	sdelay $0x4  }
0x1c7: {  	s19 =	spop (v2sf)  }
0x1c8: {  	s21 =	spop (v2sf);
	(v2sf) =	vpush v0, $0x5;
	_ =	sdelay $0x1  }
0x1c9: {  	s23 =	spop (v2sf);
	(v2sf) =	vpush v0, $0x6  }
0x1ca: {  	s18 =	sand.u32 $0x1FFFFFF0, s19  }
0x1cb: {  	s20 =	simm.s32 $0x3A00;
	s18 =	sadd.s32 s3, s18;
	s25 =	spop (v2sf);
	(v2sf) =	vpush v0, $0x7  }
0x1cc: {  	[tilespmem:s20], [sflag:$0x1] =	stream.linear.gather [hbm4b:s18+s2], $0x80, $0x38;
	[tilespmem:$0x10200] =	vst v63  }
0x1cd: {  	s18 =	sand.u32 $0x1FFFFFF0, s21  }
0x1ce: {  	s22 =	simm.s32 $0x3A80;
	s18 =	sadd.s32 s3, s18  }
0x1cf: {  	[tilespmem:s22], [sflag:$0x1] =	stream.linear.gather [hbm4b:s18+s2], $0x80, $0x38;
	[tilespmem:$0x10200] =	vst v63  }
0x1d0: {  	s28 =	spop (v2sf);
	(v2sf) =	vpush v0, $0x8;
	s18 =	sand.u32 $0x1FFFFFF0, s23  }
0x1d1: {  	s24 =	simm.s32 $0x3B00;
	s18 =	sadd.s32 s3, s18  }
0x1d2: {  	[tilespmem:s24], [sflag:$0x1] =	stream.linear.gather [hbm4b:s18+s2], $0x80, $0x38;
	[tilespmem:$0x10200] =	vst v63  }
0x1d3: {  	s18 =	sand.u32 $0x1FFFFFF0, s25  }
0x1d4: {  	s26 =	simm.s32 $0x3B80;
	s18 =	sadd.s32 s3, s18  }
0x1d5: {  	[tilespmem:s26], [sflag:$0x1] =	stream.linear.gather [hbm4b:s18+s2], $0x80, $0x38;
	[tilespmem:$0x10200] =	vst v63  }
0x1d6: {  	s30 =	spop (v2sf);
	(v2sf) =	vpush v0, $0x9  }
0x1d7: {  	s18 =	sand.u32 $0x1FFFFFF0, s28  }
0x1d8: {  	s29 =	simm.s32 $0x3C00;
	s18 =	sadd.s32 s3, s18;
	s1 =	spop (v2sf);
	(v2sf) =	vpush v0, $0xA  }
0x1d9: {  	[tilespmem:s29], [sflag:$0x1] =	stream.linear.gather [hbm4b:s18+s2], $0x80, $0x38;
	[tilespmem:$0x10200] =	vst v63  }
0x1da: {  	s10 =	spop (v2sf);
	(v2sf) =	vpush v0, $0xB  }
0x1db: {  	s18 =	sand.u32 $0x1FFFFFF0, s30  }
0x1dc: {  	s31 =	simm.s32 $0x3C80;
	s18 =	sadd.s32 s3, s18  }
0x1dd: {  	[tilespmem:s31], [sflag:$0x1] =	stream.linear.gather [hbm4b:s18+s2], $0x80, $0x38;
	[tilespmem:$0x10200] =	vst v63  }
0x1de: {  	s18 =	sand.u32 $0x1FFFFFF0, s1  }
0x1df: {  	s9 =	simm.s32 $0x3D00;
	s12 =	spop (v2sf);
	s18 =	sadd.s32 s3, s18  }
0x1e0: {  	(v2sf) =	vpush v0, $0xC;
	[tilespmem:s9], [sflag:$0x1] =	stream.linear.gather [hbm4b:s18+s2], $0x80, $0x38;
	[tilespmem:$0x10200] =	vst v63  }
0x1e1: {  	s18 =	sand.u32 $0x1FFFFFF0, s10  }
0x1e2: {  	s11 =	simm.s32 $0x3D80;
	s18 =	sadd.s32 s3, s18  }
0x1e3: {  	[tilespmem:s11], [sflag:$0x1] =	stream.linear.gather [hbm4b:s18+s2], $0x80, $0x38;
	[tilespmem:$0x10200] =	vst v63  }
0x1e4: {  	s18 =	sand.u32 $0x1FFFFFF0, s12  }
0x1e5: {  	s13 =	simm.s32 $0x3E00;
	s18 =	sadd.s32 s3, s18;
	s19 =	spop (v2sf);
	(v2sf) =	vpush v0, $0xD  }
0x1e6: {  	[tilespmem:s13], [sflag:$0x1] =	stream.linear.gather [hbm4b:s18+s2], $0x80, $0x38;
	[tilespmem:$0x10200] =	vst v63  }
0x1e7: {  	s21 =	spop (v2sf);
	(v2sf) =	vpush v0, $0xE  }
0x1e8: {  	s18 =	sand.u32 $0x1FFFFFF0, s19  }
0x1e9: {  	s20 =	simm.s32 $0x3E80;
	s18 =	sadd.s32 s3, s18;
	s23 =	spop (v2sf)  }
0x1ea: {  	(v2sf) =	vpush v0, $0xF;
	[tilespmem:s20], [sflag:$0x1] =	stream.linear.gather [hbm4b:s18+s2], $0x80, $0x38;
	[tilespmem:$0x10200] =	vst v63  }
0x1eb: {  	s18 =	sand.u32 $0x1FFFFFF0, s21  }
0x1ec: {  	s22 =	simm.s32 $0x3F00;
	s18 =	sadd.s32 s3, s18  }
0x1ed: {  	[tilespmem:s22], [sflag:$0x1] =	stream.linear.gather [hbm4b:s18+s2], $0x80, $0x38;
	[tilespmem:$0x10200] =	vst v63  }
0x1ee: {  	s18 =	sand.u32 $0x1FFFFFF0, s23  }
0x1ef: {  	s24 =	simm.s32 $0x3F80;
	s25 =	spop (v2sf);
	s18 =	sadd.s32 s3, s18  }
0x1f0: {  	[tilespmem:s24], [sflag:$0x1] =	stream.linear.gather [hbm4b:s18+s2], $0x80, $0x38;
	[tilespmem:$0x10200] =	vst v63  }
0x1f1: {  	s18 =	sand.u32 $0x1FFFFFF0, s25  }
0x1f2: {  	s26 =	simm.s32 $0x4000;
	s18 =	sadd.s32 s3, s18  }
0x1f3: {  	[tilespmem:s26], [sflag:$0x1] =	stream.linear.gather [hbm4b:s18+s2], $0x80, $0x38;
	[tilespmem:$0x10200] =	vst v63  }
0x1f4: {  	s28 =	spop (v2sf)  }
0x1f5: {  	s18 =	sand.u32 $0x1FFFFFF0, s28  }
0x1f6: {  	s29 =	simm.s32 $0x4080;
	s30 =	spop (v2sf);
	s18 =	sadd.s32 s3, s18  }
0x1f7: {  	[tilespmem:s29], [sflag:$0x1] =	stream.linear.gather [hbm4b:s18+s2], $0x80, $0x38;
	[tilespmem:$0x10200] =	vst v63  }
0x1f8: {  	s18 =	sand.u32 $0x1FFFFFF0, s30  }
0x1f9: {  	s31 =	spop (v2sf);
	s18 =	sadd.s32 s3, s18  }
0x1fa: {  	[tilespmem:s14], [sflag:$0x1] =	stream.linear.gather [hbm4b:s18+s2], $0x80, $0x38;
	[tilespmem:$0x10200] =	vst v63  }
0x1fb: {  	s18 =	sand.u32 $0x1FFFFFF0, s31  }
0x1fc: {  	s19 =	simm.s32 $0x80;
	s18 =	sadd.s32 s3, s18  }
0x1fd: {  	[tilespmem:s15], [sflag:$0x1] =	stream.linear.gather [hbm4b:s18+s2], $0x80, $0x38;
	[tilespmem:$0x10200] =	vst v63  }
0x1fe: {  	v0 =	vld [tilespmem:s19+$0x0];
	_ =	sdelay $0x4  }
0x1ff: {  	v0 =	vshll.u32 v0, $0x4  }
0x200: {  	(v2sf) =	vpush v0, $0x0  }
0x201: {  	(v2sf) =	vpush v0, $0x1  }
0x202: {  	(v2sf) =	vpush v0, $0x2;
	_ =	sdelay $0x1  }
0x203: {  	(v2sf) =	vpush v0, $0x4;
	_ =	sdelay $0x1  }
0x204: {  	(v2sf) =	vpush v0, $0x3  }
0x205: {  	(v2sf) =	vpush v0, $0x5  }
0x206: {  	s20 =	simm.s32 $0x2000;
	s18 =	simm.s32 $0x0;
	(v2sf) =	vpush v0, $0x6  }
.LBB2_2:
0x207: {  	p0 =	sne.s32 s20, $0x2E000  }
0x208: {  	s31 =	sadd.s32 $0x4280, s18;
	s24 =	sadd.s32 $0x4780, s18;
	s21 =	smov.u32 s20  }
0x209: {  	s20 =	sadd.s32 $0x2000, s20;
	s28 =	sadd.s32 $0x4580, s18;
	s22 =	sadd.s32 $0x4800, s18;
	(v2sf) =	vpush v0, $0x7  }
0x20a: {  	s30 =	sadd.s32 $0x4480, s18;
	s26 =	sadd.s32 $0x4600, s18;
	s23 =	sadd.s32 $0x4880, s18  }
0x20b: {  	s0 =	sadd.s32 $0x4200, s18;
	s1 =	sadd.s32 $0x4400, s18;
	(v2sf) =	vpush v0, $0x8  }
0x20c: {  	s9 =	sadd.s32 $0x4500, s18  }
0x20d: {  	s10 =	sadd.s32 $0x4300, s18;
	s25 =	sadd.s32 $0x4700, s18;
	s29 =	spop (v2sf);
	(v2sf) =	vpush v0, $0x9  }
0x20e: {  	s11 =	sand.u32 $0x1FFFFFF0, s29;
	s29 =	sadd.s32 $0x4680, s18;
	s12 =	spop (v2sf)  }
0x20f: {  	s11 =	sadd.s32 s3, s11;
	s12 =	sand.u32 $0x1FFFFFF0, s12;
	s13 =	spop (v2sf);
	(v2sf) =	vpush v0, $0xA  }
0x210: {  	[tilespmem:s0], [sflag:$0x1] =	stream.linear.gather [hbm4b:s11+s2], $0x80, $0x38;
	[tilespmem:$0x10200] =	vst v63  }
0x211: {  	s0 =	sadd.s32 s3, s12;
	s11 =	sadd.s32 $0x4380, s18;
	s12 =	spop (v2sf);
	(v2sf) =	vpush v0, $0xB  }
0x212: {  	[tilespmem:s31], [sflag:$0x1] =	stream.linear.gather [hbm4b:s0+s2], $0x80, $0x38;
	[tilespmem:$0x10200] =	vst v63  }
0x213: {  	s0 =	sand.u32 $0x1FFFFFF0, s13;
	s12 =	sand.u32 $0x1FFFFFF0, s12;
	s13 =	spop (v2sf);
	(v2sf) =	vpush v0, $0xC  }
0x214: {  	s0 =	sadd.s32 s3, s0;
	s13 =	sand.u32 $0x1FFFFFF0, s13;
	s31 =	spop (v2sf)  }
0x215: {  	[tilespmem:s10], [sflag:$0x1] =	stream.linear.gather [hbm4b:s0+s2], $0x80, $0x38;
	(v2sf) =	vpush v0, $0xD;
	[tilespmem:$0x10200] =	vst v63  }
0x216: {  	s0 =	sadd.s32 s3, s13;
	s10 =	sand.u32 $0x1FFFFFF0, s31;
	s13 =	spop (v2sf)  }
0x217: {  	[tilespmem:s11], [sflag:$0x1] =	stream.linear.gather [hbm4b:s0+s2], $0x80, $0x38;
	(v2sf) =	vpush v0, $0xE;
	[tilespmem:$0x10200] =	vst v63  }
0x218: {  	s0 =	sadd.s32 s3, s12;
	s11 =	sand.u32 $0x1FFFFFF0, s13;
	s12 =	spop (v2sf)  }
0x219: {  	[tilespmem:s1], [sflag:$0x1] =	stream.linear.gather [hbm4b:s0+s2], $0x80, $0x38;
	(v2sf) =	vpush v0, $0xF;
	[tilespmem:$0x10200] =	vst v63  }
0x21a: {  	s0 =	sadd.s32 s3, s10;
	s1 =	sand.u32 $0x1FFFFFF0, s12;
	s10 =	spop (v2sf)  }
0x21b: {  	[tilespmem:s30], [sflag:$0x1] =	stream.linear.gather [hbm4b:s0+s2], $0x80, $0x38;
	[tilespmem:$0x10200] =	vst v63  }
0x21c: {  	s0 =	sadd.s32 s3, s11;
	s10 =	sand.u32 $0x1FFFFFF0, s10;
	s11 =	spop (v2sf)  }
0x21d: {  	[tilespmem:s9], [sflag:$0x1] =	stream.linear.gather [hbm4b:s0+s2], $0x80, $0x38;
	[tilespmem:$0x10200] =	vst v63  }
0x21e: {  	s0 =	sadd.s32 s3, s1;
	s1 =	sand.u32 $0x1FFFFFF0, s11;
	s9 =	spop (v2sf)  }
0x21f: {  	[tilespmem:s28], [sflag:$0x1] =	stream.linear.gather [hbm4b:s0+s2], $0x80, $0x38;
	[tilespmem:$0x10200] =	vst v63  }
0x220: {  	s0 =	sadd.s32 s3, s10;
	s9 =	sand.u32 $0x1FFFFFF0, s9;
	s10 =	spop (v2sf)  }
0x221: {  	[tilespmem:s26], [sflag:$0x1] =	stream.linear.gather [hbm4b:s0+s2], $0x80, $0x38;
	[tilespmem:$0x10200] =	vst v63  }
0x222: {  	s0 =	sadd.s32 s3, s1;
	s1 =	sand.u32 $0x1FFFFFF0, s10;
	s10 =	spop (v2sf)  }
0x223: {  	[tilespmem:s29], [sflag:$0x1] =	stream.linear.gather [hbm4b:s0+s2], $0x80, $0x38;
	[tilespmem:$0x10200] =	vst v63  }
0x224: {  	s0 =	sadd.s32 s3, s9;
	s9 =	sand.u32 $0x1FFFFFF0, s10;
	s10 =	spop (v2sf)  }
0x225: {  	[tilespmem:s25], [sflag:$0x1] =	stream.linear.gather [hbm4b:s0+s2], $0x80, $0x38;
	[tilespmem:$0x10200] =	vst v63  }
0x226: {  	s0 =	sadd.s32 s3, s1;
	s1 =	sand.u32 $0x1FFFFFF0, s10;
	s10 =	spop (v2sf)  }
0x227: {  	[tilespmem:s24], [sflag:$0x1] =	stream.linear.gather [hbm4b:s0+s2], $0x80, $0x38;
	[tilespmem:$0x10200] =	vst v63  }
0x228: {  	s0 =	sadd.s32 s3, s9;
	s9 =	sand.u32 $0x1FFFFFF0, s10;
	s10 =	spop (v2sf)  }
0x229: {  	[tilespmem:s22], [sflag:$0x1] =	stream.linear.gather [hbm4b:s0+s2], $0x80, $0x38;
	[tilespmem:$0x10200] =	vst v63  }
0x22a: {  	s0 =	sadd.s32 s3, s1;
	s1 =	sand.u32 $0x1FFFFFF0, s10  }
0x22b: {  	[tilespmem:s23], [sflag:$0x1] =	stream.linear.gather [hbm4b:s0+s2], $0x80, $0x38;
	[tilespmem:$0x10200] =	vst v63  }
0x22c: {  	s19 =	sadd.s32 $0x10, s19;
	s9 =	sadd.s32 s3, s9;
	s0 =	sadd.s32 $0x4900, s18  }
0x22d: {  	[tilespmem:s0], [sflag:$0x1] =	stream.linear.gather [hbm4b:s9+s2], $0x80, $0x38;
	[tilespmem:$0x10200] =	vst v63  }
0x22e: {  	s1 =	sadd.s32 s3, s1;
	s0 =	sadd.s32 $0x4980, s18  }
0x22f: {  	[tilespmem:s0], [sflag:$0x1] =	stream.linear.gather [hbm4b:s1+s2], $0x80, $0x38;
	[tilespmem:$0x10200] =	vst v63  }
0x230: {  	_ =	swait.ge [sflag:s16], $0x800  }
0x231: {  	[sflag:s16] =	ssyncset.done $0x0  }
0x232: {  	[sflag:s16] =	ssyncadd.s32 $0xFFFFF800  }
0x233: {  	v0 =	vld [tilespmem:s19+$0x0];
	_ =	sdelay $0x4  }
0x234: {  	v0 =	vshll.u32 v0, $0x4  }
0x235: {  	(v2sf) =	vpush v0, $0x0  }
0x236: {  	(v2sf) =	vpush v0, $0x1  }
0x237: {  	(v2sf) =	vpush v0, $0x2;
	_ =	sdelay $0x1  }
0x238: {  	(v2sf) =	vpush v0, $0x4  }
.Ltmp0:
0x239: {  	(pc) =	sbr.rel @p0 .LBB2_2-.Ltmp0, $3  }
0x23a: {  	(v2sf) =	vpush v0, $0x3  }
0x23b: {  	(v2sf) =	vpush v0, $0x5;
	_ =	sdelay $0x1  }
0x23c: {  	s18 =	sshra.s32 s21, $0x2;
	(v2sf) =	vpush v0, $0x6  }
0x23d: {  	_ =	sdelay $0x1  }
0x23e: {  	s0 =	sadd.s32 $0x4280, s18;
	s21 =	sadd.s32 $0x4780, s18  }
0x23f: {  	s1 =	sadd.s32 $0x4580, s18;
	s19 =	sadd.s32 $0x4800, s18;
	(v2sf) =	vpush v0, $0x7;
	s9 =	sadd.s32 $0x4480, s18  }
0x240: {  	s10 =	sadd.s32 $0x4600, s18;
	s20 =	sadd.s32 $0x4880, s18;
	s11 =	sadd.s32 $0x4200, s18  }
0x241: {  	s12 =	sadd.s32 $0x4400, s18;
	s13 =	sadd.s32 $0x4500, s18;
	(v2sf) =	vpush v0, $0x8;
	s22 =	spop (v2sf)  }
0x242: {  	s23 =	sadd.s32 $0x4300, s18;
	s22 =	sand.u32 $0x1FFFFFF0, s22;
	s24 =	spop (v2sf)  }
0x243: {  	(v2sf) =	vpush v0, $0x9;
	s22 =	sadd.s32 s3, s22;
	s24 =	sand.u32 $0x1FFFFFF0, s24;
	s25 =	spop (v2sf)  }
0x244: {  	[tilespmem:s11], [sflag:$0x1] =	stream.linear.gather [hbm4b:s22+s2], $0x80, $0x38;
	[tilespmem:$0x10200] =	vst v63  }
0x245: {  	(v2sf) =	vpush v0, $0xA;
	s26 =	sadd.s32 s3, s24;
	s29 =	sand.u32 $0x1FFFFFF0, s25;
	s28 =	spop (v2sf)  }
0x246: {  	[tilespmem:s0], [sflag:$0x1] =	stream.linear.gather [hbm4b:s26+s2], $0x80, $0x38;
	[tilespmem:$0x10200] =	vst v63  }
0x247: {  	s11 =	sadd.s32 $0x4700, s18;
	(v2sf) =	vpush v0, $0xB;
	s22 =	sadd.s32 s3, s29;
	s30 =	spop (v2sf)  }
0x248: {  	s0 =	sadd.s32 $0x4680, s18;
	s26 =	sadd.s32 $0x4380, s18;
	s25 =	sand.u32 $0x1FFFFFF0, s30  }
0x249: {  	(v2sf) =	vpush v0, $0xC;
	[tilespmem:s23], [sflag:$0x1] =	stream.linear.gather [hbm4b:s22+s2], $0x80, $0x38;
	[tilespmem:$0x10200] =	vst v63  }
0x24a: {  	s31 =	sand.u32 $0x1FFFFFF0, s28;
	s28 =	spop (v2sf);
	s29 =	sadd.s32 s3, s25  }
0x24b: {  	(v2sf) =	vpush v0, $0xD;
	[tilespmem:s26], [sflag:$0x1] =	stream.linear.gather [hbm4b:s29+s2], $0x80, $0x38;
	[tilespmem:$0x10200] =	vst v63  }
0x24c: {  	s22 =	sadd.s32 s3, s31;
	s23 =	sand.u32 $0x1FFFFFF0, s28;
	s30 =	spop (v2sf)  }
0x24d: {  	(v2sf) =	vpush v0, $0xE;
	[tilespmem:s12], [sflag:$0x1] =	stream.linear.gather [hbm4b:s22+s2], $0x80, $0x38;
	[tilespmem:$0x10200] =	vst v63  }
0x24e: {  	s23 =	sadd.s32 s3, s23;
	s31 =	sand.u32 $0x1FFFFFF0, s30;
	s24 =	spop (v2sf)  }
0x24f: {  	(v2sf) =	vpush v0, $0xF;
	[tilespmem:s9], [sflag:$0x1] =	stream.linear.gather [hbm4b:s23+s2], $0x80, $0x38;
	[tilespmem:$0x10200] =	vst v63  }
0x250: {  	s25 =	sand.u32 $0x1FFFFFF0, s24;
	s26 =	spop (v2sf);
	s12 =	sadd.s32 s3, s31  }
0x251: {  	[tilespmem:s13], [sflag:$0x1] =	stream.linear.gather [hbm4b:s12+s2], $0x80, $0x38;
	[tilespmem:$0x10200] =	vst v63  }
0x252: {  	s28 =	sand.u32 $0x1FFFFFF0, s26;
	s9 =	sadd.s32 s3, s25;
	s29 =	spop (v2sf)  }
0x253: {  	[tilespmem:s1], [sflag:$0x1] =	stream.linear.gather [hbm4b:s9+s2], $0x80, $0x38;
	[tilespmem:$0x10200] =	vst v63  }
0x254: {  	s12 =	sadd.s32 s3, s28;
	s30 =	sand.u32 $0x1FFFFFF0, s29;
	s31 =	spop (v2sf)  }
0x255: {  	[tilespmem:s10], [sflag:$0x1] =	stream.linear.gather [hbm4b:s12+s2], $0x80, $0x38;
	[tilespmem:$0x10200] =	vst v63  }
0x256: {  	s9 =	sand.u32 $0x1FFFFFF0, s31;
	s1 =	sadd.s32 s3, s30;
	s12 =	spop (v2sf)  }
0x257: {  	[tilespmem:s0], [sflag:$0x1] =	stream.linear.gather [hbm4b:s1+s2], $0x80, $0x38;
	[tilespmem:$0x10200] =	vst v63  }
0x258: {  	s9 =	sadd.s32 s3, s9;
	s13 =	sand.u32 $0x1FFFFFF0, s12;
	s22 =	spop (v2sf)  }
0x259: {  	[tilespmem:s11], [sflag:$0x1] =	stream.linear.gather [hbm4b:s9+s2], $0x80, $0x38;
	[tilespmem:$0x10200] =	vst v63  }
0x25a: {  	s0 =	sadd.s32 s3, s13;
	s1 =	sand.u32 $0x1FFFFFF0, s22;
	s23 =	spop (v2sf)  }
0x25b: {  	[tilespmem:s21], [sflag:$0x1] =	stream.linear.gather [hbm4b:s0+s2], $0x80, $0x38;
	[tilespmem:$0x10200] =	vst v63  }
0x25c: {  	s24 =	sand.u32 $0x1FFFFFF0, s23;
	s1 =	sadd.s32 s3, s1;
	s25 =	spop (v2sf)  }
0x25d: {  	[tilespmem:s19], [sflag:$0x1] =	stream.linear.gather [hbm4b:s1+s2], $0x80, $0x38;
	[tilespmem:$0x10200] =	vst v63  }
0x25e: {  	s26 =	sand.u32 $0x1FFFFFF0, s25;
	s28 =	spop (v2sf);
	s0 =	sadd.s32 s3, s24  }
0x25f: {  	[tilespmem:s20], [sflag:$0x1] =	stream.linear.gather [hbm4b:s0+s2], $0x80, $0x38;
	[tilespmem:$0x10200] =	vst v63  }
0x260: {  	s30 =	sadd.s32 $0x4900, s18;
	s29 =	sand.u32 $0x1FFFFFF0, s28;
	s1 =	sadd.s32 s3, s26  }
0x261: {  	[tilespmem:s30], [sflag:$0x1] =	stream.linear.gather [hbm4b:s1+s2], $0x80, $0x38;
	[tilespmem:$0x10200] =	vst v63  }
0x262: {  	s31 =	sadd.s32 $0x4980, s18;
	s0 =	sadd.s32 s3, s29  }
0x263: {  	[tilespmem:s31], [sflag:$0x1] =	stream.linear.gather [hbm4b:s0+s2], $0x80, $0x38;
	[tilespmem:$0x10200] =	vst v63  }
0x264: {  	_ =	swait.ge [sflag:s16], $0x800  }
0x265: {  	[sflag:s16] =	ssyncset.done $0x0  }
0x266: {  	[sflag:s16] =	ssyncadd.s32 $0xFFFFF800  }
0x267: {  	_ =	swait.ge [sflag:s16], $0x800  }
0x268: {  	[sflag:s16] =	ssyncset.done $0x0  }
0x269: {  	[sflag:s16] =	ssyncadd.s32 $0xFFFFF800  }
0x26a: {  	_ =	swait.ge [sflag:s16], $0x800  }
0x26b: {  	[sflag:s16] =	ssyncset.done $0x0  }
0x26c: {  	[sflag:s16] =	ssyncadd.s32 $0xFFFFF800  }
0x26d: {  	_ =	swait.ge [sflag:s16], $0x800  }
0x26e: {  	[sflag:s16] =	ssyncset.done $0x0  }
0x26f: {  	[sflag:s16] =	ssyncadd.s32 $0xFFFFF800  }
0x270: {  	_ =	swait.ge [sflag:s16], $0x800  }
0x271: {  	[sflag:s16] =	ssyncset.done $0x0  }
0x272: {  	[sflag:s16] =	ssyncadd.s32 $0xFFFFF800  }
0x273: {  	_ =	swait.ge [sflag:s16], $0x800  }
0x274: {  	[sflag:s16] =	ssyncset.done $0x0  }
0x275: {  	[sflag:s16] =	ssyncadd.s32 $0xFFFFF800  }
0x276: {  	_ =	swait.ge [sflag:s16], $0x800  }
0x277: {  	[sflag:s16] =	ssyncset.done $0x0  }
0x278: {  	[sflag:s16] =	ssyncadd.s32 $0xFFFFF800  }
0x279: {  	_ =	swait.ge [sflag:s16], $0x800  }
0x27a: {  	[sflag:s16] =	ssyncset.done $0x0  }
0x27b: {  	[sflag:s16] =	ssyncadd.s32 $0xFFFFF800  }
0x27c: {  	s17 =	sadd.s32 $0x1, s17;
	_ =	swait.ge [sflag:s16], $0x800  }
0x27d: {  	p0 =	sne.s32 s17, s6;
	[sflag:s16] =	ssyncset.done $0x0  }
.Ltmp1:
0x27e: {  	[sflag:s16] =	ssyncadd.s32 $0xFFFFF800;
	(pc) =	sbr.rel @p0 .LBB2_1-.Ltmp1, $4  }
0x27f: {  	[hbm4b:s5+s2] =	stream.linear.scatter [tilespmem:s8], [sflag:$0x2], $0x10000, $0x38;
	[tilespmem:$0x10200] =	vst v63  }
0x280: {  	_ =	swait.ge [sflag:s7], $0x10000  }
0x281: {  	[sflag:s7] =	ssyncset.done $0x0  }
0x282: {  	[sflag:s7] =	ssyncadd.s32 $0xFFFF0000  }
0x283: {  	_ =	sfence.sel $0x180000  }
0x284: {  	[bflag:$0x0] =	sbarrier.arrive $0xFFFF  }
0x285: {  	_ =	strace $0x90000047  }
0x286: {  	s0 =	stileid.u32;
	[bflag:$0x2] =	sbarrier.arrive $0xFFFF  }
0x287: {  	p0 =	sne.s32 s0, $0x0;
	s0 =	rddreg [dreg:$0x2]  }
0x288: {  	s0 =	sadd.s32 @!p0 $0x100000, s0  }
0x289: {  	[sflag:s0] =	ssyncadd.tile.s32 @!p0 $0x1;
	_ =	shalt  }
.Lfunc_end2:
_tile_overlayer_lowered:
.L_overlay_start_2:
0x28a: {  	(tag) =	ssettag $0x2  }
0x28b: {  	s0 =	rddreg [dreg:$0x0];
	s2 =	stileid.u32  }
0x28c: {  	s1 =	rddreg [dreg:$0x1];
	p0 =	sne.s32 s2, $0x0  }
0x28d: {  	s3 =	rddreg [dreg:$0x2];
	[bflag:$0x3] =	sbarrier.arrive $0xFFFF;
	s2 =	simm.s32 @!p0 $0x1C02  }
0x28e: {  	[timem:s3], [sflag:s2] =	dma.local @!p0 [hbm:s0], s1  }
0x28f: {  	s0 =	simm.s32 @!p0 $0x2  }
0x290: {  	_ =	swait.ge @!p0 [sflag:s0], s1  }
0x291: {  	s1 =	ssub.s32 @!p0 $0x0, s1;
	[sflag:s0] =	ssyncset.done @!p0 $0x0  }
0x292: {  	[sflag:s0] =	ssyncadd.s32 @!p0 s1  }
0x293: {  	[bflag:$0x3] =	sbarrier.arrive $0xFFFF  }
0x294: {  	_ =	shalt  }

</sc_bundles>
